<compile_context>
chip_gen: v7x
topology: tpu7x:2x2x1
jax: 0.10.2.dev20260603
libtpu: 0.0.44.dev20260713+nightly
codegen_flags: <defaults>
</compile_context>

<pallas_src>
import jax
import jax.numpy as jnp
from jax import lax
from jax.experimental import pallas as pl
from jax.experimental.pallas import tpu as pltpu
from jax.experimental.pallas import tpu_sc as plsc

N = 10000
E = 320000
DF = 128
DH = 64
NC = 2
NS = 16
NW = NC * NS
EPW = E // NW
K = 80
NCH = EPW // K
RPT = 624
REM = N - NS * RPT
NB = 5
PF = 4
NP = NCH // NB
BR = 2000
GRID = N // BR

_MESH = plsc.VectorSubcoreMesh(
    core_axis_name="c", subcore_axis_name="s", num_cores=NC, num_subcores=NS
)


def _segsum_body(msgs, edges, zin, out, acc, idx_s, idx_d, *rest):
    c = lax.axis_index("c")
    s = lax.axis_index("s")
    wid = s * NC + c
    bufs = rest[:NB]
    gsems = rest[NB:2 * NB]
    ssems = rest[2 * NB:3 * NB]
    pltpu.sync_copy(zin, acc.at[pl.ds(s * RPT, RPT)])

    @pl.when(s == 0)
    def _():
        pltpu.sync_copy(zin.at[pl.ds(0, REM)], acc.at[pl.ds(NS * RPT, REM)])

    pltpu.sync_copy(edges.at[0, wid], idx_s)
    pltpu.sync_copy(edges.at[1, wid], idx_d)
    plsc.subcore_barrier()

    for b in range(PF):
        pltpu.async_copy(msgs.at[idx_s.at[b]], bufs[b], gsems[b])

    def step(p, carry):
        for b in range(NB):
            j = NB * p + b
            pltpu.make_async_copy(msgs.at[idx_s.at[j]], bufs[b], gsems[b]).wait()
            pltpu.async_copy(bufs[b], acc.at[idx_d.at[j]], ssems[b], add=True)
            nb2 = (b + PF) % NB
            jn = j + PF

            @pl.when(jnp.logical_and(jn >= NB, jn < NCH))
            def _():
                pltpu.make_async_copy(bufs[nb2], acc.at[idx_d.at[jn - NB]],
                                      ssems[nb2]).wait()

            @pl.when(jn < NCH)
            def _():
                pltpu.async_copy(msgs.at[idx_s.at[jn]], bufs[nb2], gsems[nb2])

        return carry

    lax.fori_loop(0, NP, step, 0)
    for b in range(NB):
        pltpu.make_async_copy(bufs[b], acc.at[idx_d.at[NCH - NB + b]],
                              ssems[b]).wait()
    plsc.subcore_barrier()
    pltpu.sync_copy(acc.at[pl.ds(s * RPT, RPT)],
                    out.at[pl.ds(s * RPT, RPT), pl.ds(DH * c, DH)])

    @pl.when(s == 0)
    def _():
        pltpu.sync_copy(acc.at[pl.ds(NS * RPT, REM)],
                        out.at[pl.ds(NS * RPT, REM), pl.ds(DH * c, DH)])


_segsum = pl.kernel(
    _segsum_body,
    out_type=jax.ShapeDtypeStruct((N, DF), jnp.float32),
    mesh=_MESH,
    scratch_types=[
        pltpu.VMEM_SHARED((N, DH), jnp.float32),
        pltpu.VMEM((NCH, K), jnp.int32),
        pltpu.VMEM((NCH, K), jnp.int32),
    ] + [pltpu.VMEM((K, DH), jnp.float32)] * NB
      + [pltpu.SemaphoreType.DMA] * (2 * NB),
    compiler_params=pltpu.CompilerParams(use_tc_tiling_on_sc=False),
)


def _deg_body(edges, zdeg, out, deg_o, deg_i, idx_s, idx_d, ones_b,
              dsem_o, dsem_i):
    c = lax.axis_index("c")
    s = lax.axis_index("s")
    wid = s * NC + c
    pltpu.sync_copy(zdeg, deg_o.at[pl.ds(s * RPT, RPT)])
    pltpu.sync_copy(zdeg, deg_i.at[pl.ds(s * RPT, RPT)])

    @pl.when(s == 0)
    def _():
        pltpu.sync_copy(zdeg.at[pl.ds(0, REM)], deg_o.at[pl.ds(NS * RPT, REM)])
        pltpu.sync_copy(zdeg.at[pl.ds(0, REM)], deg_i.at[pl.ds(NS * RPT, REM)])

    pltpu.sync_copy(edges.at[0, wid], idx_s)
    pltpu.sync_copy(edges.at[1, wid], idx_d)
    for t in range(K // 16):
        ones_b[pl.ds(t * 16, 16)] = jnp.ones((16,), jnp.float32)
    plsc.subcore_barrier()

    DPF = 4

    def chunk(j, carry):
        @pl.when(j >= DPF)
        def _():
            pltpu.make_async_copy(ones_b, deg_o.at[idx_s.at[j - DPF]],
                                  dsem_o).wait()
            pltpu.make_async_copy(ones_b, deg_i.at[idx_d.at[j - DPF]],
                                  dsem_i).wait()

        pltpu.async_copy(ones_b, deg_o.at[idx_s.at[j]], dsem_o, add=True)
        pltpu.async_copy(ones_b, deg_i.at[idx_d.at[j]], dsem_i, add=True)
        return carry

    lax.fori_loop(0, NCH, chunk, 0)
    for t in range(DPF):
        pltpu.make_async_copy(ones_b, deg_o.at[idx_s.at[NCH - DPF + t]],
                              dsem_o).wait()
        pltpu.make_async_copy(ones_b, deg_i.at[idx_d.at[NCH - DPF + t]],
                              dsem_i).wait()
    plsc.subcore_barrier()
    @pl.when(s < GRID)
    def _():
        pltpu.sync_copy(deg_o.at[pl.ds(s * BR, BR)], out.at[s, 2 * c])
        pltpu.sync_copy(deg_i.at[pl.ds(s * BR, BR)], out.at[s, 2 * c + 1])


_deg = pl.kernel(
    _deg_body,
    out_type=jax.ShapeDtypeStruct((GRID, 4, BR), jnp.float32),
    mesh=_MESH,
    scratch_types=[
        pltpu.VMEM_SHARED((N,), jnp.float32),
        pltpu.VMEM_SHARED((N,), jnp.float32),
        pltpu.VMEM((NCH, K), jnp.int32),
        pltpu.VMEM((NCH, K), jnp.int32),
        pltpu.VMEM((K,), jnp.float32),
        pltpu.SemaphoreType.DMA,
        pltpu.SemaphoreType.DMA,
    ],
    compiler_params=pltpu.CompilerParams(use_tc_tiling_on_sc=False),
)


def _col(v):
    return lax.dot_general(v, jnp.ones((1, 1), jnp.float32),
                           (((0,), (0,)), ((), ())),
                           preferred_element_type=jnp.float32,
                           precision=lax.Precision.HIGHEST)


def _deg_rows(dp_ref):
    r = dp_ref[0]
    return r[0:1, :] + r[2:3, :], r[1:2, :] + r[3:4, :]


_DP_SPEC = pl.BlockSpec((1, 4, BR), lambda i: (i, 0, 0))


def _tc_a_body(x_ref, w1_ref, dp_ref, h1_ref):
    dego, _ = _deg_rows(dp_ref)
    ns = _col(lax.rsqrt(jnp.maximum(dego, 1.0)))
    h = jnp.dot(x_ref[...], w1_ref[...],
                preferred_element_type=jnp.float32,
                precision=lax.Precision.HIGHEST)
    h1_ref[...] = h * ns


_tc_a = pl.pallas_call(
    _tc_a_body,
    grid=(GRID,),
    in_specs=[
        pl.BlockSpec((BR, DF), lambda i: (i, 0)),
        pl.BlockSpec((DF, DH), lambda i: (0, 0)),
        _DP_SPEC,
    ],
    out_specs=pl.BlockSpec((BR, DH), lambda i: (i, 0)),
    out_shape=jax.ShapeDtypeStruct((N, DH), jnp.float32),
)


def _tc_b_body(p_ref, dp_ref, h2_ref):
    dego, degi = _deg_rows(dp_ref)
    nn = _col(lax.rsqrt(jnp.maximum(dego, 1.0))
              * lax.rsqrt(jnp.maximum(degi, 1.0)))
    agg = p_ref[:, 0:DH] + p_ref[:, DH:DF]
    h2_ref[...] = jnp.maximum(agg, 0.0) * nn


_tc_b = pl.pallas_call(
    _tc_b_body,
    grid=(GRID,),
    in_specs=[
        pl.BlockSpec((BR, DF), lambda i: (i, 0)),
        _DP_SPEC,
    ],
    out_specs=pl.BlockSpec((BR, DH), lambda i: (i, 0)),
    out_shape=jax.ShapeDtypeStruct((N, DH), jnp.float32),
)


def _tc_c_body(p_ref, w2_ref, dp_ref, out_ref):
    _, degi = _deg_rows(dp_ref)
    nd = _col(lax.rsqrt(jnp.maximum(degi, 1.0)))
    agg = p_ref[:, 0:DH] + p_ref[:, DH:DF]
    out_ref[...] = jnp.dot(agg, w2_ref[...],
                           preferred_element_type=jnp.float32,
                           precision=lax.Precision.HIGHEST) * nd


_tc_c = pl.pallas_call(
    _tc_c_body,
    grid=(GRID,),
    in_specs=[
        pl.BlockSpec((BR, DF), lambda i: (i, 0)),
        pl.BlockSpec((DH, DF), lambda i: (0, 0)),
        _DP_SPEC,
    ],
    out_specs=pl.BlockSpec((BR, DF), lambda i: (i, 0)),
    out_shape=jax.ShapeDtypeStruct((N, DF), jnp.float32),
)


def kernel(features, edge_index, W1, W2):
    edges = edge_index.astype(jnp.int32).reshape(2, NW, NCH, K)
    zin = jnp.zeros((RPT, DH), jnp.float32)
    zdeg = jnp.zeros((RPT,), jnp.float32)
    degp = _deg(edges, zdeg)
    h1 = _tc_a(features, W1, degp)
    p1 = _segsum(h1, edges, zin)
    h2 = _tc_b(p1, degp)
    p2 = _segsum(h2, edges, zin)
    return _tc_c(p2, W2, degp)

# --- scband reference (transcript-rebuilt; emitter-appended) ---
"""Pipeline reference for scband-gcnae-25907242729573 (READ-ONLY COPY).

The authoritative reference and input builder live on the scoring server;
editing this copy changes nothing except your own understanding.
"""

import jax, jax.numpy as jnp
import numpy as np

N_NODES = 10000
N_EDGES = 320000
D_FEAT = 128
D_HID = 64


def _graph_conv(x, src, dst, W):
    # Faithful JAX translation of DGL GraphConv(norm='both', bias=False)
    n = x.shape[0]
    deg_out = jnp.clip(jnp.zeros((n,), x.dtype).at[src].add(1.0), 1.0, None)
    deg_in = jnp.clip(jnp.zeros((n,), x.dtype).at[dst].add(1.0), 1.0, None)
    norm_src = deg_out ** -0.5
    norm_dst = deg_in ** -0.5
    h = x * norm_src[:, None]
    if W.shape[0] > W.shape[1]:
        # mult W first to reduce message dim (DGL's in_feats > out_feats branch)
        h = h @ W
        agg = jnp.zeros((n, h.shape[1]), h.dtype).at[dst].add(h[src])
    else:
        agg = jnp.zeros((n, h.shape[1]), h.dtype).at[dst].add(h[src])
        agg = agg @ W
    return agg * norm_dst[:, None]


def setup_inputs(seed: int = 0) -> dict:
    key = jax.random.key(seed)
    k1, k2, k3, k4 = jax.random.split(key, 4)
    features = jax.random.normal(k1, (N_NODES, D_FEAT), dtype=jnp.float32)
    edge_index = jax.random.randint(k2, (2, N_EDGES), 0, N_NODES, dtype=jnp.int64)
    # GraphConv weights (glorot-like scale), bias=False
    W1 = jax.random.normal(k3, (D_FEAT, D_HID), dtype=jnp.float32) * (1.0 / np.sqrt(D_FEAT))
    W2 = jax.random.normal(k4, (D_HID, D_FEAT), dtype=jnp.float32) * (1.0 / np.sqrt(D_HID))
    return {"features": features, "edge_index": edge_index, "W1": W1, "W2": W2}


def reference(features, edge_index, W1, W2):
    src = edge_index[0]
    dst = edge_index[1]
    # layer 1: GraphConv(feat_size -> hidden) + relu activation
    h = _graph_conv(features, src, dst, W1)
    h = jax.nn.relu(h)
    # dropout p=0.0 (eval) -> identity
    # layer 2: GraphConv(hidden -> feat_size), no activation
    h = _graph_conv(h, src, dst, W2)
    return h

if __name__ == "__main__":
    import jax
    _d = setup_inputs()
    print(jax.jit(kernel)(*tuple(_d.values())))

</pallas_src>

<mosaic_0001>
#map = affine_map<(d0, d1) -> (0, 0)>
#map1 = affine_map<(d0, d1) -> (0, 0, 0, 0)>
module attributes {stable_mosaic.version = 14 : i64} {
  func.func @_segsum_body(%arg0: i32, %arg1: i32, %arg2: memref<10000x64xf32, #tpu.memory_space<hbm>>, %arg3: memref<2x32x125x80xi32, #tpu.memory_space<hbm>>, %arg4: memref<624x64xf32, #tpu.memory_space<hbm>>, %arg5: memref<10000x128xf32, #tpu.memory_space<hbm>>, %arg6: memref<10000x64xf32, #tpu.memory_space<vmem_shared>>, %arg7: memref<125x80xi32, #tpu.memory_space<vmem>>, %arg8: memref<125x80xi32, #tpu.memory_space<vmem>>, %arg9: memref<80x64xf32, #tpu.memory_space<vmem>>, %arg10: memref<80x64xf32, #tpu.memory_space<vmem>>, %arg11: memref<80x64xf32, #tpu.memory_space<vmem>>, %arg12: memref<80x64xf32, #tpu.memory_space<vmem>>, %arg13: memref<80x64xf32, #tpu.memory_space<vmem>>, %arg14: memref<!tpu.dma_semaphore, #tpu.memory_space<semaphore_mem>>, %arg15: memref<!tpu.dma_semaphore, #tpu.memory_space<semaphore_mem>>, %arg16: memref<!tpu.dma_semaphore, #tpu.memory_space<semaphore_mem>>, %arg17: memref<!tpu.dma_semaphore, #tpu.memory_space<semaphore_mem>>, %arg18: memref<!tpu.dma_semaphore, #tpu.memory_space<semaphore_mem>>, %arg19: memref<!tpu.dma_semaphore, #tpu.memory_space<semaphore_mem>>, %arg20: memref<!tpu.dma_semaphore, #tpu.memory_space<semaphore_mem>>, %arg21: memref<!tpu.dma_semaphore, #tpu.memory_space<semaphore_mem>>, %arg22: memref<!tpu.dma_semaphore, #tpu.memory_space<semaphore_mem>>, %arg23: memref<!tpu.dma_semaphore, #tpu.memory_space<semaphore_mem>>) attributes {dimension_semantics = [#tpu.dimension_semantics<core_parallel>, #tpu.dimension_semantics<subcore_parallel>], iteration_bounds = array<i64: 2, 16>, scalar_prefetch = 0 : i64, scratch_operands = 18 : i64, tpu.core_type = #tpu.core_type<sc_vector_subcore>, window_params = [{transform_indices = #map}, {transform_indices = #map1}, {transform_indices = #map}, {transform_indices = #map}]} {
    %mul3A = arith.constant 2 : i32
    %mul3A_0 = arith.muli %arg1, %mul3A : i32
    %add3A = arith.addi %mul3A_0, %arg0 : i32
    %mul3A_1 = arith.constant 624 : i32
    %mul3A_2 = arith.muli %arg1, %mul3A_1 : i32
    "tpu.region"() ({
      %run_scoped3A_84 = tpu.sem_alloc : memref<!tpu.dma_semaphore, #tpu.memory_space<semaphore_mem>>
      %dma_start3A_85 = arith.constant 0 : i32
      %dma_start3A_86 = tpu.memref_slice %arg6[%mul3A_2, %dma_start3A_85] : memref<10000x64xf32, #tpu.memory_space<vmem_shared>> -> memref<624x64xf32, #tpu.memory_space<vmem_shared>>
      tpu.enqueue_dma source(%arg4 : memref<624x64xf32, #tpu.memory_space<hbm>>) target(%dma_start3A_86 : memref<624x64xf32, #tpu.memory_space<vmem_shared>>) target_semaphore(%run_scoped3A_84 : memref<!tpu.dma_semaphore, #tpu.memory_space<semaphore_mem>>)
      %dma_wait3A_87 = arith.constant 0 : i32
      %dma_wait3A_88 = tpu.memref_slice %arg6[%mul3A_2, %dma_wait3A_87] : memref<10000x64xf32, #tpu.memory_space<vmem_shared>> -> memref<624x64xf32, #tpu.memory_space<vmem_shared>>
      tpu.wait_dma2 semaphore(%run_scoped3A_84 : memref<!tpu.dma_semaphore, #tpu.memory_space<semaphore_mem>>) src(%arg4 : memref<624x64xf32, #tpu.memory_space<hbm>>) dst(%dma_wait3A_88 : memref<624x64xf32, #tpu.memory_space<vmem_shared>>)
      tpu.yield
    }) : () -> ()
    %eq3A = arith.constant 0 : i32
    %eq3A_3 = arith.cmpi eq, %arg1, %eq3A : i32
    %convert_element_type3A = arith.extui %eq3A_3 : i1 to i32
    %cond3A = arith.constant 0 : i32
    %cond3A_4 = arith.cmpi ne, %convert_element_type3A, %cond3A : i32
    scf.if %cond3A_4 {
      "tpu.region"() ({
        %run_scoped3A_84 = tpu.sem_alloc : memref<!tpu.dma_semaphore, #tpu.memory_space<semaphore_mem>>
        %dma_start3A_85 = arith.constant 9984 : i32
        %dma_start3A_86 = arith.constant 0 : i32
        %dma_start3A_87 = tpu.memref_slice %arg6[%dma_start3A_85, %dma_start3A_86] : memref<10000x64xf32, #tpu.memory_space<vmem_shared>> -> memref<16x64xf32, #tpu.memory_space<vmem_shared>>
        %dma_start3A_88 = arith.constant 0 : i32
        %dma_start3A_89 = arith.constant 0 : i32
        %dma_start3A_90 = tpu.memref_slice %arg4[%dma_start3A_88, %dma_start3A_89] : memref<624x64xf32, #tpu.memory_space<hbm>> -> memref<16x64xf32, #tpu.memory_space<hbm>>
        tpu.enqueue_dma source(%dma_start3A_90 : memref<16x64xf32, #tpu.memory_space<hbm>>) target(%dma_start3A_87 : memref<16x64xf32, #tpu.memory_space<vmem_shared>>) target_semaphore(%run_scoped3A_84 : memref<!tpu.dma_semaphore, #tpu.memory_space<semaphore_mem>>)
        %dma_wait3A_91 = arith.constant 9984 : i32
        %dma_wait3A_92 = arith.constant 0 : i32
        %dma_wait3A_93 = tpu.memref_slice %arg6[%dma_wait3A_91, %dma_wait3A_92] : memref<10000x64xf32, #tpu.memory_space<vmem_shared>> -> memref<16x64xf32, #tpu.memory_space<vmem_shared>>
        %dma_wait3A_94 = arith.constant 0 : i32
        %dma_wait3A_95 = arith.constant 0 : i32
        %dma_wait3A_96 = tpu.memref_slice %arg4[%dma_wait3A_94, %dma_wait3A_95] : memref<624x64xf32, #tpu.memory_space<hbm>> -> memref<16x64xf32, #tpu.memory_space<hbm>>
        tpu.wait_dma2 semaphore(%run_scoped3A_84 : memref<!tpu.dma_semaphore, #tpu.memory_space<semaphore_mem>>) src(%dma_wait3A_96 : memref<16x64xf32, #tpu.memory_space<hbm>>) dst(%dma_wait3A_93 : memref<16x64xf32, #tpu.memory_space<vmem_shared>>)
        tpu.yield
      }) : () -> ()
    } else {
    }
    %run_scoped3A = arith.constant 0 : i32
    "tpu.region"() ({
      %run_scoped3A_84 = tpu.sem_alloc : memref<!tpu.dma_semaphore, #tpu.memory_space<semaphore_mem>>
      %dma_start3A_85 = arith.constant 0 : i32
      %dma_start3A_86 = arith.constant 0 : i32
      %dma_start3A_87 = tpu.memref_slice %arg3[%run_scoped3A, %add3A, %dma_start3A_85, %dma_start3A_86] : memref<2x32x125x80xi32, #tpu.memory_space<hbm>> -> memref<1x1x125x80xi32, #tpu.memory_space<hbm>>
      %dma_start3A_88 = tpu.memref_squeeze %dma_start3A_87 : memref<1x1x125x80xi32, #tpu.memory_space<hbm>> -> memref<125x80xi32, #tpu.memory_space<hbm>>
      %dma_start3A_89 = arith.constant 0 : i32
      %dma_start3A_90 = arith.constant 0 : i32
      %dma_start3A_91 = tpu.memref_slice %arg3[%run_scoped3A, %add3A, %dma_start3A_89, %dma_start3A_90] : memref<2x32x125x80xi32, #tpu.memory_space<hbm>> -> memref<1x1x125x80xi32, #tpu.memory_space<hbm>>
      %dma_start3A_92 = tpu.memref_squeeze %dma_start3A_91 : memref<1x1x125x80xi32, #tpu.memory_space<hbm>> -> memref<125x80xi32, #tpu.memory_space<hbm>>
      tpu.enqueue_dma source(%dma_start3A_92 : memref<125x80xi32, #tpu.memory_space<hbm>>) target(%arg7 : memref<125x80xi32, #tpu.memory_space<vmem>>) target_semaphore(%run_scoped3A_84 : memref<!tpu.dma_semaphore, #tpu.memory_space<semaphore_mem>>)
      %dma_wait3A_93 = arith.constant 0 : i32
      %dma_wait3A_94 = arith.constant 0 : i32
      %dma_wait3A_95 = tpu.memref_slice %arg3[%run_scoped3A, %add3A, %dma_wait3A_93, %dma_wait3A_94] : memref<2x32x125x80xi32, #tpu.memory_space<hbm>> -> memref<1x1x125x80xi32, #tpu.memory_space<hbm>>
      %dma_wait3A_96 = tpu.memref_squeeze %dma_wait3A_95 : memref<1x1x125x80xi32, #tpu.memory_space<hbm>> -> memref<125x80xi32, #tpu.memory_space<hbm>>
      %dma_wait3A_97 = arith.constant 0 : i32
      %dma_wait3A_98 = arith.constant 0 : i32
      %dma_wait3A_99 = tpu.memref_slice %arg3[%run_scoped3A, %add3A, %dma_wait3A_97, %dma_wait3A_98] : memref<2x32x125x80xi32, #tpu.memory_space<hbm>> -> memref<1x1x125x80xi32, #tpu.memory_space<hbm>>
      %dma_wait3A_100 = tpu.memref_squeeze %dma_wait3A_99 : memref<1x1x125x80xi32, #tpu.memory_space<hbm>> -> memref<125x80xi32, #tpu.memory_space<hbm>>
      tpu.wait_dma2 semaphore(%run_scoped3A_84 : memref<!tpu.dma_semaphore, #tpu.memory_space<semaphore_mem>>) src(%dma_wait3A_100 : memref<125x80xi32, #tpu.memory_space<hbm>>) dst(%arg7 : memref<125x80xi32, #tpu.memory_space<vmem>>)
      tpu.yield
    }) : () -> ()
    %run_scoped3A_5 = arith.constant 1 : i32
    "tpu.region"() ({
      %run_scoped3A_84 = tpu.sem_alloc : memref<!tpu.dma_semaphore, #tpu.memory_space<semaphore_mem>>
      %dma_start3A_85 = arith.constant 0 : i32
      %dma_start3A_86 = arith.constant 0 : i32
      %dma_start3A_87 = tpu.memref_slice %arg3[%run_scoped3A_5, %add3A, %dma_start3A_85, %dma_start3A_86] : memref<2x32x125x80xi32, #tpu.memory_space<hbm>> -> memref<1x1x125x80xi32, #tpu.memory_space<hbm>>
      %dma_start3A_88 = tpu.memref_squeeze %dma_start3A_87 : memref<1x1x125x80xi32, #tpu.memory_space<hbm>> -> memref<125x80xi32, #tpu.memory_space<hbm>>
      %dma_start3A_89 = arith.constant 0 : i32
      %dma_start3A_90 = arith.constant 0 : i32
      %dma_start3A_91 = tpu.memref_slice %arg3[%run_scoped3A_5, %add3A, %dma_start3A_89, %dma_start3A_90] : memref<2x32x125x80xi32, #tpu.memory_space<hbm>> -> memref<1x1x125x80xi32, #tpu.memory_space<hbm>>
      %dma_start3A_92 = tpu.memref_squeeze %dma_start3A_91 : memref<1x1x125x80xi32, #tpu.memory_space<hbm>> -> memref<125x80xi32, #tpu.memory_space<hbm>>
      tpu.enqueue_dma source(%dma_start3A_92 : memref<125x80xi32, #tpu.memory_space<hbm>>) target(%arg8 : memref<125x80xi32, #tpu.memory_space<vmem>>) target_semaphore(%run_scoped3A_84 : memref<!tpu.dma_semaphore, #tpu.memory_space<semaphore_mem>>)
      %dma_wait3A_93 = arith.constant 0 : i32
      %dma_wait3A_94 = arith.constant 0 : i32
      %dma_wait3A_95 = tpu.memref_slice %arg3[%run_scoped3A_5, %add3A, %dma_wait3A_93, %dma_wait3A_94] : memref<2x32x125x80xi32, #tpu.memory_space<hbm>> -> memref<1x1x125x80xi32, #tpu.memory_space<hbm>>
      %dma_wait3A_96 = tpu.memref_squeeze %dma_wait3A_95 : memref<1x1x125x80xi32, #tpu.memory_space<hbm>> -> memref<125x80xi32, #tpu.memory_space<hbm>>
      %dma_wait3A_97 = arith.constant 0 : i32
      %dma_wait3A_98 = arith.constant 0 : i32
      %dma_wait3A_99 = tpu.memref_slice %arg3[%run_scoped3A_5, %add3A, %dma_wait3A_97, %dma_wait3A_98] : memref<2x32x125x80xi32, #tpu.memory_space<hbm>> -> memref<1x1x125x80xi32, #tpu.memory_space<hbm>>
      %dma_wait3A_100 = tpu.memref_squeeze %dma_wait3A_99 : memref<1x1x125x80xi32, #tpu.memory_space<hbm>> -> memref<125x80xi32, #tpu.memory_space<hbm>>
      tpu.wait_dma2 semaphore(%run_scoped3A_84 : memref<!tpu.dma_semaphore, #tpu.memory_space<semaphore_mem>>) src(%dma_wait3A_100 : memref<125x80xi32, #tpu.memory_space<hbm>>) dst(%arg8 : memref<125x80xi32, #tpu.memory_space<vmem>>)
      tpu.yield
    }) : () -> ()
    %barrier3A = arith.constant 0 : index
    tpu.barrier barrier_id(%barrier3A)
    %dma_start3A = arith.constant 0 : i32
    %dma_start3A_6 = arith.constant 0 : i32
    %dma_start3A_7 = tpu.memref_slice %arg7[%dma_start3A, %dma_start3A_6] : memref<125x80xi32, #tpu.memory_space<vmem>> -> memref<1x80xi32, #tpu.memory_space<vmem>>
    %dma_start3A_8 = tpu.memref_squeeze %dma_start3A_7 : memref<1x80xi32, #tpu.memory_space<vmem>> -> memref<80xi32, #tpu.memory_space<vmem>>
    %dma_start3A_9 = arith.constant 0 : i32
    %dma_start3A_10 = arith.constant 0 : i32
    %dma_start3A_11 = tpu.memref_slice %arg2[%dma_start3A_9, %dma_start3A_10] : memref<10000x64xf32, #tpu.memory_space<hbm>> -> memref<10000x64xf32, #tpu.memory_space<hbm>>
    tpu.enqueue_indirect_dma source(%dma_start3A_11 : memref<10000x64xf32, #tpu.memory_space<hbm>>) target(%arg9 : memref<80x64xf32, #tpu.memory_space<vmem>>) offsets(%dma_start3A_8 : memref<80xi32, #tpu.memory_space<vmem>>) semaphore(%arg14 : memref<!tpu.dma_semaphore, #tpu.memory_space<semaphore_mem>>)
    %dma_start3A_12 = arith.constant 1 : i32
    %dma_start3A_13 = arith.constant 0 : i32
    %dma_start3A_14 = tpu.memref_slice %arg7[%dma_start3A_12, %dma_start3A_13] : memref<125x80xi32, #tpu.memory_space<vmem>> -> memref<1x80xi32, #tpu.memory_space<vmem>>
    %dma_start3A_15 = tpu.memref_squeeze %dma_start3A_14 : memref<1x80xi32, #tpu.memory_space<vmem>> -> memref<80xi32, #tpu.memory_space<vmem>>
    %dma_start3A_16 = arith.constant 0 : i32
    %dma_start3A_17 = arith.constant 0 : i32
    %dma_start3A_18 = tpu.memref_slice %arg2[%dma_start3A_16, %dma_start3A_17] : memref<10000x64xf32, #tpu.memory_space<hbm>> -> memref<10000x64xf32, #tpu.memory_space<hbm>>
    tpu.enqueue_indirect_dma source(%dma_start3A_18 : memref<10000x64xf32, #tpu.memory_space<hbm>>) target(%arg10 : memref<80x64xf32, #tpu.memory_space<vmem>>) offsets(%dma_start3A_15 : memref<80xi32, #tpu.memory_space<vmem>>) semaphore(%arg15 : memref<!tpu.dma_semaphore, #tpu.memory_space<semaphore_mem>>)
    %dma_start3A_19 = arith.constant 2 : i32
    %dma_start3A_20 = arith.constant 0 : i32
    %dma_start3A_21 = tpu.memref_slice %arg7[%dma_start3A_19, %dma_start3A_20] : memref<125x80xi32, #tpu.memory_space<vmem>> -> memref<1x80xi32, #tpu.memory_space<vmem>>
    %dma_start3A_22 = tpu.memref_squeeze %dma_start3A_21 : memref<1x80xi32, #tpu.memory_space<vmem>> -> memref<80xi32, #tpu.memory_space<vmem>>
    %dma_start3A_23 = arith.constant 0 : i32
    %dma_start3A_24 = arith.constant 0 : i32
    %dma_start3A_25 = tpu.memref_slice %arg2[%dma_start3A_23, %dma_start3A_24] : memref<10000x64xf32, #tpu.memory_space<hbm>> -> memref<10000x64xf32, #tpu.memory_space<hbm>>
    tpu.enqueue_indirect_dma source(%dma_start3A_25 : memref<10000x64xf32, #tpu.memory_space<hbm>>) target(%arg11 : memref<80x64xf32, #tpu.memory_space<vmem>>) offsets(%dma_start3A_22 : memref<80xi32, #tpu.memory_space<vmem>>) semaphore(%arg16 : memref<!tpu.dma_semaphore, #tpu.memory_space<semaphore_mem>>)
    %dma_start3A_26 = arith.constant 3 : i32
    %dma_start3A_27 = arith.constant 0 : i32
    %dma_start3A_28 = tpu.memref_slice %arg7[%dma_start3A_26, %dma_start3A_27] : memref<125x80xi32, #tpu.memory_space<vmem>> -> memref<1x80xi32, #tpu.memory_space<vmem>>
    %dma_start3A_29 = tpu.memref_squeeze %dma_start3A_28 : memref<1x80xi32, #tpu.memory_space<vmem>> -> memref<80xi32, #tpu.memory_space<vmem>>
    %dma_start3A_30 = arith.constant 0 : i32
    %dma_start3A_31 = arith.constant 0 : i32
    %dma_start3A_32 = tpu.memref_slice %arg2[%dma_start3A_30, %dma_start3A_31] : memref<10000x64xf32, #tpu.memory_space<hbm>> -> memref<10000x64xf32, #tpu.memory_space<hbm>>
    tpu.enqueue_indirect_dma source(%dma_start3A_32 : memref<10000x64xf32, #tpu.memory_space<hbm>>) target(%arg12 : memref<80x64xf32, #tpu.memory_space<vmem>>) offsets(%dma_start3A_29 : memref<80xi32, #tpu.memory_space<vmem>>) semaphore(%arg17 : memref<!tpu.dma_semaphore, #tpu.memory_space<semaphore_mem>>)
    %scan3A = arith.constant 0 : i32
    %scan3A_33 = arith.constant 0 : i32
    %scan3A_34 = arith.constant 25 : i32
    %scan3A_35 = arith.addi %scan3A_33, %scan3A_34 : i32
    %scan3A_36 = arith.constant 1 : i32
    scf.for %scan3A_84 = %scan3A_33 to %scan3A_35 step %scan3A_36  : i32 {
      %mul3A_85 = arith.constant 5 : i32
      %mul3A_86 = arith.muli %mul3A_85, %scan3A_84 : i32
      %add3A_87 = arith.constant 0 : i32
      %add3A_88 = arith.addi %mul3A_86, %add3A_87 : i32
      %dma_wait3A_89 = arith.constant 0 : i32
      %dma_wait3A_90 = tpu.memref_slice %arg7[%add3A_88, %dma_wait3A_89] : memref<125x80xi32, #tpu.memory_space<vmem>> -> memref<1x80xi32, #tpu.memory_space<vmem>>
      %dma_wait3A_91 = tpu.memref_squeeze %dma_wait3A_90 : memref<1x80xi32, #tpu.memory_space<vmem>> -> memref<80xi32, #tpu.memory_space<vmem>>
      %dma_wait3A_92 = arith.constant 0 : i32
      %dma_wait3A_93 = arith.constant 0 : i32
      %dma_wait3A_94 = tpu.memref_slice %arg2[%dma_wait3A_92, %dma_wait3A_93] : memref<10000x64xf32, #tpu.memory_space<hbm>> -> memref<10000x64xf32, #tpu.memory_space<hbm>>
      tpu.wait_indirect_dma semaphore(%arg14 : memref<!tpu.dma_semaphore, #tpu.memory_space<semaphore_mem>>) src(%dma_wait3A_94 : memref<10000x64xf32, #tpu.memory_space<hbm>>) dst(%arg9 : memref<80x64xf32, #tpu.memory_space<vmem>>)
      %dma_start3A_95 = arith.constant 0 : i32
      %dma_start3A_96 = tpu.memref_slice %arg8[%add3A_88, %dma_start3A_95] : memref<125x80xi32, #tpu.memory_space<vmem>> -> memref<1x80xi32, #tpu.memory_space<vmem>>
      %dma_start3A_97 = tpu.memref_squeeze %dma_start3A_96 : memref<1x80xi32, #tpu.memory_space<vmem>> -> memref<80xi32, #tpu.memory_space<vmem>>
      %dma_start3A_98 = arith.constant 0 : i32
      %dma_start3A_99 = arith.constant 0 : i32
      %dma_start3A_100 = tpu.memref_slice %arg6[%dma_start3A_98, %dma_start3A_99] : memref<10000x64xf32, #tpu.memory_space<vmem_shared>> -> memref<10000x64xf32, #tpu.memory_space<vmem_shared>>
      tpu.enqueue_indirect_dma source(%arg9 : memref<80x64xf32, #tpu.memory_space<vmem>>) target(%dma_start3A_100 : memref<10000x64xf32, #tpu.memory_space<vmem_shared>>) offsets(%dma_start3A_97 : memref<80xi32, #tpu.memory_space<vmem>>) semaphore(%arg19 : memref<!tpu.dma_semaphore, #tpu.memory_space<semaphore_mem>>) {add = true}
      %add3A_101 = arith.constant 4 : i32
      %add3A_102 = arith.addi %add3A_88, %add3A_101 : i32
      %ge3A = arith.constant 5 : i32
      %ge3A_103 = arith.cmpi sge, %add3A_102, %ge3A : i32
      %lt3A = arith.constant 125 : i32
      %lt3A_104 = arith.cmpi slt, %add3A_102, %lt3A : i32
      %and3A = arith.andi %ge3A_103, %lt3A_104 : i1
      %convert_element_type3A_105 = arith.extui %and3A : i1 to i32
      %cond3A_106 = arith.constant 0 : i32
      %cond3A_107 = arith.cmpi ne, %convert_element_type3A_105, %cond3A_106 : i32
      scf.if %cond3A_107 {
        %sub3A = arith.constant 5 : i32
        %sub3A_237 = arith.subi %add3A_102, %sub3A : i32
        %dma_wait3A_238 = arith.constant 0 : i32
        %dma_wait3A_239 = tpu.memref_slice %arg8[%sub3A_237, %dma_wait3A_238] : memref<125x80xi32, #tpu.memory_space<vmem>> -> memref<1x80xi32, #tpu.memory_space<vmem>>
        %dma_wait3A_240 = tpu.memref_squeeze %dma_wait3A_239 : memref<1x80xi32, #tpu.memory_space<vmem>> -> memref<80xi32, #tpu.memory_space<vmem>>
        %dma_wait3A_241 = arith.constant 0 : i32
        %dma_wait3A_242 = arith.constant 0 : i32
        %dma_wait3A_243 = tpu.memref_slice %arg6[%dma_wait3A_241, %dma_wait3A_242] : memref<10000x64xf32, #tpu.memory_space<vmem_shared>> -> memref<10000x64xf32, #tpu.memory_space<vmem_shared>>
        tpu.wait_indirect_dma semaphore(%arg23 : memref<!tpu.dma_semaphore, #tpu.memory_space<semaphore_mem>>) src(%arg13 : memref<80x64xf32, #tpu.memory_space<vmem>>) dst(%dma_wait3A_243 : memref<10000x64xf32, #tpu.memory_space<vmem_shared>>)
      } else {
      }
      %lt3A_108 = arith.constant 125 : i32
      %lt3A_109 = arith.cmpi slt, %add3A_102, %lt3A_108 : i32
      %convert_element_type3A_110 = arith.extui %lt3A_109 : i1 to i32
      %cond3A_111 = arith.constant 0 : i32
      %cond3A_112 = arith.cmpi ne, %convert_element_type3A_110, %cond3A_111 : i32
      scf.if %cond3A_112 {
        %dma_start3A_237 = arith.constant 0 : i32
        %dma_start3A_238 = tpu.memref_slice %arg7[%add3A_102, %dma_start3A_237] : memref<125x80xi32, #tpu.memory_space<vmem>> -> memref<1x80xi32, #tpu.memory_space<vmem>>
        %dma_start3A_239 = tpu.memref_squeeze %dma_start3A_238 : memref<1x80xi32, #tpu.memory_space<vmem>> -> memref<80xi32, #tpu.memory_space<vmem>>
        %dma_start3A_240 = arith.constant 0 : i32
        %dma_start3A_241 = arith.constant 0 : i32
        %dma_start3A_242 = tpu.memref_slice %arg2[%dma_start3A_240, %dma_start3A_241] : memref<10000x64xf32, #tpu.memory_space<hbm>> -> memref<10000x64xf32, #tpu.memory_space<hbm>>
        tpu.enqueue_indirect_dma source(%dma_start3A_242 : memref<10000x64xf32, #tpu.memory_space<hbm>>) target(%arg13 : memref<80x64xf32, #tpu.memory_space<vmem>>) offsets(%dma_start3A_239 : memref<80xi32, #tpu.memory_space<vmem>>) semaphore(%arg18 : memref<!tpu.dma_semaphore, #tpu.memory_space<semaphore_mem>>)
      } else {
      }
      %mul3A_113 = arith.constant 5 : i32
      %mul3A_114 = arith.muli %mul3A_113, %scan3A_84 : i32
      %add3A_115 = arith.constant 1 : i32
      %add3A_116 = arith.addi %mul3A_114, %add3A_115 : i32
      %dma_wait3A_117 = arith.constant 0 : i32
      %dma_wait3A_118 = tpu.memref_slice %arg7[%add3A_116, %dma_wait3A_117] : memref<125x80xi32, #tpu.memory_space<vmem>> -> memref<1x80xi32, #tpu.memory_space<vmem>>
      %dma_wait3A_119 = tpu.memref_squeeze %dma_wait3A_118 : memref<1x80xi32, #tpu.memory_space<vmem>> -> memref<80xi32, #tpu.memory_space<vmem>>
      %dma_wait3A_120 = arith.constant 0 : i32
      %dma_wait3A_121 = arith.constant 0 : i32
      %dma_wait3A_122 = tpu.memref_slice %arg2[%dma_wait3A_120, %dma_wait3A_121] : memref<10000x64xf32, #tpu.memory_space<hbm>> -> memref<10000x64xf32, #tpu.memory_space<hbm>>
      tpu.wait_indirect_dma semaphore(%arg15 : memref<!tpu.dma_semaphore, #tpu.memory_space<semaphore_mem>>) src(%dma_wait3A_122 : memref<10000x64xf32, #tpu.memory_space<hbm>>) dst(%arg10 : memref<80x64xf32, #tpu.memory_space<vmem>>)
      %dma_start3A_123 = arith.constant 0 : i32
      %dma_start3A_124 = tpu.memref_slice %arg8[%add3A_116, %dma_start3A_123] : memref<125x80xi32, #tpu.memory_space<vmem>> -> memref<1x80xi32, #tpu.memory_space<vmem>>
      %dma_start3A_125 = tpu.memref_squeeze %dma_start3A_124 : memref<1x80xi32, #tpu.memory_space<vmem>> -> memref<80xi32, #tpu.memory_space<vmem>>
      %dma_start3A_126 = arith.constant 0 : i32
      %dma_start3A_127 = arith.constant 0 : i32
      %dma_start3A_128 = tpu.memref_slice %arg6[%dma_start3A_126, %dma_start3A_127] : memref<10000x64xf32, #tpu.memory_space<vmem_shared>> -> memref<10000x64xf32, #tpu.memory_space<vmem_shared>>
      tpu.enqueue_indirect_dma source(%arg10 : memref<80x64xf32, #tpu.memory_space<vmem>>) target(%dma_start3A_128 : memref<10000x64xf32, #tpu.memory_space<vmem_shared>>) offsets(%dma_start3A_125 : memref<80xi32, #tpu.memory_space<vmem>>) semaphore(%arg20 : memref<!tpu.dma_semaphore, #tpu.memory_space<semaphore_mem>>) {add = true}
      %add3A_129 = arith.constant 4 : i32
      %add3A_130 = arith.addi %add3A_116, %add3A_129 : i32
      %ge3A_131 = arith.constant 5 : i32
      %ge3A_132 = arith.cmpi sge, %add3A_130, %ge3A_131 : i32
      %lt3A_133 = arith.constant 125 : i32
      %lt3A_134 = arith.cmpi slt, %add3A_130, %lt3A_133 : i32
      %and3A_135 = arith.andi %ge3A_132, %lt3A_134 : i1
      %convert_element_type3A_136 = arith.extui %and3A_135 : i1 to i32
      %cond3A_137 = arith.constant 0 : i32
      %cond3A_138 = arith.cmpi ne, %convert_element_type3A_136, %cond3A_137 : i32
      scf.if %cond3A_138 {
        %sub3A = arith.constant 5 : i32
        %sub3A_237 = arith.subi %add3A_130, %sub3A : i32
        %dma_wait3A_238 = arith.constant 0 : i32
        %dma_wait3A_239 = tpu.memref_slice %arg8[%sub3A_237, %dma_wait3A_238] : memref<125x80xi32, #tpu.memory_space<vmem>> -> memref<1x80xi32, #tpu.memory_space<vmem>>
        %dma_wait3A_240 = tpu.memref_squeeze %dma_wait3A_239 : memref<1x80xi32, #tpu.memory_space<vmem>> -> memref<80xi32, #tpu.memory_space<vmem>>
        %dma_wait3A_241 = arith.constant 0 : i32
        %dma_wait3A_242 = arith.constant 0 : i32
        %dma_wait3A_243 = tpu.memref_slice %arg6[%dma_wait3A_241, %dma_wait3A_242] : memref<10000x64xf32, #tpu.memory_space<vmem_shared>> -> memref<10000x64xf32, #tpu.memory_space<vmem_shared>>
        tpu.wait_indirect_dma semaphore(%arg19 : memref<!tpu.dma_semaphore, #tpu.memory_space<semaphore_mem>>) src(%arg9 : memref<80x64xf32, #tpu.memory_space<vmem>>) dst(%dma_wait3A_243 : memref<10000x64xf32, #tpu.memory_space<vmem_shared>>)
      } else {
      }
      %lt3A_139 = arith.constant 125 : i32
      %lt3A_140 = arith.cmpi slt, %add3A_130, %lt3A_139 : i32
      %convert_element_type3A_141 = arith.extui %lt3A_140 : i1 to i32
      %cond3A_142 = arith.constant 0 : i32
      %cond3A_143 = arith.cmpi ne, %convert_element_type3A_141, %cond3A_142 : i32
      scf.if %cond3A_143 {
        %dma_start3A_237 = arith.constant 0 : i32
        %dma_start3A_238 = tpu.memref_slice %arg7[%add3A_130, %dma_start3A_237] : memref<125x80xi32, #tpu.memory_space<vmem>> -> memref<1x80xi32, #tpu.memory_space<vmem>>
        %dma_start3A_239 = tpu.memref_squeeze %dma_start3A_238 : memref<1x80xi32, #tpu.memory_space<vmem>> -> memref<80xi32, #tpu.memory_space<vmem>>
        %dma_start3A_240 = arith.constant 0 : i32
        %dma_start3A_241 = arith.constant 0 : i32
        %dma_start3A_242 = tpu.memref_slice %arg2[%dma_start3A_240, %dma_start3A_241] : memref<10000x64xf32, #tpu.memory_space<hbm>> -> memref<10000x64xf32, #tpu.memory_space<hbm>>
        tpu.enqueue_indirect_dma source(%dma_start3A_242 : memref<10000x64xf32, #tpu.memory_space<hbm>>) target(%arg9 : memref<80x64xf32, #tpu.memory_space<vmem>>) offsets(%dma_start3A_239 : memref<80xi32, #tpu.memory_space<vmem>>) semaphore(%arg14 : memref<!tpu.dma_semaphore, #tpu.memory_space<semaphore_mem>>)
      } else {
      }
      %mul3A_144 = arith.constant 5 : i32
      %mul3A_145 = arith.muli %mul3A_144, %scan3A_84 : i32
      %add3A_146 = arith.constant 2 : i32
      %add3A_147 = arith.addi %mul3A_145, %add3A_146 : i32
      %dma_wait3A_148 = arith.constant 0 : i32
      %dma_wait3A_149 = tpu.memref_slice %arg7[%add3A_147, %dma_wait3A_148] : memref<125x80xi32, #tpu.memory_space<vmem>> -> memref<1x80xi32, #tpu.memory_space<vmem>>
      %dma_wait3A_150 = tpu.memref_squeeze %dma_wait3A_149 : memref<1x80xi32, #tpu.memory_space<vmem>> -> memref<80xi32, #tpu.memory_space<vmem>>
      %dma_wait3A_151 = arith.constant 0 : i32
      %dma_wait3A_152 = arith.constant 0 : i32
      %dma_wait3A_153 = tpu.memref_slice %arg2[%dma_wait3A_151, %dma_wait3A_152] : memref<10000x64xf32, #tpu.memory_space<hbm>> -> memref<10000x64xf32, #tpu.memory_space<hbm>>
      tpu.wait_indirect_dma semaphore(%arg16 : memref<!tpu.dma_semaphore, #tpu.memory_space<semaphore_mem>>) src(%dma_wait3A_153 : memref<10000x64xf32, #tpu.memory_space<hbm>>) dst(%arg11 : memref<80x64xf32, #tpu.memory_space<vmem>>)
      %dma_start3A_154 = arith.constant 0 : i32
      %dma_start3A_155 = tpu.memref_slice %arg8[%add3A_147, %dma_start3A_154] : memref<125x80xi32, #tpu.memory_space<vmem>> -> memref<1x80xi32, #tpu.memory_space<vmem>>
      %dma_start3A_156 = tpu.memref_squeeze %dma_start3A_155 : memref<1x80xi32, #tpu.memory_space<vmem>> -> memref<80xi32, #tpu.memory_space<vmem>>
      %dma_start3A_157 = arith.constant 0 : i32
      %dma_start3A_158 = arith.constant 0 : i32
      %dma_start3A_159 = tpu.memref_slice %arg6[%dma_start3A_157, %dma_start3A_158] : memref<10000x64xf32, #tpu.memory_space<vmem_shared>> -> memref<10000x64xf32, #tpu.memory_space<vmem_shared>>
      tpu.enqueue_indirect_dma source(%arg11 : memref<80x64xf32, #tpu.memory_space<vmem>>) target(%dma_start3A_159 : memref<10000x64xf32, #tpu.memory_space<vmem_shared>>) offsets(%dma_start3A_156 : memref<80xi32, #tpu.memory_space<vmem>>) semaphore(%arg21 : memref<!tpu.dma_semaphore, #tpu.memory_space<semaphore_mem>>) {add = true}
      %add3A_160 = arith.constant 4 : i32
      %add3A_161 = arith.addi %add3A_147, %add3A_160 : i32
      %ge3A_162 = arith.constant 5 : i32
      %ge3A_163 = arith.cmpi sge, %add3A_161, %ge3A_162 : i32
      %lt3A_164 = arith.constant 125 : i32
      %lt3A_165 = arith.cmpi slt, %add3A_161, %lt3A_164 : i32
      %and3A_166 = arith.andi %ge3A_163, %lt3A_165 : i1
      %convert_element_type3A_167 = arith.extui %and3A_166 : i1 to i32
      %cond3A_168 = arith.constant 0 : i32
      %cond3A_169 = arith.cmpi ne, %convert_element_type3A_167, %cond3A_168 : i32
      scf.if %cond3A_169 {
        %sub3A = arith.constant 5 : i32
        %sub3A_237 = arith.subi %add3A_161, %sub3A : i32
        %dma_wait3A_238 = arith.constant 0 : i32
        %dma_wait3A_239 = tpu.memref_slice %arg8[%sub3A_237, %dma_wait3A_238] : memref<125x80xi32, #tpu.memory_space<vmem>> -> memref<1x80xi32, #tpu.memory_space<vmem>>
        %dma_wait3A_240 = tpu.memref_squeeze %dma_wait3A_239 : memref<1x80xi32, #tpu.memory_space<vmem>> -> memref<80xi32, #tpu.memory_space<vmem>>
        %dma_wait3A_241 = arith.constant 0 : i32
        %dma_wait3A_242 = arith.constant 0 : i32
        %dma_wait3A_243 = tpu.memref_slice %arg6[%dma_wait3A_241, %dma_wait3A_242] : memref<10000x64xf32, #tpu.memory_space<vmem_shared>> -> memref<10000x64xf32, #tpu.memory_space<vmem_shared>>
        tpu.wait_indirect_dma semaphore(%arg20 : memref<!tpu.dma_semaphore, #tpu.memory_space<semaphore_mem>>) src(%arg10 : memref<80x64xf32, #tpu.memory_space<vmem>>) dst(%dma_wait3A_243 : memref<10000x64xf32, #tpu.memory_space<vmem_shared>>)
      } else {
      }
      %lt3A_170 = arith.constant 125 : i32
      %lt3A_171 = arith.cmpi slt, %add3A_161, %lt3A_170 : i32
      %convert_element_type3A_172 = arith.extui %lt3A_171 : i1 to i32
      %cond3A_173 = arith.constant 0 : i32
      %cond3A_174 = arith.cmpi ne, %convert_element_type3A_172, %cond3A_173 : i32
      scf.if %cond3A_174 {
        %dma_start3A_237 = arith.constant 0 : i32
        %dma_start3A_238 = tpu.memref_slice %arg7[%add3A_161, %dma_start3A_237] : memref<125x80xi32, #tpu.memory_space<vmem>> -> memref<1x80xi32, #tpu.memory_space<vmem>>
        %dma_start3A_239 = tpu.memref_squeeze %dma_start3A_238 : memref<1x80xi32, #tpu.memory_space<vmem>> -> memref<80xi32, #tpu.memory_space<vmem>>
        %dma_start3A_240 = arith.constant 0 : i32
        %dma_start3A_241 = arith.constant 0 : i32
        %dma_start3A_242 = tpu.memref_slice %arg2[%dma_start3A_240, %dma_start3A_241] : memref<10000x64xf32, #tpu.memory_space<hbm>> -> memref<10000x64xf32, #tpu.memory_space<hbm>>
        tpu.enqueue_indirect_dma source(%dma_start3A_242 : memref<10000x64xf32, #tpu.memory_space<hbm>>) target(%arg10 : memref<80x64xf32, #tpu.memory_space<vmem>>) offsets(%dma_start3A_239 : memref<80xi32, #tpu.memory_space<vmem>>) semaphore(%arg15 : memref<!tpu.dma_semaphore, #tpu.memory_space<semaphore_mem>>)
      } else {
      }
      %mul3A_175 = arith.constant 5 : i32
      %mul3A_176 = arith.muli %mul3A_175, %scan3A_84 : i32
      %add3A_177 = arith.constant 3 : i32
      %add3A_178 = arith.addi %mul3A_176, %add3A_177 : i32
      %dma_wait3A_179 = arith.constant 0 : i32
      %dma_wait3A_180 = tpu.memref_slice %arg7[%add3A_178, %dma_wait3A_179] : memref<125x80xi32, #tpu.memory_space<vmem>> -> memref<1x80xi32, #tpu.memory_space<vmem>>
      %dma_wait3A_181 = tpu.memref_squeeze %dma_wait3A_180 : memref<1x80xi32, #tpu.memory_space<vmem>> -> memref<80xi32, #tpu.memory_space<vmem>>
      %dma_wait3A_182 = arith.constant 0 : i32
      %dma_wait3A_183 = arith.constant 0 : i32
      %dma_wait3A_184 = tpu.memref_slice %arg2[%dma_wait3A_182, %dma_wait3A_183] : memref<10000x64xf32, #tpu.memory_space<hbm>> -> memref<10000x64xf32, #tpu.memory_space<hbm>>
      tpu.wait_indirect_dma semaphore(%arg17 : memref<!tpu.dma_semaphore, #tpu.memory_space<semaphore_mem>>) src(%dma_wait3A_184 : memref<10000x64xf32, #tpu.memory_space<hbm>>) dst(%arg12 : memref<80x64xf32, #tpu.memory_space<vmem>>)
      %dma_start3A_185 = arith.constant 0 : i32
      %dma_start3A_186 = tpu.memref_slice %arg8[%add3A_178, %dma_start3A_185] : memref<125x80xi32, #tpu.memory_space<vmem>> -> memref<1x80xi32, #tpu.memory_space<vmem>>
      %dma_start3A_187 = tpu.memref_squeeze %dma_start3A_186 : memref<1x80xi32, #tpu.memory_space<vmem>> -> memref<80xi32, #tpu.memory_space<vmem>>
      %dma_start3A_188 = arith.constant 0 : i32
      %dma_start3A_189 = arith.constant 0 : i32
      %dma_start3A_190 = tpu.memref_slice %arg6[%dma_start3A_188, %dma_start3A_189] : memref<10000x64xf32, #tpu.memory_space<vmem_shared>> -> memref<10000x64xf32, #tpu.memory_space<vmem_shared>>
      tpu.enqueue_indirect_dma source(%arg12 : memref<80x64xf32, #tpu.memory_space<vmem>>) target(%dma_start3A_190 : memref<10000x64xf32, #tpu.memory_space<vmem_shared>>) offsets(%dma_start3A_187 : memref<80xi32, #tpu.memory_space<vmem>>) semaphore(%arg22 : memref<!tpu.dma_semaphore, #tpu.memory_space<semaphore_mem>>) {add = true}
      %add3A_191 = arith.constant 4 : i32
      %add3A_192 = arith.addi %add3A_178, %add3A_191 : i32
      %ge3A_193 = arith.constant 5 : i32
      %ge3A_194 = arith.cmpi sge, %add3A_192, %ge3A_193 : i32
      %lt3A_195 = arith.constant 125 : i32
      %lt3A_196 = arith.cmpi slt, %add3A_192, %lt3A_195 : i32
      %and3A_197 = arith.andi %ge3A_194, %lt3A_196 : i1
      %convert_element_type3A_198 = arith.extui %and3A_197 : i1 to i32
      %cond3A_199 = arith.constant 0 : i32
      %cond3A_200 = arith.cmpi ne, %convert_element_type3A_198, %cond3A_199 : i32
      scf.if %cond3A_200 {
        %sub3A = arith.constant 5 : i32
        %sub3A_237 = arith.subi %add3A_192, %sub3A : i32
        %dma_wait3A_238 = arith.constant 0 : i32
        %dma_wait3A_239 = tpu.memref_slice %arg8[%sub3A_237, %dma_wait3A_238] : memref<125x80xi32, #tpu.memory_space<vmem>> -> memref<1x80xi32, #tpu.memory_space<vmem>>
        %dma_wait3A_240 = tpu.memref_squeeze %dma_wait3A_239 : memref<1x80xi32, #tpu.memory_space<vmem>> -> memref<80xi32, #tpu.memory_space<vmem>>
        %dma_wait3A_241 = arith.constant 0 : i32
        %dma_wait3A_242 = arith.constant 0 : i32
        %dma_wait3A_243 = tpu.memref_slice %arg6[%dma_wait3A_241, %dma_wait3A_242] : memref<10000x64xf32, #tpu.memory_space<vmem_shared>> -> memref<10000x64xf32, #tpu.memory_space<vmem_shared>>
        tpu.wait_indirect_dma semaphore(%arg21 : memref<!tpu.dma_semaphore, #tpu.memory_space<semaphore_mem>>) src(%arg11 : memref<80x64xf32, #tpu.memory_space<vmem>>) dst(%dma_wait3A_243 : memref<10000x64xf32, #tpu.memory_space<vmem_shared>>)
      } else {
      }
      %lt3A_201 = arith.constant 125 : i32
      %lt3A_202 = arith.cmpi slt, %add3A_192, %lt3A_201 : i32
      %convert_element_type3A_203 = arith.extui %lt3A_202 : i1 to i32
      %cond3A_204 = arith.constant 0 : i32
      %cond3A_205 = arith.cmpi ne, %convert_element_type3A_203, %cond3A_204 : i32
      scf.if %cond3A_205 {
        %dma_start3A_237 = arith.constant 0 : i32
        %dma_start3A_238 = tpu.memref_slice %arg7[%add3A_192, %dma_start3A_237] : memref<125x80xi32, #tpu.memory_space<vmem>> -> memref<1x80xi32, #tpu.memory_space<vmem>>
        %dma_start3A_239 = tpu.memref_squeeze %dma_start3A_238 : memref<1x80xi32, #tpu.memory_space<vmem>> -> memref<80xi32, #tpu.memory_space<vmem>>
        %dma_start3A_240 = arith.constant 0 : i32
        %dma_start3A_241 = arith.constant 0 : i32
        %dma_start3A_242 = tpu.memref_slice %arg2[%dma_start3A_240, %dma_start3A_241] : memref<10000x64xf32, #tpu.memory_space<hbm>> -> memref<10000x64xf32, #tpu.memory_space<hbm>>
        tpu.enqueue_indirect_dma source(%dma_start3A_242 : memref<10000x64xf32, #tpu.memory_space<hbm>>) target(%arg11 : memref<80x64xf32, #tpu.memory_space<vmem>>) offsets(%dma_start3A_239 : memref<80xi32, #tpu.memory_space<vmem>>) semaphore(%arg16 : memref<!tpu.dma_semaphore, #tpu.memory_space<semaphore_mem>>)
      } else {
      }
      %mul3A_206 = arith.constant 5 : i32
      %mul3A_207 = arith.muli %mul3A_206, %scan3A_84 : i32
      %add3A_208 = arith.constant 4 : i32
      %add3A_209 = arith.addi %mul3A_207, %add3A_208 : i32
      %dma_wait3A_210 = arith.constant 0 : i32
      %dma_wait3A_211 = tpu.memref_slice %arg7[%add3A_209, %dma_wait3A_210] : memref<125x80xi32, #tpu.memory_space<vmem>> -> memref<1x80xi32, #tpu.memory_space<vmem>>
      %dma_wait3A_212 = tpu.memref_squeeze %dma_wait3A_211 : memref<1x80xi32, #tpu.memory_space<vmem>> -> memref<80xi32, #tpu.memory_space<vmem>>
      %dma_wait3A_213 = arith.constant 0 : i32
      %dma_wait3A_214 = arith.constant 0 : i32
      %dma_wait3A_215 = tpu.memref_slice %arg2[%dma_wait3A_213, %dma_wait3A_214] : memref<10000x64xf32, #tpu.memory_space<hbm>> -> memref<10000x64xf32, #tpu.memory_space<hbm>>
      tpu.wait_indirect_dma semaphore(%arg18 : memref<!tpu.dma_semaphore, #tpu.memory_space<semaphore_mem>>) src(%dma_wait3A_215 : memref<10000x64xf32, #tpu.memory_space<hbm>>) dst(%arg13 : memref<80x64xf32, #tpu.memory_space<vmem>>)
      %dma_start3A_216 = arith.constant 0 : i32
      %dma_start3A_217 = tpu.memref_slice %arg8[%add3A_209, %dma_start3A_216] : memref<125x80xi32, #tpu.memory_space<vmem>> -> memref<1x80xi32, #tpu.memory_space<vmem>>
      %dma_start3A_218 = tpu.memref_squeeze %dma_start3A_217 : memref<1x80xi32, #tpu.memory_space<vmem>> -> memref<80xi32, #tpu.memory_space<vmem>>
      %dma_start3A_219 = arith.constant 0 : i32
      %dma_start3A_220 = arith.constant 0 : i32
      %dma_start3A_221 = tpu.memref_slice %arg6[%dma_start3A_219, %dma_start3A_220] : memref<10000x64xf32, #tpu.memory_space<vmem_shared>> -> memref<10000x64xf32, #tpu.memory_space<vmem_shared>>
      tpu.enqueue_indirect_dma source(%arg13 : memref<80x64xf32, #tpu.memory_space<vmem>>) target(%dma_start3A_221 : memref<10000x64xf32, #tpu.memory_space<vmem_shared>>) offsets(%dma_start3A_218 : memref<80xi32, #tpu.memory_space<vmem>>) semaphore(%arg23 : memref<!tpu.dma_semaphore, #tpu.memory_space<semaphore_mem>>) {add = true}
      %add3A_222 = arith.constant 4 : i32
      %add3A_223 = arith.addi %add3A_209, %add3A_222 : i32
      %ge3A_224 = arith.constant 5 : i32
      %ge3A_225 = arith.cmpi sge, %add3A_223, %ge3A_224 : i32
      %lt3A_226 = arith.constant 125 : i32
      %lt3A_227 = arith.cmpi slt, %add3A_223, %lt3A_226 : i32
      %and3A_228 = arith.andi %ge3A_225, %lt3A_227 : i1
      %convert_element_type3A_229 = arith.extui %and3A_228 : i1 to i32
      %cond3A_230 = arith.constant 0 : i32
      %cond3A_231 = arith.cmpi ne, %convert_element_type3A_229, %cond3A_230 : i32
      scf.if %cond3A_231 {
        %sub3A = arith.constant 5 : i32
        %sub3A_237 = arith.subi %add3A_223, %sub3A : i32
        %dma_wait3A_238 = arith.constant 0 : i32
        %dma_wait3A_239 = tpu.memref_slice %arg8[%sub3A_237, %dma_wait3A_238] : memref<125x80xi32, #tpu.memory_space<vmem>> -> memref<1x80xi32, #tpu.memory_space<vmem>>
        %dma_wait3A_240 = tpu.memref_squeeze %dma_wait3A_239 : memref<1x80xi32, #tpu.memory_space<vmem>> -> memref<80xi32, #tpu.memory_space<vmem>>
        %dma_wait3A_241 = arith.constant 0 : i32
        %dma_wait3A_242 = arith.constant 0 : i32
        %dma_wait3A_243 = tpu.memref_slice %arg6[%dma_wait3A_241, %dma_wait3A_242] : memref<10000x64xf32, #tpu.memory_space<vmem_shared>> -> memref<10000x64xf32, #tpu.memory_space<vmem_shared>>
        tpu.wait_indirect_dma semaphore(%arg22 : memref<!tpu.dma_semaphore, #tpu.memory_space<semaphore_mem>>) src(%arg12 : memref<80x64xf32, #tpu.memory_space<vmem>>) dst(%dma_wait3A_243 : memref<10000x64xf32, #tpu.memory_space<vmem_shared>>)
      } else {
      }
      %lt3A_232 = arith.constant 125 : i32
      %lt3A_233 = arith.cmpi slt, %add3A_223, %lt3A_232 : i32
      %convert_element_type3A_234 = arith.extui %lt3A_233 : i1 to i32
      %cond3A_235 = arith.constant 0 : i32
      %cond3A_236 = arith.cmpi ne, %convert_element_type3A_234, %cond3A_235 : i32
      scf.if %cond3A_236 {
        %dma_start3A_237 = arith.constant 0 : i32
        %dma_start3A_238 = tpu.memref_slice %arg7[%add3A_223, %dma_start3A_237] : memref<125x80xi32, #tpu.memory_space<vmem>> -> memref<1x80xi32, #tpu.memory_space<vmem>>
        %dma_start3A_239 = tpu.memref_squeeze %dma_start3A_238 : memref<1x80xi32, #tpu.memory_space<vmem>> -> memref<80xi32, #tpu.memory_space<vmem>>
        %dma_start3A_240 = arith.constant 0 : i32
        %dma_start3A_241 = arith.constant 0 : i32
        %dma_start3A_242 = tpu.memref_slice %arg2[%dma_start3A_240, %dma_start3A_241] : memref<10000x64xf32, #tpu.memory_space<hbm>> -> memref<10000x64xf32, #tpu.memory_space<hbm>>
        tpu.enqueue_indirect_dma source(%dma_start3A_242 : memref<10000x64xf32, #tpu.memory_space<hbm>>) target(%arg12 : memref<80x64xf32, #tpu.memory_space<vmem>>) offsets(%dma_start3A_239 : memref<80xi32, #tpu.memory_space<vmem>>) semaphore(%arg17 : memref<!tpu.dma_semaphore, #tpu.memory_space<semaphore_mem>>)
      } else {
      }
    }
    %scan3A_37 = arith.constant 25 : i32
    %dma_wait3A = arith.constant 120 : i32
    %dma_wait3A_38 = arith.constant 0 : i32
    %dma_wait3A_39 = tpu.memref_slice %arg8[%dma_wait3A, %dma_wait3A_38] : memref<125x80xi32, #tpu.memory_space<vmem>> -> memref<1x80xi32, #tpu.memory_space<vmem>>
    %dma_wait3A_40 = tpu.memref_squeeze %dma_wait3A_39 : memref<1x80xi32, #tpu.memory_space<vmem>> -> memref<80xi32, #tpu.memory_space<vmem>>
    %dma_wait3A_41 = arith.constant 0 : i32
    %dma_wait3A_42 = arith.constant 0 : i32
    %dma_wait3A_43 = tpu.memref_slice %arg6[%dma_wait3A_41, %dma_wait3A_42] : memref<10000x64xf32, #tpu.memory_space<vmem_shared>> -> memref<10000x64xf32, #tpu.memory_space<vmem_shared>>
    tpu.wait_indirect_dma semaphore(%arg19 : memref<!tpu.dma_semaphore, #tpu.memory_space<semaphore_mem>>) src(%arg9 : memref<80x64xf32, #tpu.memory_space<vmem>>) dst(%dma_wait3A_43 : memref<10000x64xf32, #tpu.memory_space<vmem_shared>>)
    %dma_wait3A_44 = arith.constant 121 : i32
    %dma_wait3A_45 = arith.constant 0 : i32
    %dma_wait3A_46 = tpu.memref_slice %arg8[%dma_wait3A_44, %dma_wait3A_45] : memref<125x80xi32, #tpu.memory_space<vmem>> -> memref<1x80xi32, #tpu.memory_space<vmem>>
    %dma_wait3A_47 = tpu.memref_squeeze %dma_wait3A_46 : memref<1x80xi32, #tpu.memory_space<vmem>> -> memref<80xi32, #tpu.memory_space<vmem>>
    %dma_wait3A_48 = arith.constant 0 : i32
    %dma_wait3A_49 = arith.constant 0 : i32
    %dma_wait3A_50 = tpu.memref_slice %arg6[%dma_wait3A_48, %dma_wait3A_49] : memref<10000x64xf32, #tpu.memory_space<vmem_shared>> -> memref<10000x64xf32, #tpu.memory_space<vmem_shared>>
    tpu.wait_indirect_dma semaphore(%arg20 : memref<!tpu.dma_semaphore, #tpu.memory_space<semaphore_mem>>) src(%arg10 : memref<80x64xf32, #tpu.memory_space<vmem>>) dst(%dma_wait3A_50 : memref<10000x64xf32, #tpu.memory_space<vmem_shared>>)
    %dma_wait3A_51 = arith.constant 122 : i32
    %dma_wait3A_52 = arith.constant 0 : i32
    %dma_wait3A_53 = tpu.memref_slice %arg8[%dma_wait3A_51, %dma_wait3A_52] : memref<125x80xi32, #tpu.memory_space<vmem>> -> memref<1x80xi32, #tpu.memory_space<vmem>>
    %dma_wait3A_54 = tpu.memref_squeeze %dma_wait3A_53 : memref<1x80xi32, #tpu.memory_space<vmem>> -> memref<80xi32, #tpu.memory_space<vmem>>
    %dma_wait3A_55 = arith.constant 0 : i32
    %dma_wait3A_56 = arith.constant 0 : i32
    %dma_wait3A_57 = tpu.memref_slice %arg6[%dma_wait3A_55, %dma_wait3A_56] : memref<10000x64xf32, #tpu.memory_space<vmem_shared>> -> memref<10000x64xf32, #tpu.memory_space<vmem_shared>>
    tpu.wait_indirect_dma semaphore(%arg21 : memref<!tpu.dma_semaphore, #tpu.memory_space<semaphore_mem>>) src(%arg11 : memref<80x64xf32, #tpu.memory_space<vmem>>) dst(%dma_wait3A_57 : memref<10000x64xf32, #tpu.memory_space<vmem_shared>>)
    %dma_wait3A_58 = arith.constant 123 : i32
    %dma_wait3A_59 = arith.constant 0 : i32
    %dma_wait3A_60 = tpu.memref_slice %arg8[%dma_wait3A_58, %dma_wait3A_59] : memref<125x80xi32, #tpu.memory_space<vmem>> -> memref<1x80xi32, #tpu.memory_space<vmem>>
    %dma_wait3A_61 = tpu.memref_squeeze %dma_wait3A_60 : memref<1x80xi32, #tpu.memory_space<vmem>> -> memref<80xi32, #tpu.memory_space<vmem>>
    %dma_wait3A_62 = arith.constant 0 : i32
    %dma_wait3A_63 = arith.constant 0 : i32
    %dma_wait3A_64 = tpu.memref_slice %arg6[%dma_wait3A_62, %dma_wait3A_63] : memref<10000x64xf32, #tpu.memory_space<vmem_shared>> -> memref<10000x64xf32, #tpu.memory_space<vmem_shared>>
    tpu.wait_indirect_dma semaphore(%arg22 : memref<!tpu.dma_semaphore, #tpu.memory_space<semaphore_mem>>) src(%arg12 : memref<80x64xf32, #tpu.memory_space<vmem>>) dst(%dma_wait3A_64 : memref<10000x64xf32, #tpu.memory_space<vmem_shared>>)
    %dma_wait3A_65 = arith.constant 124 : i32
    %dma_wait3A_66 = arith.constant 0 : i32
    %dma_wait3A_67 = tpu.memref_slice %arg8[%dma_wait3A_65, %dma_wait3A_66] : memref<125x80xi32, #tpu.memory_space<vmem>> -> memref<1x80xi32, #tpu.memory_space<vmem>>
    %dma_wait3A_68 = tpu.memref_squeeze %dma_wait3A_67 : memref<1x80xi32, #tpu.memory_space<vmem>> -> memref<80xi32, #tpu.memory_space<vmem>>
    %dma_wait3A_69 = arith.constant 0 : i32
    %dma_wait3A_70 = arith.constant 0 : i32
    %dma_wait3A_71 = tpu.memref_slice %arg6[%dma_wait3A_69, %dma_wait3A_70] : memref<10000x64xf32, #tpu.memory_space<vmem_shared>> -> memref<10000x64xf32, #tpu.memory_space<vmem_shared>>
    tpu.wait_indirect_dma semaphore(%arg23 : memref<!tpu.dma_semaphore, #tpu.memory_space<semaphore_mem>>) src(%arg13 : memref<80x64xf32, #tpu.memory_space<vmem>>) dst(%dma_wait3A_71 : memref<10000x64xf32, #tpu.memory_space<vmem_shared>>)
    %barrier3A_72 = arith.constant 0 : index
    tpu.barrier barrier_id(%barrier3A_72)
    %mul3A_73 = arith.constant 624 : i32
    %mul3A_74 = arith.muli %arg1, %mul3A_73 : i32
    %mul3A_75 = arith.constant 624 : i32
    %mul3A_76 = arith.muli %arg1, %mul3A_75 : i32
    %mul3A_77 = arith.constant 64 : i32
    %mul3A_78 = arith.muli %mul3A_77, %arg0 : i32
    "tpu.region"() ({
      %run_scoped3A_84 = tpu.sem_alloc : memref<!tpu.dma_semaphore, #tpu.memory_space<semaphore_mem>>
      %dma_start3A_85 = tpu.memref_slice %arg5[%mul3A_76, %mul3A_78] : memref<10000x128xf32, #tpu.memory_space<hbm>> -> memref<624x64xf32, #tpu.memory_space<hbm>>
      %dma_start3A_86 = arith.constant 0 : i32
      %dma_start3A_87 = tpu.memref_slice %arg6[%mul3A_74, %dma_start3A_86] : memref<10000x64xf32, #tpu.memory_space<vmem_shared>> -> memref<624x64xf32, #tpu.memory_space<vmem_shared>>
      tpu.enqueue_dma source(%dma_start3A_87 : memref<624x64xf32, #tpu.memory_space<vmem_shared>>) target(%dma_start3A_85 : memref<624x64xf32, #tpu.memory_space<hbm>>) target_semaphore(%run_scoped3A_84 : memref<!tpu.dma_semaphore, #tpu.memory_space<semaphore_mem>>)
      %dma_wait3A_88 = tpu.memref_slice %arg5[%mul3A_76, %mul3A_78] : memref<10000x128xf32, #tpu.memory_space<hbm>> -> memref<624x64xf32, #tpu.memory_space<hbm>>
      %dma_wait3A_89 = arith.constant 0 : i32
      %dma_wait3A_90 = tpu.memref_slice %arg6[%mul3A_74, %dma_wait3A_89] : memref<10000x64xf32, #tpu.memory_space<vmem_shared>> -> memref<624x64xf32, #tpu.memory_space<vmem_shared>>
      tpu.wait_dma2 semaphore(%run_scoped3A_84 : memref<!tpu.dma_semaphore, #tpu.memory_space<semaphore_mem>>) src(%dma_wait3A_90 : memref<624x64xf32, #tpu.memory_space<vmem_shared>>) dst(%dma_wait3A_88 : memref<624x64xf32, #tpu.memory_space<hbm>>)
      tpu.yield
    }) : () -> ()
    %eq3A_79 = arith.constant 0 : i32
    %eq3A_80 = arith.cmpi eq, %arg1, %eq3A_79 : i32
    %convert_element_type3A_81 = arith.extui %eq3A_80 : i1 to i32
    %cond3A_82 = arith.constant 0 : i32
    %cond3A_83 = arith.cmpi ne, %convert_element_type3A_81, %cond3A_82 : i32
    scf.if %cond3A_83 {
      %mul3A_84 = arith.constant 64 : i32
      %mul3A_85 = arith.muli %mul3A_84, %arg0 : i32
      "tpu.region"() ({
        %run_scoped3A_86 = tpu.sem_alloc : memref<!tpu.dma_semaphore, #tpu.memory_space<semaphore_mem>>
        %dma_start3A_87 = arith.constant 9984 : i32
        %dma_start3A_88 = tpu.memref_slice %arg5[%dma_start3A_87, %mul3A_85] : memref<10000x128xf32, #tpu.memory_space<hbm>> -> memref<16x64xf32, #tpu.memory_space<hbm>>
        %dma_start3A_89 = arith.constant 9984 : i32
        %dma_start3A_90 = arith.constant 0 : i32
        %dma_start3A_91 = tpu.memref_slice %arg6[%dma_start3A_89, %dma_start3A_90] : memref<10000x64xf32, #tpu.memory_space<vmem_shared>> -> memref<16x64xf32, #tpu.memory_space<vmem_shared>>
        tpu.enqueue_dma source(%dma_start3A_91 : memref<16x64xf32, #tpu.memory_space<vmem_shared>>) target(%dma_start3A_88 : memref<16x64xf32, #tpu.memory_space<hbm>>) target_semaphore(%run_scoped3A_86 : memref<!tpu.dma_semaphore, #tpu.memory_space<semaphore_mem>>)
        %dma_wait3A_92 = arith.constant 9984 : i32
        %dma_wait3A_93 = tpu.memref_slice %arg5[%dma_wait3A_92, %mul3A_85] : memref<10000x128xf32, #tpu.memory_space<hbm>> -> memref<16x64xf32, #tpu.memory_space<hbm>>
        %dma_wait3A_94 = arith.constant 9984 : i32
        %dma_wait3A_95 = arith.constant 0 : i32
        %dma_wait3A_96 = tpu.memref_slice %arg6[%dma_wait3A_94, %dma_wait3A_95] : memref<10000x64xf32, #tpu.memory_space<vmem_shared>> -> memref<16x64xf32, #tpu.memory_space<vmem_shared>>
        tpu.wait_dma2 semaphore(%run_scoped3A_86 : memref<!tpu.dma_semaphore, #tpu.memory_space<semaphore_mem>>) src(%dma_wait3A_96 : memref<16x64xf32, #tpu.memory_space<vmem_shared>>) dst(%dma_wait3A_93 : memref<16x64xf32, #tpu.memory_space<hbm>>)
        tpu.yield
      }) : () -> ()
    } else {
    }
    return
  }
}

#map = affine_map<(d0, d1) -> (0, 0, 0, 0)>
#map1 = affine_map<(d0, d1) -> (0)>
#map2 = affine_map<(d0, d1) -> (0, 0, 0)>
module attributes {stable_mosaic.version = 14 : i64} {
  func.func @_deg_body(%arg0: i32, %arg1: i32, %arg2: memref<2x32x125x80xi32, #tpu.memory_space<hbm>>, %arg3: memref<624xf32, #tpu.memory_space<hbm>>, %arg4: memref<5x4x2000xf32, #tpu.memory_space<hbm>>, %arg5: memref<10000xf32, #tpu.memory_space<vmem_shared>>, %arg6: memref<10000xf32, #tpu.memory_space<vmem_shared>>, %arg7: memref<125x80xi32, #tpu.memory_space<vmem>>, %arg8: memref<125x80xi32, #tpu.memory_space<vmem>>, %arg9: memref<80xf32, #tpu.memory_space<vmem>>, %arg10: memref<!tpu.dma_semaphore, #tpu.memory_space<semaphore_mem>>, %arg11: memref<!tpu.dma_semaphore, #tpu.memory_space<semaphore_mem>>) attributes {dimension_semantics = [#tpu.dimension_semantics<core_parallel>, #tpu.dimension_semantics<subcore_parallel>], iteration_bounds = array<i64: 2, 16>, scalar_prefetch = 0 : i64, scratch_operands = 7 : i64, tpu.core_type = #tpu.core_type<sc_vector_subcore>, window_params = [{transform_indices = #map}, {transform_indices = #map1}, {transform_indices = #map2}]} {
    %mul3A = arith.constant 2 : i32
    %mul3A_0 = arith.muli %arg1, %mul3A : i32
    %add3A = arith.addi %mul3A_0, %arg0 : i32
    %mul3A_1 = arith.constant 624 : i32
    %mul3A_2 = arith.muli %arg1, %mul3A_1 : i32
    "tpu.region"() ({
      %run_scoped3A_93 = tpu.sem_alloc : memref<!tpu.dma_semaphore, #tpu.memory_space<semaphore_mem>>
      %dma_start3A = tpu.memref_slice %arg5[%mul3A_2] : memref<10000xf32, #tpu.memory_space<vmem_shared>> -> memref<624xf32, #tpu.memory_space<vmem_shared>>
      tpu.enqueue_dma source(%arg3 : memref<624xf32, #tpu.memory_space<hbm>>) target(%dma_start3A : memref<624xf32, #tpu.memory_space<vmem_shared>>) target_semaphore(%run_scoped3A_93 : memref<!tpu.dma_semaphore, #tpu.memory_space<semaphore_mem>>)
      %dma_wait3A_94 = tpu.memref_slice %arg5[%mul3A_2] : memref<10000xf32, #tpu.memory_space<vmem_shared>> -> memref<624xf32, #tpu.memory_space<vmem_shared>>
      tpu.wait_dma2 semaphore(%run_scoped3A_93 : memref<!tpu.dma_semaphore, #tpu.memory_space<semaphore_mem>>) src(%arg3 : memref<624xf32, #tpu.memory_space<hbm>>) dst(%dma_wait3A_94 : memref<624xf32, #tpu.memory_space<vmem_shared>>)
      tpu.yield
    }) : () -> ()
    %mul3A_3 = arith.constant 624 : i32
    %mul3A_4 = arith.muli %arg1, %mul3A_3 : i32
    "tpu.region"() ({
      %run_scoped3A_93 = tpu.sem_alloc : memref<!tpu.dma_semaphore, #tpu.memory_space<semaphore_mem>>
      %dma_start3A = tpu.memref_slice %arg6[%mul3A_4] : memref<10000xf32, #tpu.memory_space<vmem_shared>> -> memref<624xf32, #tpu.memory_space<vmem_shared>>
      tpu.enqueue_dma source(%arg3 : memref<624xf32, #tpu.memory_space<hbm>>) target(%dma_start3A : memref<624xf32, #tpu.memory_space<vmem_shared>>) target_semaphore(%run_scoped3A_93 : memref<!tpu.dma_semaphore, #tpu.memory_space<semaphore_mem>>)
      %dma_wait3A_94 = tpu.memref_slice %arg6[%mul3A_4] : memref<10000xf32, #tpu.memory_space<vmem_shared>> -> memref<624xf32, #tpu.memory_space<vmem_shared>>
      tpu.wait_dma2 semaphore(%run_scoped3A_93 : memref<!tpu.dma_semaphore, #tpu.memory_space<semaphore_mem>>) src(%arg3 : memref<624xf32, #tpu.memory_space<hbm>>) dst(%dma_wait3A_94 : memref<624xf32, #tpu.memory_space<vmem_shared>>)
      tpu.yield
    }) : () -> ()
    %eq3A = arith.constant 0 : i32
    %eq3A_5 = arith.cmpi eq, %arg1, %eq3A : i32
    %convert_element_type3A = arith.extui %eq3A_5 : i1 to i32
    %cond3A = arith.constant 0 : i32
    %cond3A_6 = arith.cmpi ne, %convert_element_type3A, %cond3A : i32
    scf.if %cond3A_6 {
      "tpu.region"() ({
        %run_scoped3A_93 = tpu.sem_alloc : memref<!tpu.dma_semaphore, #tpu.memory_space<semaphore_mem>>
        %dma_start3A = arith.constant 9984 : i32
        %dma_start3A_94 = tpu.memref_slice %arg5[%dma_start3A] : memref<10000xf32, #tpu.memory_space<vmem_shared>> -> memref<16xf32, #tpu.memory_space<vmem_shared>>
        %dma_start3A_95 = arith.constant 0 : i32
        %dma_start3A_96 = tpu.memref_slice %arg3[%dma_start3A_95] : memref<624xf32, #tpu.memory_space<hbm>> -> memref<16xf32, #tpu.memory_space<hbm>>
        tpu.enqueue_dma source(%dma_start3A_96 : memref<16xf32, #tpu.memory_space<hbm>>) target(%dma_start3A_94 : memref<16xf32, #tpu.memory_space<vmem_shared>>) target_semaphore(%run_scoped3A_93 : memref<!tpu.dma_semaphore, #tpu.memory_space<semaphore_mem>>)
        %dma_wait3A_97 = arith.constant 9984 : i32
        %dma_wait3A_98 = tpu.memref_slice %arg5[%dma_wait3A_97] : memref<10000xf32, #tpu.memory_space<vmem_shared>> -> memref<16xf32, #tpu.memory_space<vmem_shared>>
        %dma_wait3A_99 = arith.constant 0 : i32
        %dma_wait3A_100 = tpu.memref_slice %arg3[%dma_wait3A_99] : memref<624xf32, #tpu.memory_space<hbm>> -> memref<16xf32, #tpu.memory_space<hbm>>
        tpu.wait_dma2 semaphore(%run_scoped3A_93 : memref<!tpu.dma_semaphore, #tpu.memory_space<semaphore_mem>>) src(%dma_wait3A_100 : memref<16xf32, #tpu.memory_space<hbm>>) dst(%dma_wait3A_98 : memref<16xf32, #tpu.memory_space<vmem_shared>>)
        tpu.yield
      }) : () -> ()
      "tpu.region"() ({
        %run_scoped3A_93 = tpu.sem_alloc : memref<!tpu.dma_semaphore, #tpu.memory_space<semaphore_mem>>
        %dma_start3A = arith.constant 9984 : i32
        %dma_start3A_94 = tpu.memref_slice %arg6[%dma_start3A] : memref<10000xf32, #tpu.memory_space<vmem_shared>> -> memref<16xf32, #tpu.memory_space<vmem_shared>>
        %dma_start3A_95 = arith.constant 0 : i32
        %dma_start3A_96 = tpu.memref_slice %arg3[%dma_start3A_95] : memref<624xf32, #tpu.memory_space<hbm>> -> memref<16xf32, #tpu.memory_space<hbm>>
        tpu.enqueue_dma source(%dma_start3A_96 : memref<16xf32, #tpu.memory_space<hbm>>) target(%dma_start3A_94 : memref<16xf32, #tpu.memory_space<vmem_shared>>) target_semaphore(%run_scoped3A_93 : memref<!tpu.dma_semaphore, #tpu.memory_space<semaphore_mem>>)
        %dma_wait3A_97 = arith.constant 9984 : i32
        %dma_wait3A_98 = tpu.memref_slice %arg6[%dma_wait3A_97] : memref<10000xf32, #tpu.memory_space<vmem_shared>> -> memref<16xf32, #tpu.memory_space<vmem_shared>>
        %dma_wait3A_99 = arith.constant 0 : i32
        %dma_wait3A_100 = tpu.memref_slice %arg3[%dma_wait3A_99] : memref<624xf32, #tpu.memory_space<hbm>> -> memref<16xf32, #tpu.memory_space<hbm>>
        tpu.wait_dma2 semaphore(%run_scoped3A_93 : memref<!tpu.dma_semaphore, #tpu.memory_space<semaphore_mem>>) src(%dma_wait3A_100 : memref<16xf32, #tpu.memory_space<hbm>>) dst(%dma_wait3A_98 : memref<16xf32, #tpu.memory_space<vmem_shared>>)
        tpu.yield
      }) : () -> ()
    } else {
    }
    %run_scoped3A = arith.constant 0 : i32
    "tpu.region"() ({
      %run_scoped3A_93 = tpu.sem_alloc : memref<!tpu.dma_semaphore, #tpu.memory_space<semaphore_mem>>
      %dma_start3A = arith.constant 0 : i32
      %dma_start3A_94 = arith.constant 0 : i32
      %dma_start3A_95 = tpu.memref_slice %arg2[%run_scoped3A, %add3A, %dma_start3A, %dma_start3A_94] : memref<2x32x125x80xi32, #tpu.memory_space<hbm>> -> memref<1x1x125x80xi32, #tpu.memory_space<hbm>>
      %dma_start3A_96 = tpu.memref_squeeze %dma_start3A_95 : memref<1x1x125x80xi32, #tpu.memory_space<hbm>> -> memref<125x80xi32, #tpu.memory_space<hbm>>
      %dma_start3A_97 = arith.constant 0 : i32
      %dma_start3A_98 = arith.constant 0 : i32
      %dma_start3A_99 = tpu.memref_slice %arg2[%run_scoped3A, %add3A, %dma_start3A_97, %dma_start3A_98] : memref<2x32x125x80xi32, #tpu.memory_space<hbm>> -> memref<1x1x125x80xi32, #tpu.memory_space<hbm>>
      %dma_start3A_100 = tpu.memref_squeeze %dma_start3A_99 : memref<1x1x125x80xi32, #tpu.memory_space<hbm>> -> memref<125x80xi32, #tpu.memory_space<hbm>>
      tpu.enqueue_dma source(%dma_start3A_100 : memref<125x80xi32, #tpu.memory_space<hbm>>) target(%arg7 : memref<125x80xi32, #tpu.memory_space<vmem>>) target_semaphore(%run_scoped3A_93 : memref<!tpu.dma_semaphore, #tpu.memory_space<semaphore_mem>>)
      %dma_wait3A_101 = arith.constant 0 : i32
      %dma_wait3A_102 = arith.constant 0 : i32
      %dma_wait3A_103 = tpu.memref_slice %arg2[%run_scoped3A, %add3A, %dma_wait3A_101, %dma_wait3A_102] : memref<2x32x125x80xi32, #tpu.memory_space<hbm>> -> memref<1x1x125x80xi32, #tpu.memory_space<hbm>>
      %dma_wait3A_104 = tpu.memref_squeeze %dma_wait3A_103 : memref<1x1x125x80xi32, #tpu.memory_space<hbm>> -> memref<125x80xi32, #tpu.memory_space<hbm>>
      %dma_wait3A_105 = arith.constant 0 : i32
      %dma_wait3A_106 = arith.constant 0 : i32
      %dma_wait3A_107 = tpu.memref_slice %arg2[%run_scoped3A, %add3A, %dma_wait3A_105, %dma_wait3A_106] : memref<2x32x125x80xi32, #tpu.memory_space<hbm>> -> memref<1x1x125x80xi32, #tpu.memory_space<hbm>>
      %dma_wait3A_108 = tpu.memref_squeeze %dma_wait3A_107 : memref<1x1x125x80xi32, #tpu.memory_space<hbm>> -> memref<125x80xi32, #tpu.memory_space<hbm>>
      tpu.wait_dma2 semaphore(%run_scoped3A_93 : memref<!tpu.dma_semaphore, #tpu.memory_space<semaphore_mem>>) src(%dma_wait3A_108 : memref<125x80xi32, #tpu.memory_space<hbm>>) dst(%arg7 : memref<125x80xi32, #tpu.memory_space<vmem>>)
      tpu.yield
    }) : () -> ()
    %run_scoped3A_7 = arith.constant 1 : i32
    "tpu.region"() ({
      %run_scoped3A_93 = tpu.sem_alloc : memref<!tpu.dma_semaphore, #tpu.memory_space<semaphore_mem>>
      %dma_start3A = arith.constant 0 : i32
      %dma_start3A_94 = arith.constant 0 : i32
      %dma_start3A_95 = tpu.memref_slice %arg2[%run_scoped3A_7, %add3A, %dma_start3A, %dma_start3A_94] : memref<2x32x125x80xi32, #tpu.memory_space<hbm>> -> memref<1x1x125x80xi32, #tpu.memory_space<hbm>>
      %dma_start3A_96 = tpu.memref_squeeze %dma_start3A_95 : memref<1x1x125x80xi32, #tpu.memory_space<hbm>> -> memref<125x80xi32, #tpu.memory_space<hbm>>
      %dma_start3A_97 = arith.constant 0 : i32
      %dma_start3A_98 = arith.constant 0 : i32
      %dma_start3A_99 = tpu.memref_slice %arg2[%run_scoped3A_7, %add3A, %dma_start3A_97, %dma_start3A_98] : memref<2x32x125x80xi32, #tpu.memory_space<hbm>> -> memref<1x1x125x80xi32, #tpu.memory_space<hbm>>
      %dma_start3A_100 = tpu.memref_squeeze %dma_start3A_99 : memref<1x1x125x80xi32, #tpu.memory_space<hbm>> -> memref<125x80xi32, #tpu.memory_space<hbm>>
      tpu.enqueue_dma source(%dma_start3A_100 : memref<125x80xi32, #tpu.memory_space<hbm>>) target(%arg8 : memref<125x80xi32, #tpu.memory_space<vmem>>) target_semaphore(%run_scoped3A_93 : memref<!tpu.dma_semaphore, #tpu.memory_space<semaphore_mem>>)
      %dma_wait3A_101 = arith.constant 0 : i32
      %dma_wait3A_102 = arith.constant 0 : i32
      %dma_wait3A_103 = tpu.memref_slice %arg2[%run_scoped3A_7, %add3A, %dma_wait3A_101, %dma_wait3A_102] : memref<2x32x125x80xi32, #tpu.memory_space<hbm>> -> memref<1x1x125x80xi32, #tpu.memory_space<hbm>>
      %dma_wait3A_104 = tpu.memref_squeeze %dma_wait3A_103 : memref<1x1x125x80xi32, #tpu.memory_space<hbm>> -> memref<125x80xi32, #tpu.memory_space<hbm>>
      %dma_wait3A_105 = arith.constant 0 : i32
      %dma_wait3A_106 = arith.constant 0 : i32
      %dma_wait3A_107 = tpu.memref_slice %arg2[%run_scoped3A_7, %add3A, %dma_wait3A_105, %dma_wait3A_106] : memref<2x32x125x80xi32, #tpu.memory_space<hbm>> -> memref<1x1x125x80xi32, #tpu.memory_space<hbm>>
      %dma_wait3A_108 = tpu.memref_squeeze %dma_wait3A_107 : memref<1x1x125x80xi32, #tpu.memory_space<hbm>> -> memref<125x80xi32, #tpu.memory_space<hbm>>
      tpu.wait_dma2 semaphore(%run_scoped3A_93 : memref<!tpu.dma_semaphore, #tpu.memory_space<semaphore_mem>>) src(%dma_wait3A_108 : memref<125x80xi32, #tpu.memory_space<hbm>>) dst(%arg8 : memref<125x80xi32, #tpu.memory_space<vmem>>)
      tpu.yield
    }) : () -> ()
    %broadcast_in_dim3A = arith.constant 1.000000e+00 : f32
    %broadcast_in_dim3A_8 = vector.broadcast %broadcast_in_dim3A : f32 to vector<16xf32>
    %swap3A = arith.constant 0 : index
    %swap3A_9 = tpu.vector_load %arg9[%swap3A] {strides = array<i32>} : memref<80xf32, #tpu.memory_space<vmem>>, vector<16xf32>,
    %swap3A_10 = vector.shape_cast %swap3A_9 : vector<16xf32> to vector<16xf32>
    %swap3A_11 = vector.shape_cast %broadcast_in_dim3A_8 : vector<16xf32> to vector<16xf32>
    tpu.vector_store %arg9[%swap3A], %swap3A_11 {strides = array<i32>} : memref<80xf32, #tpu.memory_space<vmem>>, vector<16xf32>,
    %broadcast_in_dim3A_12 = arith.constant 1.000000e+00 : f32
    %broadcast_in_dim3A_13 = vector.broadcast %broadcast_in_dim3A_12 : f32 to vector<16xf32>
    %swap3A_14 = arith.constant 16 : index
    %swap3A_15 = tpu.vector_load %arg9[%swap3A_14] {strides = array<i32>} : memref<80xf32, #tpu.memory_space<vmem>>, vector<16xf32>,
    %swap3A_16 = vector.shape_cast %swap3A_15 : vector<16xf32> to vector<16xf32>
    %swap3A_17 = vector.shape_cast %broadcast_in_dim3A_13 : vector<16xf32> to vector<16xf32>
    tpu.vector_store %arg9[%swap3A_14], %swap3A_17 {strides = array<i32>} : memref<80xf32, #tpu.memory_space<vmem>>, vector<16xf32>,
    %broadcast_in_dim3A_18 = arith.constant 1.000000e+00 : f32
    %broadcast_in_dim3A_19 = vector.broadcast %broadcast_in_dim3A_18 : f32 to vector<16xf32>
    %swap3A_20 = arith.constant 32 : index
    %swap3A_21 = tpu.vector_load %arg9[%swap3A_20] {strides = array<i32>} : memref<80xf32, #tpu.memory_space<vmem>>, vector<16xf32>,
    %swap3A_22 = vector.shape_cast %swap3A_21 : vector<16xf32> to vector<16xf32>
    %swap3A_23 = vector.shape_cast %broadcast_in_dim3A_19 : vector<16xf32> to vector<16xf32>
    tpu.vector_store %arg9[%swap3A_20], %swap3A_23 {strides = array<i32>} : memref<80xf32, #tpu.memory_space<vmem>>, vector<16xf32>,
    %broadcast_in_dim3A_24 = arith.constant 1.000000e+00 : f32
    %broadcast_in_dim3A_25 = vector.broadcast %broadcast_in_dim3A_24 : f32 to vector<16xf32>
    %swap3A_26 = arith.constant 48 : index
    %swap3A_27 = tpu.vector_load %arg9[%swap3A_26] {strides = array<i32>} : memref<80xf32, #tpu.memory_space<vmem>>, vector<16xf32>,
    %swap3A_28 = vector.shape_cast %swap3A_27 : vector<16xf32> to vector<16xf32>
    %swap3A_29 = vector.shape_cast %broadcast_in_dim3A_25 : vector<16xf32> to vector<16xf32>
    tpu.vector_store %arg9[%swap3A_26], %swap3A_29 {strides = array<i32>} : memref<80xf32, #tpu.memory_space<vmem>>, vector<16xf32>,
    %broadcast_in_dim3A_30 = arith.constant 1.000000e+00 : f32
    %broadcast_in_dim3A_31 = vector.broadcast %broadcast_in_dim3A_30 : f32 to vector<16xf32>
    %swap3A_32 = arith.constant 64 : index
    %swap3A_33 = tpu.vector_load %arg9[%swap3A_32] {strides = array<i32>} : memref<80xf32, #tpu.memory_space<vmem>>, vector<16xf32>,
    %swap3A_34 = vector.shape_cast %swap3A_33 : vector<16xf32> to vector<16xf32>
    %swap3A_35 = vector.shape_cast %broadcast_in_dim3A_31 : vector<16xf32> to vector<16xf32>
    tpu.vector_store %arg9[%swap3A_32], %swap3A_35 {strides = array<i32>} : memref<80xf32, #tpu.memory_space<vmem>>, vector<16xf32>,
    %barrier3A = arith.constant 0 : index
    tpu.barrier barrier_id(%barrier3A)
    %scan3A = arith.constant 0 : i32
    %scan3A_36 = arith.constant 0 : i32
    %scan3A_37 = arith.constant 125 : i32
    %scan3A_38 = arith.addi %scan3A_36, %scan3A_37 : i32
    %scan3A_39 = arith.constant 1 : i32
    scf.for %scan3A_93 = %scan3A_36 to %scan3A_38 step %scan3A_39  : i32 {
      %ge3A = arith.constant 4 : i32
      %ge3A_94 = arith.cmpi sge, %scan3A_93, %ge3A : i32
      %convert_element_type3A_95 = arith.extui %ge3A_94 : i1 to i32
      %cond3A_96 = arith.constant 0 : i32
      %cond3A_97 = arith.cmpi ne, %convert_element_type3A_95, %cond3A_96 : i32
      scf.if %cond3A_97 {
        %sub3A = arith.constant 4 : i32
        %sub3A_107 = arith.subi %scan3A_93, %sub3A : i32
        %dma_wait3A_108 = arith.constant 0 : i32
        %dma_wait3A_109 = tpu.memref_slice %arg7[%sub3A_107, %dma_wait3A_108] : memref<125x80xi32, #tpu.memory_space<vmem>> -> memref<1x80xi32, #tpu.memory_space<vmem>>
        %dma_wait3A_110 = tpu.memref_squeeze %dma_wait3A_109 : memref<1x80xi32, #tpu.memory_space<vmem>> -> memref<80xi32, #tpu.memory_space<vmem>>
        %dma_wait3A_111 = arith.constant 0 : i32
        %dma_wait3A_112 = tpu.memref_slice %arg5[%dma_wait3A_111] : memref<10000xf32, #tpu.memory_space<vmem_shared>> -> memref<10000xf32, #tpu.memory_space<vmem_shared>>
        tpu.wait_indirect_dma semaphore(%arg10 : memref<!tpu.dma_semaphore, #tpu.memory_space<semaphore_mem>>) src(%arg9 : memref<80xf32, #tpu.memory_space<vmem>>) dst(%dma_wait3A_112 : memref<10000xf32, #tpu.memory_space<vmem_shared>>)
        %sub3A_113 = arith.constant 4 : i32
        %sub3A_114 = arith.subi %scan3A_93, %sub3A_113 : i32
        %dma_wait3A_115 = arith.constant 0 : i32
        %dma_wait3A_116 = tpu.memref_slice %arg8[%sub3A_114, %dma_wait3A_115] : memref<125x80xi32, #tpu.memory_space<vmem>> -> memref<1x80xi32, #tpu.memory_space<vmem>>
        %dma_wait3A_117 = tpu.memref_squeeze %dma_wait3A_116 : memref<1x80xi32, #tpu.memory_space<vmem>> -> memref<80xi32, #tpu.memory_space<vmem>>
        %dma_wait3A_118 = arith.constant 0 : i32
        %dma_wait3A_119 = tpu.memref_slice %arg6[%dma_wait3A_118] : memref<10000xf32, #tpu.memory_space<vmem_shared>> -> memref<10000xf32, #tpu.memory_space<vmem_shared>>
        tpu.wait_indirect_dma semaphore(%arg11 : memref<!tpu.dma_semaphore, #tpu.memory_space<semaphore_mem>>) src(%arg9 : memref<80xf32, #tpu.memory_space<vmem>>) dst(%dma_wait3A_119 : memref<10000xf32, #tpu.memory_space<vmem_shared>>)
      } else {
      }
      %dma_start3A = arith.constant 0 : i32
      %dma_start3A_98 = tpu.memref_slice %arg7[%scan3A_93, %dma_start3A] : memref<125x80xi32, #tpu.memory_space<vmem>> -> memref<1x80xi32, #tpu.memory_space<vmem>>
      %dma_start3A_99 = tpu.memref_squeeze %dma_start3A_98 : memref<1x80xi32, #tpu.memory_space<vmem>> -> memref<80xi32, #tpu.memory_space<vmem>>
      %dma_start3A_100 = arith.constant 0 : i32
      %dma_start3A_101 = tpu.memref_slice %arg5[%dma_start3A_100] : memref<10000xf32, #tpu.memory_space<vmem_shared>> -> memref<10000xf32, #tpu.memory_space<vmem_shared>>
      tpu.enqueue_indirect_dma source(%arg9 : memref<80xf32, #tpu.memory_space<vmem>>) target(%dma_start3A_101 : memref<10000xf32, #tpu.memory_space<vmem_shared>>) offsets(%dma_start3A_99 : memref<80xi32, #tpu.memory_space<vmem>>) semaphore(%arg10 : memref<!tpu.dma_semaphore, #tpu.memory_space<semaphore_mem>>) {add = true}
      %dma_start3A_102 = arith.constant 0 : i32
      %dma_start3A_103 = tpu.memref_slice %arg8[%scan3A_93, %dma_start3A_102] : memref<125x80xi32, #tpu.memory_space<vmem>> -> memref<1x80xi32, #tpu.memory_space<vmem>>
      %dma_start3A_104 = tpu.memref_squeeze %dma_start3A_103 : memref<1x80xi32, #tpu.memory_space<vmem>> -> memref<80xi32, #tpu.memory_space<vmem>>
      %dma_start3A_105 = arith.constant 0 : i32
      %dma_start3A_106 = tpu.memref_slice %arg6[%dma_start3A_105] : memref<10000xf32, #tpu.memory_space<vmem_shared>> -> memref<10000xf32, #tpu.memory_space<vmem_shared>>
      tpu.enqueue_indirect_dma source(%arg9 : memref<80xf32, #tpu.memory_space<vmem>>) target(%dma_start3A_106 : memref<10000xf32, #tpu.memory_space<vmem_shared>>) offsets(%dma_start3A_104 : memref<80xi32, #tpu.memory_space<vmem>>) semaphore(%arg11 : memref<!tpu.dma_semaphore, #tpu.memory_space<semaphore_mem>>) {add = true}
    }
    %scan3A_40 = arith.constant 125 : i32
    %dma_wait3A = arith.constant 121 : i32
    %dma_wait3A_41 = arith.constant 0 : i32
    %dma_wait3A_42 = tpu.memref_slice %arg7[%dma_wait3A, %dma_wait3A_41] : memref<125x80xi32, #tpu.memory_space<vmem>> -> memref<1x80xi32, #tpu.memory_space<vmem>>
    %dma_wait3A_43 = tpu.memref_squeeze %dma_wait3A_42 : memref<1x80xi32, #tpu.memory_space<vmem>> -> memref<80xi32, #tpu.memory_space<vmem>>
    %dma_wait3A_44 = arith.constant 0 : i32
    %dma_wait3A_45 = tpu.memref_slice %arg5[%dma_wait3A_44] : memref<10000xf32, #tpu.memory_space<vmem_shared>> -> memref<10000xf32, #tpu.memory_space<vmem_shared>>
    tpu.wait_indirect_dma semaphore(%arg10 : memref<!tpu.dma_semaphore, #tpu.memory_space<semaphore_mem>>) src(%arg9 : memref<80xf32, #tpu.memory_space<vmem>>) dst(%dma_wait3A_45 : memref<10000xf32, #tpu.memory_space<vmem_shared>>)
    %dma_wait3A_46 = arith.constant 121 : i32
    %dma_wait3A_47 = arith.constant 0 : i32
    %dma_wait3A_48 = tpu.memref_slice %arg8[%dma_wait3A_46, %dma_wait3A_47] : memref<125x80xi32, #tpu.memory_space<vmem>> -> memref<1x80xi32, #tpu.memory_space<vmem>>
    %dma_wait3A_49 = tpu.memref_squeeze %dma_wait3A_48 : memref<1x80xi32, #tpu.memory_space<vmem>> -> memref<80xi32, #tpu.memory_space<vmem>>
    %dma_wait3A_50 = arith.constant 0 : i32
    %dma_wait3A_51 = tpu.memref_slice %arg6[%dma_wait3A_50] : memref<10000xf32, #tpu.memory_space<vmem_shared>> -> memref<10000xf32, #tpu.memory_space<vmem_shared>>
    tpu.wait_indirect_dma semaphore(%arg11 : memref<!tpu.dma_semaphore, #tpu.memory_space<semaphore_mem>>) src(%arg9 : memref<80xf32, #tpu.memory_space<vmem>>) dst(%dma_wait3A_51 : memref<10000xf32, #tpu.memory_space<vmem_shared>>)
    %dma_wait3A_52 = arith.constant 122 : i32
    %dma_wait3A_53 = arith.constant 0 : i32
    %dma_wait3A_54 = tpu.memref_slice %arg7[%dma_wait3A_52, %dma_wait3A_53] : memref<125x80xi32, #tpu.memory_space<vmem>> -> memref<1x80xi32, #tpu.memory_space<vmem>>
    %dma_wait3A_55 = tpu.memref_squeeze %dma_wait3A_54 : memref<1x80xi32, #tpu.memory_space<vmem>> -> memref<80xi32, #tpu.memory_space<vmem>>
    %dma_wait3A_56 = arith.constant 0 : i32
    %dma_wait3A_57 = tpu.memref_slice %arg5[%dma_wait3A_56] : memref<10000xf32, #tpu.memory_space<vmem_shared>> -> memref<10000xf32, #tpu.memory_space<vmem_shared>>
    tpu.wait_indirect_dma semaphore(%arg10 : memref<!tpu.dma_semaphore, #tpu.memory_space<semaphore_mem>>) src(%arg9 : memref<80xf32, #tpu.memory_space<vmem>>) dst(%dma_wait3A_57 : memref<10000xf32, #tpu.memory_space<vmem_shared>>)
    %dma_wait3A_58 = arith.constant 122 : i32
    %dma_wait3A_59 = arith.constant 0 : i32
    %dma_wait3A_60 = tpu.memref_slice %arg8[%dma_wait3A_58, %dma_wait3A_59] : memref<125x80xi32, #tpu.memory_space<vmem>> -> memref<1x80xi32, #tpu.memory_space<vmem>>
    %dma_wait3A_61 = tpu.memref_squeeze %dma_wait3A_60 : memref<1x80xi32, #tpu.memory_space<vmem>> -> memref<80xi32, #tpu.memory_space<vmem>>
    %dma_wait3A_62 = arith.constant 0 : i32
    %dma_wait3A_63 = tpu.memref_slice %arg6[%dma_wait3A_62] : memref<10000xf32, #tpu.memory_space<vmem_shared>> -> memref<10000xf32, #tpu.memory_space<vmem_shared>>
    tpu.wait_indirect_dma semaphore(%arg11 : memref<!tpu.dma_semaphore, #tpu.memory_space<semaphore_mem>>) src(%arg9 : memref<80xf32, #tpu.memory_space<vmem>>) dst(%dma_wait3A_63 : memref<10000xf32, #tpu.memory_space<vmem_shared>>)
    %dma_wait3A_64 = arith.constant 123 : i32
    %dma_wait3A_65 = arith.constant 0 : i32
    %dma_wait3A_66 = tpu.memref_slice %arg7[%dma_wait3A_64, %dma_wait3A_65] : memref<125x80xi32, #tpu.memory_space<vmem>> -> memref<1x80xi32, #tpu.memory_space<vmem>>
    %dma_wait3A_67 = tpu.memref_squeeze %dma_wait3A_66 : memref<1x80xi32, #tpu.memory_space<vmem>> -> memref<80xi32, #tpu.memory_space<vmem>>
    %dma_wait3A_68 = arith.constant 0 : i32
    %dma_wait3A_69 = tpu.memref_slice %arg5[%dma_wait3A_68] : memref<10000xf32, #tpu.memory_space<vmem_shared>> -> memref<10000xf32, #tpu.memory_space<vmem_shared>>
    tpu.wait_indirect_dma semaphore(%arg10 : memref<!tpu.dma_semaphore, #tpu.memory_space<semaphore_mem>>) src(%arg9 : memref<80xf32, #tpu.memory_space<vmem>>) dst(%dma_wait3A_69 : memref<10000xf32, #tpu.memory_space<vmem_shared>>)
    %dma_wait3A_70 = arith.constant 123 : i32
    %dma_wait3A_71 = arith.constant 0 : i32
    %dma_wait3A_72 = tpu.memref_slice %arg8[%dma_wait3A_70, %dma_wait3A_71] : memref<125x80xi32, #tpu.memory_space<vmem>> -> memref<1x80xi32, #tpu.memory_space<vmem>>
    %dma_wait3A_73 = tpu.memref_squeeze %dma_wait3A_72 : memref<1x80xi32, #tpu.memory_space<vmem>> -> memref<80xi32, #tpu.memory_space<vmem>>
    %dma_wait3A_74 = arith.constant 0 : i32
    %dma_wait3A_75 = tpu.memref_slice %arg6[%dma_wait3A_74] : memref<10000xf32, #tpu.memory_space<vmem_shared>> -> memref<10000xf32, #tpu.memory_space<vmem_shared>>
    tpu.wait_indirect_dma semaphore(%arg11 : memref<!tpu.dma_semaphore, #tpu.memory_space<semaphore_mem>>) src(%arg9 : memref<80xf32, #tpu.memory_space<vmem>>) dst(%dma_wait3A_75 : memref<10000xf32, #tpu.memory_space<vmem_shared>>)
    %dma_wait3A_76 = arith.constant 124 : i32
    %dma_wait3A_77 = arith.constant 0 : i32
    %dma_wait3A_78 = tpu.memref_slice %arg7[%dma_wait3A_76, %dma_wait3A_77] : memref<125x80xi32, #tpu.memory_space<vmem>> -> memref<1x80xi32, #tpu.memory_space<vmem>>
    %dma_wait3A_79 = tpu.memref_squeeze %dma_wait3A_78 : memref<1x80xi32, #tpu.memory_space<vmem>> -> memref<80xi32, #tpu.memory_space<vmem>>
    %dma_wait3A_80 = arith.constant 0 : i32
    %dma_wait3A_81 = tpu.memref_slice %arg5[%dma_wait3A_80] : memref<10000xf32, #tpu.memory_space<vmem_shared>> -> memref<10000xf32, #tpu.memory_space<vmem_shared>>
    tpu.wait_indirect_dma semaphore(%arg10 : memref<!tpu.dma_semaphore, #tpu.memory_space<semaphore_mem>>) src(%arg9 : memref<80xf32, #tpu.memory_space<vmem>>) dst(%dma_wait3A_81 : memref<10000xf32, #tpu.memory_space<vmem_shared>>)
    %dma_wait3A_82 = arith.constant 124 : i32
    %dma_wait3A_83 = arith.constant 0 : i32
    %dma_wait3A_84 = tpu.memref_slice %arg8[%dma_wait3A_82, %dma_wait3A_83] : memref<125x80xi32, #tpu.memory_space<vmem>> -> memref<1x80xi32, #tpu.memory_space<vmem>>
    %dma_wait3A_85 = tpu.memref_squeeze %dma_wait3A_84 : memref<1x80xi32, #tpu.memory_space<vmem>> -> memref<80xi32, #tpu.memory_space<vmem>>
    %dma_wait3A_86 = arith.constant 0 : i32
    %dma_wait3A_87 = tpu.memref_slice %arg6[%dma_wait3A_86] : memref<10000xf32, #tpu.memory_space<vmem_shared>> -> memref<10000xf32, #tpu.memory_space<vmem_shared>>
    tpu.wait_indirect_dma semaphore(%arg11 : memref<!tpu.dma_semaphore, #tpu.memory_space<semaphore_mem>>) src(%arg9 : memref<80xf32, #tpu.memory_space<vmem>>) dst(%dma_wait3A_87 : memref<10000xf32, #tpu.memory_space<vmem_shared>>)
    %barrier3A_88 = arith.constant 0 : index
    tpu.barrier barrier_id(%barrier3A_88)
    %lt3A = arith.constant 5 : i32
    %lt3A_89 = arith.cmpi slt, %arg1, %lt3A : i32
    %convert_element_type3A_90 = arith.extui %lt3A_89 : i1 to i32
    %cond3A_91 = arith.constant 0 : i32
    %cond3A_92 = arith.cmpi ne, %convert_element_type3A_90, %cond3A_91 : i32
    scf.if %cond3A_92 {
      %mul3A_93 = arith.constant 2000 : i32
      %mul3A_94 = arith.muli %arg1, %mul3A_93 : i32
      %mul3A_95 = arith.constant 2 : i32
      %mul3A_96 = arith.muli %mul3A_95, %arg0 : i32
      "tpu.region"() ({
        %run_scoped3A_103 = tpu.sem_alloc : memref<!tpu.dma_semaphore, #tpu.memory_space<semaphore_mem>>
        %dma_start3A = arith.constant 0 : i32
        %dma_start3A_104 = tpu.memref_slice %arg4[%arg1, %mul3A_96, %dma_start3A] : memref<5x4x2000xf32, #tpu.memory_space<hbm>> -> memref<1x1x2000xf32, #tpu.memory_space<hbm>>
        %dma_start3A_105 = tpu.memref_squeeze %dma_start3A_104 : memref<1x1x2000xf32, #tpu.memory_space<hbm>> -> memref<2000xf32, #tpu.memory_space<hbm>>
        %dma_start3A_106 = tpu.memref_slice %arg5[%mul3A_94] : memref<10000xf32, #tpu.memory_space<vmem_shared>> -> memref<2000xf32, #tpu.memory_space<vmem_shared>>
        tpu.enqueue_dma source(%dma_start3A_106 : memref<2000xf32, #tpu.memory_space<vmem_shared>>) target(%dma_start3A_105 : memref<2000xf32, #tpu.memory_space<hbm>>) target_semaphore(%run_scoped3A_103 : memref<!tpu.dma_semaphore, #tpu.memory_space<semaphore_mem>>)
        %dma_wait3A_107 = arith.constant 0 : i32
        %dma_wait3A_108 = tpu.memref_slice %arg4[%arg1, %mul3A_96, %dma_wait3A_107] : memref<5x4x2000xf32, #tpu.memory_space<hbm>> -> memref<1x1x2000xf32, #tpu.memory_space<hbm>>
        %dma_wait3A_109 = tpu.memref_squeeze %dma_wait3A_108 : memref<1x1x2000xf32, #tpu.memory_space<hbm>> -> memref<2000xf32, #tpu.memory_space<hbm>>
        %dma_wait3A_110 = tpu.memref_slice %arg5[%mul3A_94] : memref<10000xf32, #tpu.memory_space<vmem_shared>> -> memref<2000xf32, #tpu.memory_space<vmem_shared>>
        tpu.wait_dma2 semaphore(%run_scoped3A_103 : memref<!tpu.dma_semaphore, #tpu.memory_space<semaphore_mem>>) src(%dma_wait3A_110 : memref<2000xf32, #tpu.memory_space<vmem_shared>>) dst(%dma_wait3A_109 : memref<2000xf32, #tpu.memory_space<hbm>>)
        tpu.yield
      }) : () -> ()
      %mul3A_97 = arith.constant 2000 : i32
      %mul3A_98 = arith.muli %arg1, %mul3A_97 : i32
      %mul3A_99 = arith.constant 2 : i32
      %mul3A_100 = arith.muli %mul3A_99, %arg0 : i32
      %add3A_101 = arith.constant 1 : i32
      %add3A_102 = arith.addi %mul3A_100, %add3A_101 : i32
      "tpu.region"() ({
        %run_scoped3A_103 = tpu.sem_alloc : memref<!tpu.dma_semaphore, #tpu.memory_space<semaphore_mem>>
        %dma_start3A = arith.constant 0 : i32
        %dma_start3A_104 = tpu.memref_slice %arg4[%arg1, %add3A_102, %dma_start3A] : memref<5x4x2000xf32, #tpu.memory_space<hbm>> -> memref<1x1x2000xf32, #tpu.memory_space<hbm>>
        %dma_start3A_105 = tpu.memref_squeeze %dma_start3A_104 : memref<1x1x2000xf32, #tpu.memory_space<hbm>> -> memref<2000xf32, #tpu.memory_space<hbm>>
        %dma_start3A_106 = tpu.memref_slice %arg6[%mul3A_98] : memref<10000xf32, #tpu.memory_space<vmem_shared>> -> memref<2000xf32, #tpu.memory_space<vmem_shared>>
        tpu.enqueue_dma source(%dma_start3A_106 : memref<2000xf32, #tpu.memory_space<vmem_shared>>) target(%dma_start3A_105 : memref<2000xf32, #tpu.memory_space<hbm>>) target_semaphore(%run_scoped3A_103 : memref<!tpu.dma_semaphore, #tpu.memory_space<semaphore_mem>>)
        %dma_wait3A_107 = arith.constant 0 : i32
        %dma_wait3A_108 = tpu.memref_slice %arg4[%arg1, %add3A_102, %dma_wait3A_107] : memref<5x4x2000xf32, #tpu.memory_space<hbm>> -> memref<1x1x2000xf32, #tpu.memory_space<hbm>>
        %dma_wait3A_109 = tpu.memref_squeeze %dma_wait3A_108 : memref<1x1x2000xf32, #tpu.memory_space<hbm>> -> memref<2000xf32, #tpu.memory_space<hbm>>
        %dma_wait3A_110 = tpu.memref_slice %arg6[%mul3A_98] : memref<10000xf32, #tpu.memory_space<vmem_shared>> -> memref<2000xf32, #tpu.memory_space<vmem_shared>>
        tpu.wait_dma2 semaphore(%run_scoped3A_103 : memref<!tpu.dma_semaphore, #tpu.memory_space<semaphore_mem>>) src(%dma_wait3A_110 : memref<2000xf32, #tpu.memory_space<vmem_shared>>) dst(%dma_wait3A_109 : memref<2000xf32, #tpu.memory_space<hbm>>)
        tpu.yield
      }) : () -> ()
    } else {
    }
    return
  }
}

#map = affine_map<(d0, d1) -> (0, 0)>
#map1 = affine_map<(d0, d1) -> (0, 0, 0, 0)>
module attributes {stable_mosaic.version = 14 : i64} {
  func.func @_segsum_body(%arg0: i32, %arg1: i32, %arg2: memref<10000x64xf32, #tpu.memory_space<hbm>>, %arg3: memref<2x32x125x80xi32, #tpu.memory_space<hbm>>, %arg4: memref<624x64xf32, #tpu.memory_space<hbm>>, %arg5: memref<10000x128xf32, #tpu.memory_space<hbm>>, %arg6: memref<10000x64xf32, #tpu.memory_space<vmem_shared>>, %arg7: memref<125x80xi32, #tpu.memory_space<vmem>>, %arg8: memref<125x80xi32, #tpu.memory_space<vmem>>, %arg9: memref<80x64xf32, #tpu.memory_space<vmem>>, %arg10: memref<80x64xf32, #tpu.memory_space<vmem>>, %arg11: memref<80x64xf32, #tpu.memory_space<vmem>>, %arg12: memref<80x64xf32, #tpu.memory_space<vmem>>, %arg13: memref<80x64xf32, #tpu.memory_space<vmem>>, %arg14: memref<!tpu.dma_semaphore, #tpu.memory_space<semaphore_mem>>, %arg15: memref<!tpu.dma_semaphore, #tpu.memory_space<semaphore_mem>>, %arg16: memref<!tpu.dma_semaphore, #tpu.memory_space<semaphore_mem>>, %arg17: memref<!tpu.dma_semaphore, #tpu.memory_space<semaphore_mem>>, %arg18: memref<!tpu.dma_semaphore, #tpu.memory_space<semaphore_mem>>, %arg19: memref<!tpu.dma_semaphore, #tpu.memory_space<semaphore_mem>>, %arg20: memref<!tpu.dma_semaphore, #tpu.memory_space<semaphore_mem>>, %arg21: memref<!tpu.dma_semaphore, #tpu.memory_space<semaphore_mem>>, %arg22: memref<!tpu.dma_semaphore, #tpu.memory_space<semaphore_mem>>, %arg23: memref<!tpu.dma_semaphore, #tpu.memory_space<semaphore_mem>>) attributes {dimension_semantics = [#tpu.dimension_semantics<core_parallel>, #tpu.dimension_semantics<subcore_parallel>], iteration_bounds = array<i64: 2, 16>, scalar_prefetch = 0 : i64, scratch_operands = 18 : i64, tpu.core_type = #tpu.core_type<sc_vector_subcore>, window_params = [{transform_indices = #map}, {transform_indices = #map1}, {transform_indices = #map}, {transform_indices = #map}]} {
    %mul3A = arith.constant 2 : i32
    %mul3A_0 = arith.muli %arg1, %mul3A : i32
    %add3A = arith.addi %mul3A_0, %arg0 : i32
    %mul3A_1 = arith.constant 624 : i32
    %mul3A_2 = arith.muli %arg1, %mul3A_1 : i32
    "tpu.region"() ({
      %run_scoped3A_84 = tpu.sem_alloc : memref<!tpu.dma_semaphore, #tpu.memory_space<semaphore_mem>>
      %dma_start3A_85 = arith.constant 0 : i32
      %dma_start3A_86 = tpu.memref_slice %arg6[%mul3A_2, %dma_start3A_85] : memref<10000x64xf32, #tpu.memory_space<vmem_shared>> -> memref<624x64xf32, #tpu.memory_space<vmem_shared>>
      tpu.enqueue_dma source(%arg4 : memref<624x64xf32, #tpu.memory_space<hbm>>) target(%dma_start3A_86 : memref<624x64xf32, #tpu.memory_space<vmem_shared>>) target_semaphore(%run_scoped3A_84 : memref<!tpu.dma_semaphore, #tpu.memory_space<semaphore_mem>>)
      %dma_wait3A_87 = arith.constant 0 : i32
      %dma_wait3A_88 = tpu.memref_slice %arg6[%mul3A_2, %dma_wait3A_87] : memref<10000x64xf32, #tpu.memory_space<vmem_shared>> -> memref<624x64xf32, #tpu.memory_space<vmem_shared>>
      tpu.wait_dma2 semaphore(%run_scoped3A_84 : memref<!tpu.dma_semaphore, #tpu.memory_space<semaphore_mem>>) src(%arg4 : memref<624x64xf32, #tpu.memory_space<hbm>>) dst(%dma_wait3A_88 : memref<624x64xf32, #tpu.memory_space<vmem_shared>>)
      tpu.yield
    }) : () -> ()
    %eq3A = arith.constant 0 : i32
    %eq3A_3 = arith.cmpi eq, %arg1, %eq3A : i32
    %convert_element_type3A = arith.extui %eq3A_3 : i1 to i32
    %cond3A = arith.constant 0 : i32
    %cond3A_4 = arith.cmpi ne, %convert_element_type3A, %cond3A : i32
    scf.if %cond3A_4 {
      "tpu.region"() ({
        %run_scoped3A_84 = tpu.sem_alloc : memref<!tpu.dma_semaphore, #tpu.memory_space<semaphore_mem>>
        %dma_start3A_85 = arith.constant 9984 : i32
        %dma_start3A_86 = arith.constant 0 : i32
        %dma_start3A_87 = tpu.memref_slice %arg6[%dma_start3A_85, %dma_start3A_86] : memref<10000x64xf32, #tpu.memory_space<vmem_shared>> -> memref<16x64xf32, #tpu.memory_space<vmem_shared>>
        %dma_start3A_88 = arith.constant 0 : i32
        %dma_start3A_89 = arith.constant 0 : i32
        %dma_start3A_90 = tpu.memref_slice %arg4[%dma_start3A_88, %dma_start3A_89] : memref<624x64xf32, #tpu.memory_space<hbm>> -> memref<16x64xf32, #tpu.memory_space<hbm>>
        tpu.enqueue_dma source(%dma_start3A_90 : memref<16x64xf32, #tpu.memory_space<hbm>>) target(%dma_start3A_87 : memref<16x64xf32, #tpu.memory_space<vmem_shared>>) target_semaphore(%run_scoped3A_84 : memref<!tpu.dma_semaphore, #tpu.memory_space<semaphore_mem>>)
        %dma_wait3A_91 = arith.constant 9984 : i32
        %dma_wait3A_92 = arith.constant 0 : i32
        %dma_wait3A_93 = tpu.memref_slice %arg6[%dma_wait3A_91, %dma_wait3A_92] : memref<10000x64xf32, #tpu.memory_space<vmem_shared>> -> memref<16x64xf32, #tpu.memory_space<vmem_shared>>
        %dma_wait3A_94 = arith.constant 0 : i32
        %dma_wait3A_95 = arith.constant 0 : i32
        %dma_wait3A_96 = tpu.memref_slice %arg4[%dma_wait3A_94, %dma_wait3A_95] : memref<624x64xf32, #tpu.memory_space<hbm>> -> memref<16x64xf32, #tpu.memory_space<hbm>>
        tpu.wait_dma2 semaphore(%run_scoped3A_84 : memref<!tpu.dma_semaphore, #tpu.memory_space<semaphore_mem>>) src(%dma_wait3A_96 : memref<16x64xf32, #tpu.memory_space<hbm>>) dst(%dma_wait3A_93 : memref<16x64xf32, #tpu.memory_space<vmem_shared>>)
        tpu.yield
      }) : () -> ()
    } else {
    }
    %run_scoped3A = arith.constant 0 : i32
    "tpu.region"() ({
      %run_scoped3A_84 = tpu.sem_alloc : memref<!tpu.dma_semaphore, #tpu.memory_space<semaphore_mem>>
      %dma_start3A_85 = arith.constant 0 : i32
      %dma_start3A_86 = arith.constant 0 : i32
      %dma_start3A_87 = tpu.memref_slice %arg3[%run_scoped3A, %add3A, %dma_start3A_85, %dma_start3A_86] : memref<2x32x125x80xi32, #tpu.memory_space<hbm>> -> memref<1x1x125x80xi32, #tpu.memory_space<hbm>>
      %dma_start3A_88 = tpu.memref_squeeze %dma_start3A_87 : memref<1x1x125x80xi32, #tpu.memory_space<hbm>> -> memref<125x80xi32, #tpu.memory_space<hbm>>
      %dma_start3A_89 = arith.constant 0 : i32
      %dma_start3A_90 = arith.constant 0 : i32
      %dma_start3A_91 = tpu.memref_slice %arg3[%run_scoped3A, %add3A, %dma_start3A_89, %dma_start3A_90] : memref<2x32x125x80xi32, #tpu.memory_space<hbm>> -> memref<1x1x125x80xi32, #tpu.memory_space<hbm>>
      %dma_start3A_92 = tpu.memref_squeeze %dma_start3A_91 : memref<1x1x125x80xi32, #tpu.memory_space<hbm>> -> memref<125x80xi32, #tpu.memory_space<hbm>>
      tpu.enqueue_dma source(%dma_start3A_92 : memref<125x80xi32, #tpu.memory_space<hbm>>) target(%arg7 : memref<125x80xi32, #tpu.memory_space<vmem>>) target_semaphore(%run_scoped3A_84 : memref<!tpu.dma_semaphore, #tpu.memory_space<semaphore_mem>>)
      %dma_wait3A_93 = arith.constant 0 : i32
      %dma_wait3A_94 = arith.constant 0 : i32
      %dma_wait3A_95 = tpu.memref_slice %arg3[%run_scoped3A, %add3A, %dma_wait3A_93, %dma_wait3A_94] : memref<2x32x125x80xi32, #tpu.memory_space<hbm>> -> memref<1x1x125x80xi32, #tpu.memory_space<hbm>>
      %dma_wait3A_96 = tpu.memref_squeeze %dma_wait3A_95 : memref<1x1x125x80xi32, #tpu.memory_space<hbm>> -> memref<125x80xi32, #tpu.memory_space<hbm>>
      %dma_wait3A_97 = arith.constant 0 : i32
      %dma_wait3A_98 = arith.constant 0 : i32
      %dma_wait3A_99 = tpu.memref_slice %arg3[%run_scoped3A, %add3A, %dma_wait3A_97, %dma_wait3A_98] : memref<2x32x125x80xi32, #tpu.memory_space<hbm>> -> memref<1x1x125x80xi32, #tpu.memory_space<hbm>>
      %dma_wait3A_100 = tpu.memref_squeeze %dma_wait3A_99 : memref<1x1x125x80xi32, #tpu.memory_space<hbm>> -> memref<125x80xi32, #tpu.memory_space<hbm>>
      tpu.wait_dma2 semaphore(%run_scoped3A_84 : memref<!tpu.dma_semaphore, #tpu.memory_space<semaphore_mem>>) src(%dma_wait3A_100 : memref<125x80xi32, #tpu.memory_space<hbm>>) dst(%arg7 : memref<125x80xi32, #tpu.memory_space<vmem>>)
      tpu.yield
    }) : () -> ()
    %run_scoped3A_5 = arith.constant 1 : i32
    "tpu.region"() ({
      %run_scoped3A_84 = tpu.sem_alloc : memref<!tpu.dma_semaphore, #tpu.memory_space<semaphore_mem>>
      %dma_start3A_85 = arith.constant 0 : i32
      %dma_start3A_86 = arith.constant 0 : i32
      %dma_start3A_87 = tpu.memref_slice %arg3[%run_scoped3A_5, %add3A, %dma_start3A_85, %dma_start3A_86] : memref<2x32x125x80xi32, #tpu.memory_space<hbm>> -> memref<1x1x125x80xi32, #tpu.memory_space<hbm>>
      %dma_start3A_88 = tpu.memref_squeeze %dma_start3A_87 : memref<1x1x125x80xi32, #tpu.memory_space<hbm>> -> memref<125x80xi32, #tpu.memory_space<hbm>>
      %dma_start3A_89 = arith.constant 0 : i32
      %dma_start3A_90 = arith.constant 0 : i32
      %dma_start3A_91 = tpu.memref_slice %arg3[%run_scoped3A_5, %add3A, %dma_start3A_89, %dma_start3A_90] : memref<2x32x125x80xi32, #tpu.memory_space<hbm>> -> memref<1x1x125x80xi32, #tpu.memory_space<hbm>>
      %dma_start3A_92 = tpu.memref_squeeze %dma_start3A_91 : memref<1x1x125x80xi32, #tpu.memory_space<hbm>> -> memref<125x80xi32, #tpu.memory_space<hbm>>
      tpu.enqueue_dma source(%dma_start3A_92 : memref<125x80xi32, #tpu.memory_space<hbm>>) target(%arg8 : memref<125x80xi32, #tpu.memory_space<vmem>>) target_semaphore(%run_scoped3A_84 : memref<!tpu.dma_semaphore, #tpu.memory_space<semaphore_mem>>)
      %dma_wait3A_93 = arith.constant 0 : i32
      %dma_wait3A_94 = arith.constant 0 : i32
      %dma_wait3A_95 = tpu.memref_slice %arg3[%run_scoped3A_5, %add3A, %dma_wait3A_93, %dma_wait3A_94] : memref<2x32x125x80xi32, #tpu.memory_space<hbm>> -> memref<1x1x125x80xi32, #tpu.memory_space<hbm>>
      %dma_wait3A_96 = tpu.memref_squeeze %dma_wait3A_95 : memref<1x1x125x80xi32, #tpu.memory_space<hbm>> -> memref<125x80xi32, #tpu.memory_space<hbm>>
      %dma_wait3A_97 = arith.constant 0 : i32
      %dma_wait3A_98 = arith.constant 0 : i32
      %dma_wait3A_99 = tpu.memref_slice %arg3[%run_scoped3A_5, %add3A, %dma_wait3A_97, %dma_wait3A_98] : memref<2x32x125x80xi32, #tpu.memory_space<hbm>> -> memref<1x1x125x80xi32, #tpu.memory_space<hbm>>
      %dma_wait3A_100 = tpu.memref_squeeze %dma_wait3A_99 : memref<1x1x125x80xi32, #tpu.memory_space<hbm>> -> memref<125x80xi32, #tpu.memory_space<hbm>>
      tpu.wait_dma2 semaphore(%run_scoped3A_84 : memref<!tpu.dma_semaphore, #tpu.memory_space<semaphore_mem>>) src(%dma_wait3A_100 : memref<125x80xi32, #tpu.memory_space<hbm>>) dst(%arg8 : memref<125x80xi32, #tpu.memory_space<vmem>>)
      tpu.yield
    }) : () -> ()
    %barrier3A = arith.constant 0 : index
    tpu.barrier barrier_id(%barrier3A)
    %dma_start3A = arith.constant 0 : i32
    %dma_start3A_6 = arith.constant 0 : i32
    %dma_start3A_7 = tpu.memref_slice %arg7[%dma_start3A, %dma_start3A_6] : memref<125x80xi32, #tpu.memory_space<vmem>> -> memref<1x80xi32, #tpu.memory_space<vmem>>
    %dma_start3A_8 = tpu.memref_squeeze %dma_start3A_7 : memref<1x80xi32, #tpu.memory_space<vmem>> -> memref<80xi32, #tpu.memory_space<vmem>>
    %dma_start3A_9 = arith.constant 0 : i32
    %dma_start3A_10 = arith.constant 0 : i32
    %dma_start3A_11 = tpu.memref_slice %arg2[%dma_start3A_9, %dma_start3A_10] : memref<10000x64xf32, #tpu.memory_space<hbm>> -> memref<10000x64xf32, #tpu.memory_space<hbm>>
    tpu.enqueue_indirect_dma source(%dma_start3A_11 : memref<10000x64xf32, #tpu.memory_space<hbm>>) target(%arg9 : memref<80x64xf32, #tpu.memory_space<vmem>>) offsets(%dma_start3A_8 : memref<80xi32, #tpu.memory_space<vmem>>) semaphore(%arg14 : memref<!tpu.dma_semaphore, #tpu.memory_space<semaphore_mem>>)
    %dma_start3A_12 = arith.constant 1 : i32
    %dma_start3A_13 = arith.constant 0 : i32
    %dma_start3A_14 = tpu.memref_slice %arg7[%dma_start3A_12, %dma_start3A_13] : memref<125x80xi32, #tpu.memory_space<vmem>> -> memref<1x80xi32, #tpu.memory_space<vmem>>
    %dma_start3A_15 = tpu.memref_squeeze %dma_start3A_14 : memref<1x80xi32, #tpu.memory_space<vmem>> -> memref<80xi32, #tpu.memory_space<vmem>>
    %dma_start3A_16 = arith.constant 0 : i32
    %dma_start3A_17 = arith.constant 0 : i32
    %dma_start3A_18 = tpu.memref_slice %arg2[%dma_start3A_16, %dma_start3A_17] : memref<10000x64xf32, #tpu.memory_space<hbm>> -> memref<10000x64xf32, #tpu.memory_space<hbm>>
    tpu.enqueue_indirect_dma source(%dma_start3A_18 : memref<10000x64xf32, #tpu.memory_space<hbm>>) target(%arg10 : memref<80x64xf32, #tpu.memory_space<vmem>>) offsets(%dma_start3A_15 : memref<80xi32, #tpu.memory_space<vmem>>) semaphore(%arg15 : memref<!tpu.dma_semaphore, #tpu.memory_space<semaphore_mem>>)
    %dma_start3A_19 = arith.constant 2 : i32
    %dma_start3A_20 = arith.constant 0 : i32
    %dma_start3A_21 = tpu.memref_slice %arg7[%dma_start3A_19, %dma_start3A_20] : memref<125x80xi32, #tpu.memory_space<vmem>> -> memref<1x80xi32, #tpu.memory_space<vmem>>
    %dma_start3A_22 = tpu.memref_squeeze %dma_start3A_21 : memref<1x80xi32, #tpu.memory_space<vmem>> -> memref<80xi32, #tpu.memory_space<vmem>>
    %dma_start3A_23 = arith.constant 0 : i32
    %dma_start3A_24 = arith.constant 0 : i32
    %dma_start3A_25 = tpu.memref_slice %arg2[%dma_start3A_23, %dma_start3A_24] : memref<10000x64xf32, #tpu.memory_space<hbm>> -> memref<10000x64xf32, #tpu.memory_space<hbm>>
    tpu.enqueue_indirect_dma source(%dma_start3A_25 : memref<10000x64xf32, #tpu.memory_space<hbm>>) target(%arg11 : memref<80x64xf32, #tpu.memory_space<vmem>>) offsets(%dma_start3A_22 : memref<80xi32, #tpu.memory_space<vmem>>) semaphore(%arg16 : memref<!tpu.dma_semaphore, #tpu.memory_space<semaphore_mem>>)
    %dma_start3A_26 = arith.constant 3 : i32
    %dma_start3A_27 = arith.constant 0 : i32
    %dma_start3A_28 = tpu.memref_slice %arg7[%dma_start3A_26, %dma_start3A_27] : memref<125x80xi32, #tpu.memory_space<vmem>> -> memref<1x80xi32, #tpu.memory_space<vmem>>
    %dma_start3A_29 = tpu.memref_squeeze %dma_start3A_28 : memref<1x80xi32, #tpu.memory_space<vmem>> -> memref<80xi32, #tpu.memory_space<vmem>>
    %dma_start3A_30 = arith.constant 0 : i32
    %dma_start3A_31 = arith.constant 0 : i32
    %dma_start3A_32 = tpu.memref_slice %arg2[%dma_start3A_30, %dma_start3A_31] : memref<10000x64xf32, #tpu.memory_space<hbm>> -> memref<10000x64xf32, #tpu.memory_space<hbm>>
    tpu.enqueue_indirect_dma source(%dma_start3A_32 : memref<10000x64xf32, #tpu.memory_space<hbm>>) target(%arg12 : memref<80x64xf32, #tpu.memory_space<vmem>>) offsets(%dma_start3A_29 : memref<80xi32, #tpu.memory_space<vmem>>) semaphore(%arg17 : memref<!tpu.dma_semaphore, #tpu.memory_space<semaphore_mem>>)
    %scan3A = arith.constant 0 : i32
    %scan3A_33 = arith.constant 0 : i32
    %scan3A_34 = arith.constant 25 : i32
    %scan3A_35 = arith.addi %scan3A_33, %scan3A_34 : i32
    %scan3A_36 = arith.constant 1 : i32
    scf.for %scan3A_84 = %scan3A_33 to %scan3A_35 step %scan3A_36  : i32 {
      %mul3A_85 = arith.constant 5 : i32
      %mul3A_86 = arith.muli %mul3A_85, %scan3A_84 : i32
      %add3A_87 = arith.constant 0 : i32
      %add3A_88 = arith.addi %mul3A_86, %add3A_87 : i32
      %dma_wait3A_89 = arith.constant 0 : i32
      %dma_wait3A_90 = tpu.memref_slice %arg7[%add3A_88, %dma_wait3A_89] : memref<125x80xi32, #tpu.memory_space<vmem>> -> memref<1x80xi32, #tpu.memory_space<vmem>>
      %dma_wait3A_91 = tpu.memref_squeeze %dma_wait3A_90 : memref<1x80xi32, #tpu.memory_space<vmem>> -> memref<80xi32, #tpu.memory_space<vmem>>
      %dma_wait3A_92 = arith.constant 0 : i32
      %dma_wait3A_93 = arith.constant 0 : i32
      %dma_wait3A_94 = tpu.memref_slice %arg2[%dma_wait3A_92, %dma_wait3A_93] : memref<10000x64xf32, #tpu.memory_space<hbm>> -> memref<10000x64xf32, #tpu.memory_space<hbm>>
      tpu.wait_indirect_dma semaphore(%arg14 : memref<!tpu.dma_semaphore, #tpu.memory_space<semaphore_mem>>) src(%dma_wait3A_94 : memref<10000x64xf32, #tpu.memory_space<hbm>>) dst(%arg9 : memref<80x64xf32, #tpu.memory_space<vmem>>)
      %dma_start3A_95 = arith.constant 0 : i32
      %dma_start3A_96 = tpu.memref_slice %arg8[%add3A_88, %dma_start3A_95] : memref<125x80xi32, #tpu.memory_space<vmem>> -> memref<1x80xi32, #tpu.memory_space<vmem>>
      %dma_start3A_97 = tpu.memref_squeeze %dma_start3A_96 : memref<1x80xi32, #tpu.memory_space<vmem>> -> memref<80xi32, #tpu.memory_space<vmem>>
      %dma_start3A_98 = arith.constant 0 : i32
      %dma_start3A_99 = arith.constant 0 : i32
      %dma_start3A_100 = tpu.memref_slice %arg6[%dma_start3A_98, %dma_start3A_99] : memref<10000x64xf32, #tpu.memory_space<vmem_shared>> -> memref<10000x64xf32, #tpu.memory_space<vmem_shared>>
      tpu.enqueue_indirect_dma source(%arg9 : memref<80x64xf32, #tpu.memory_space<vmem>>) target(%dma_start3A_100 : memref<10000x64xf32, #tpu.memory_space<vmem_shared>>) offsets(%dma_start3A_97 : memref<80xi32, #tpu.memory_space<vmem>>) semaphore(%arg19 : memref<!tpu.dma_semaphore, #tpu.memory_space<semaphore_mem>>) {add = true}
      %add3A_101 = arith.constant 4 : i32
      %add3A_102 = arith.addi %add3A_88, %add3A_101 : i32
      %ge3A = arith.constant 5 : i32
      %ge3A_103 = arith.cmpi sge, %add3A_102, %ge3A : i32
      %lt3A = arith.constant 125 : i32
      %lt3A_104 = arith.cmpi slt, %add3A_102, %lt3A : i32
      %and3A = arith.andi %ge3A_103, %lt3A_104 : i1
      %convert_element_type3A_105 = arith.extui %and3A : i1 to i32
      %cond3A_106 = arith.constant 0 : i32
      %cond3A_107 = arith.cmpi ne, %convert_element_type3A_105, %cond3A_106 : i32
      scf.if %cond3A_107 {
        %sub3A = arith.constant 5 : i32
        %sub3A_237 = arith.subi %add3A_102, %sub3A : i32
        %dma_wait3A_238 = arith.constant 0 : i32
        %dma_wait3A_239 = tpu.memref_slice %arg8[%sub3A_237, %dma_wait3A_238] : memref<125x80xi32, #tpu.memory_space<vmem>> -> memref<1x80xi32, #tpu.memory_space<vmem>>
        %dma_wait3A_240 = tpu.memref_squeeze %dma_wait3A_239 : memref<1x80xi32, #tpu.memory_space<vmem>> -> memref<80xi32, #tpu.memory_space<vmem>>
        %dma_wait3A_241 = arith.constant 0 : i32
        %dma_wait3A_242 = arith.constant 0 : i32
        %dma_wait3A_243 = tpu.memref_slice %arg6[%dma_wait3A_241, %dma_wait3A_242] : memref<10000x64xf32, #tpu.memory_space<vmem_shared>> -> memref<10000x64xf32, #tpu.memory_space<vmem_shared>>
        tpu.wait_indirect_dma semaphore(%arg23 : memref<!tpu.dma_semaphore, #tpu.memory_space<semaphore_mem>>) src(%arg13 : memref<80x64xf32, #tpu.memory_space<vmem>>) dst(%dma_wait3A_243 : memref<10000x64xf32, #tpu.memory_space<vmem_shared>>)
      } else {
      }
      %lt3A_108 = arith.constant 125 : i32
      %lt3A_109 = arith.cmpi slt, %add3A_102, %lt3A_108 : i32
      %convert_element_type3A_110 = arith.extui %lt3A_109 : i1 to i32
      %cond3A_111 = arith.constant 0 : i32
      %cond3A_112 = arith.cmpi ne, %convert_element_type3A_110, %cond3A_111 : i32
      scf.if %cond3A_112 {
        %dma_start3A_237 = arith.constant 0 : i32
        %dma_start3A_238 = tpu.memref_slice %arg7[%add3A_102, %dma_start3A_237] : memref<125x80xi32, #tpu.memory_space<vmem>> -> memref<1x80xi32, #tpu.memory_space<vmem>>
        %dma_start3A_239 = tpu.memref_squeeze %dma_start3A_238 : memref<1x80xi32, #tpu.memory_space<vmem>> -> memref<80xi32, #tpu.memory_space<vmem>>
        %dma_start3A_240 = arith.constant 0 : i32
        %dma_start3A_241 = arith.constant 0 : i32
        %dma_start3A_242 = tpu.memref_slice %arg2[%dma_start3A_240, %dma_start3A_241] : memref<10000x64xf32, #tpu.memory_space<hbm>> -> memref<10000x64xf32, #tpu.memory_space<hbm>>
        tpu.enqueue_indirect_dma source(%dma_start3A_242 : memref<10000x64xf32, #tpu.memory_space<hbm>>) target(%arg13 : memref<80x64xf32, #tpu.memory_space<vmem>>) offsets(%dma_start3A_239 : memref<80xi32, #tpu.memory_space<vmem>>) semaphore(%arg18 : memref<!tpu.dma_semaphore, #tpu.memory_space<semaphore_mem>>)
      } else {
      }
      %mul3A_113 = arith.constant 5 : i32
      %mul3A_114 = arith.muli %mul3A_113, %scan3A_84 : i32
      %add3A_115 = arith.constant 1 : i32
      %add3A_116 = arith.addi %mul3A_114, %add3A_115 : i32
      %dma_wait3A_117 = arith.constant 0 : i32
      %dma_wait3A_118 = tpu.memref_slice %arg7[%add3A_116, %dma_wait3A_117] : memref<125x80xi32, #tpu.memory_space<vmem>> -> memref<1x80xi32, #tpu.memory_space<vmem>>
      %dma_wait3A_119 = tpu.memref_squeeze %dma_wait3A_118 : memref<1x80xi32, #tpu.memory_space<vmem>> -> memref<80xi32, #tpu.memory_space<vmem>>
      %dma_wait3A_120 = arith.constant 0 : i32
      %dma_wait3A_121 = arith.constant 0 : i32
      %dma_wait3A_122 = tpu.memref_slice %arg2[%dma_wait3A_120, %dma_wait3A_121] : memref<10000x64xf32, #tpu.memory_space<hbm>> -> memref<10000x64xf32, #tpu.memory_space<hbm>>
      tpu.wait_indirect_dma semaphore(%arg15 : memref<!tpu.dma_semaphore, #tpu.memory_space<semaphore_mem>>) src(%dma_wait3A_122 : memref<10000x64xf32, #tpu.memory_space<hbm>>) dst(%arg10 : memref<80x64xf32, #tpu.memory_space<vmem>>)
      %dma_start3A_123 = arith.constant 0 : i32
      %dma_start3A_124 = tpu.memref_slice %arg8[%add3A_116, %dma_start3A_123] : memref<125x80xi32, #tpu.memory_space<vmem>> -> memref<1x80xi32, #tpu.memory_space<vmem>>
      %dma_start3A_125 = tpu.memref_squeeze %dma_start3A_124 : memref<1x80xi32, #tpu.memory_space<vmem>> -> memref<80xi32, #tpu.memory_space<vmem>>
      %dma_start3A_126 = arith.constant 0 : i32
      %dma_start3A_127 = arith.constant 0 : i32
      %dma_start3A_128 = tpu.memref_slice %arg6[%dma_start3A_126, %dma_start3A_127] : memref<10000x64xf32, #tpu.memory_space<vmem_shared>> -> memref<10000x64xf32, #tpu.memory_space<vmem_shared>>
      tpu.enqueue_indirect_dma source(%arg10 : memref<80x64xf32, #tpu.memory_space<vmem>>) target(%dma_start3A_128 : memref<10000x64xf32, #tpu.memory_space<vmem_shared>>) offsets(%dma_start3A_125 : memref<80xi32, #tpu.memory_space<vmem>>) semaphore(%arg20 : memref<!tpu.dma_semaphore, #tpu.memory_space<semaphore_mem>>) {add = true}
      %add3A_129 = arith.constant 4 : i32
      %add3A_130 = arith.addi %add3A_116, %add3A_129 : i32
      %ge3A_131 = arith.constant 5 : i32
      %ge3A_132 = arith.cmpi sge, %add3A_130, %ge3A_131 : i32
      %lt3A_133 = arith.constant 125 : i32
      %lt3A_134 = arith.cmpi slt, %add3A_130, %lt3A_133 : i32
      %and3A_135 = arith.andi %ge3A_132, %lt3A_134 : i1
      %convert_element_type3A_136 = arith.extui %and3A_135 : i1 to i32
      %cond3A_137 = arith.constant 0 : i32
      %cond3A_138 = arith.cmpi ne, %convert_element_type3A_136, %cond3A_137 : i32
      scf.if %cond3A_138 {
        %sub3A = arith.constant 5 : i32
        %sub3A_237 = arith.subi %add3A_130, %sub3A : i32
        %dma_wait3A_238 = arith.constant 0 : i32
        %dma_wait3A_239 = tpu.memref_slice %arg8[%sub3A_237, %dma_wait3A_238] : memref<125x80xi32, #tpu.memory_space<vmem>> -> memref<1x80xi32, #tpu.memory_space<vmem>>
        %dma_wait3A_240 = tpu.memref_squeeze %dma_wait3A_239 : memref<1x80xi32, #tpu.memory_space<vmem>> -> memref<80xi32, #tpu.memory_space<vmem>>
        %dma_wait3A_241 = arith.constant 0 : i32
        %dma_wait3A_242 = arith.constant 0 : i32
        %dma_wait3A_243 = tpu.memref_slice %arg6[%dma_wait3A_241, %dma_wait3A_242] : memref<10000x64xf32, #tpu.memory_space<vmem_shared>> -> memref<10000x64xf32, #tpu.memory_space<vmem_shared>>
        tpu.wait_indirect_dma semaphore(%arg19 : memref<!tpu.dma_semaphore, #tpu.memory_space<semaphore_mem>>) src(%arg9 : memref<80x64xf32, #tpu.memory_space<vmem>>) dst(%dma_wait3A_243 : memref<10000x64xf32, #tpu.memory_space<vmem_shared>>)
      } else {
      }
      %lt3A_139 = arith.constant 125 : i32
      %lt3A_140 = arith.cmpi slt, %add3A_130, %lt3A_139 : i32
      %convert_element_type3A_141 = arith.extui %lt3A_140 : i1 to i32
      %cond3A_142 = arith.constant 0 : i32
      %cond3A_143 = arith.cmpi ne, %convert_element_type3A_141, %cond3A_142 : i32
      scf.if %cond3A_143 {
        %dma_start3A_237 = arith.constant 0 : i32
        %dma_start3A_238 = tpu.memref_slice %arg7[%add3A_130, %dma_start3A_237] : memref<125x80xi32, #tpu.memory_space<vmem>> -> memref<1x80xi32, #tpu.memory_space<vmem>>
        %dma_start3A_239 = tpu.memref_squeeze %dma_start3A_238 : memref<1x80xi32, #tpu.memory_space<vmem>> -> memref<80xi32, #tpu.memory_space<vmem>>
        %dma_start3A_240 = arith.constant 0 : i32
        %dma_start3A_241 = arith.constant 0 : i32
        %dma_start3A_242 = tpu.memref_slice %arg2[%dma_start3A_240, %dma_start3A_241] : memref<10000x64xf32, #tpu.memory_space<hbm>> -> memref<10000x64xf32, #tpu.memory_space<hbm>>
        tpu.enqueue_indirect_dma source(%dma_start3A_242 : memref<10000x64xf32, #tpu.memory_space<hbm>>) target(%arg9 : memref<80x64xf32, #tpu.memory_space<vmem>>) offsets(%dma_start3A_239 : memref<80xi32, #tpu.memory_space<vmem>>) semaphore(%arg14 : memref<!tpu.dma_semaphore, #tpu.memory_space<semaphore_mem>>)
      } else {
      }
      %mul3A_144 = arith.constant 5 : i32
      %mul3A_145 = arith.muli %mul3A_144, %scan3A_84 : i32
      %add3A_146 = arith.constant 2 : i32
      %add3A_147 = arith.addi %mul3A_145, %add3A_146 : i32
      %dma_wait3A_148 = arith.constant 0 : i32
      %dma_wait3A_149 = tpu.memref_slice %arg7[%add3A_147, %dma_wait3A_148] : memref<125x80xi32, #tpu.memory_space<vmem>> -> memref<1x80xi32, #tpu.memory_space<vmem>>
      %dma_wait3A_150 = tpu.memref_squeeze %dma_wait3A_149 : memref<1x80xi32, #tpu.memory_space<vmem>> -> memref<80xi32, #tpu.memory_space<vmem>>
      %dma_wait3A_151 = arith.constant 0 : i32
      %dma_wait3A_152 = arith.constant 0 : i32
      %dma_wait3A_153 = tpu.memref_slice %arg2[%dma_wait3A_151, %dma_wait3A_152] : memref<10000x64xf32, #tpu.memory_space<hbm>> -> memref<10000x64xf32, #tpu.memory_space<hbm>>
      tpu.wait_indirect_dma semaphore(%arg16 : memref<!tpu.dma_semaphore, #tpu.memory_space<semaphore_mem>>) src(%dma_wait3A_153 : memref<10000x64xf32, #tpu.memory_space<hbm>>) dst(%arg11 : memref<80x64xf32, #tpu.memory_space<vmem>>)
      %dma_start3A_154 = arith.constant 0 : i32
      %dma_start3A_155 = tpu.memref_slice %arg8[%add3A_147, %dma_start3A_154] : memref<125x80xi32, #tpu.memory_space<vmem>> -> memref<1x80xi32, #tpu.memory_space<vmem>>
      %dma_start3A_156 = tpu.memref_squeeze %dma_start3A_155 : memref<1x80xi32, #tpu.memory_space<vmem>> -> memref<80xi32, #tpu.memory_space<vmem>>
      %dma_start3A_157 = arith.constant 0 : i32
      %dma_start3A_158 = arith.constant 0 : i32
      %dma_start3A_159 = tpu.memref_slice %arg6[%dma_start3A_157, %dma_start3A_158] : memref<10000x64xf32, #tpu.memory_space<vmem_shared>> -> memref<10000x64xf32, #tpu.memory_space<vmem_shared>>
      tpu.enqueue_indirect_dma source(%arg11 : memref<80x64xf32, #tpu.memory_space<vmem>>) target(%dma_start3A_159 : memref<10000x64xf32, #tpu.memory_space<vmem_shared>>) offsets(%dma_start3A_156 : memref<80xi32, #tpu.memory_space<vmem>>) semaphore(%arg21 : memref<!tpu.dma_semaphore, #tpu.memory_space<semaphore_mem>>) {add = true}
      %add3A_160 = arith.constant 4 : i32
      %add3A_161 = arith.addi %add3A_147, %add3A_160 : i32
      %ge3A_162 = arith.constant 5 : i32
      %ge3A_163 = arith.cmpi sge, %add3A_161, %ge3A_162 : i32
      %lt3A_164 = arith.constant 125 : i32
      %lt3A_165 = arith.cmpi slt, %add3A_161, %lt3A_164 : i32
      %and3A_166 = arith.andi %ge3A_163, %lt3A_165 : i1
      %convert_element_type3A_167 = arith.extui %and3A_166 : i1 to i32
      %cond3A_168 = arith.constant 0 : i32
      %cond3A_169 = arith.cmpi ne, %convert_element_type3A_167, %cond3A_168 : i32
      scf.if %cond3A_169 {
        %sub3A = arith.constant 5 : i32
        %sub3A_237 = arith.subi %add3A_161, %sub3A : i32
        %dma_wait3A_238 = arith.constant 0 : i32
        %dma_wait3A_239 = tpu.memref_slice %arg8[%sub3A_237, %dma_wait3A_238] : memref<125x80xi32, #tpu.memory_space<vmem>> -> memref<1x80xi32, #tpu.memory_space<vmem>>
        %dma_wait3A_240 = tpu.memref_squeeze %dma_wait3A_239 : memref<1x80xi32, #tpu.memory_space<vmem>> -> memref<80xi32, #tpu.memory_space<vmem>>
        %dma_wait3A_241 = arith.constant 0 : i32
        %dma_wait3A_242 = arith.constant 0 : i32
        %dma_wait3A_243 = tpu.memref_slice %arg6[%dma_wait3A_241, %dma_wait3A_242] : memref<10000x64xf32, #tpu.memory_space<vmem_shared>> -> memref<10000x64xf32, #tpu.memory_space<vmem_shared>>
        tpu.wait_indirect_dma semaphore(%arg20 : memref<!tpu.dma_semaphore, #tpu.memory_space<semaphore_mem>>) src(%arg10 : memref<80x64xf32, #tpu.memory_space<vmem>>) dst(%dma_wait3A_243 : memref<10000x64xf32, #tpu.memory_space<vmem_shared>>)
      } else {
      }
      %lt3A_170 = arith.constant 125 : i32
      %lt3A_171 = arith.cmpi slt, %add3A_161, %lt3A_170 : i32
      %convert_element_type3A_172 = arith.extui %lt3A_171 : i1 to i32
      %cond3A_173 = arith.constant 0 : i32
      %cond3A_174 = arith.cmpi ne, %convert_element_type3A_172, %cond3A_173 : i32
      scf.if %cond3A_174 {
        %dma_start3A_237 = arith.constant 0 : i32
        %dma_start3A_238 = tpu.memref_slice %arg7[%add3A_161, %dma_start3A_237] : memref<125x80xi32, #tpu.memory_space<vmem>> -> memref<1x80xi32, #tpu.memory_space<vmem>>
        %dma_start3A_239 = tpu.memref_squeeze %dma_start3A_238 : memref<1x80xi32, #tpu.memory_space<vmem>> -> memref<80xi32, #tpu.memory_space<vmem>>
        %dma_start3A_240 = arith.constant 0 : i32
        %dma_start3A_241 = arith.constant 0 : i32
        %dma_start3A_242 = tpu.memref_slice %arg2[%dma_start3A_240, %dma_start3A_241] : memref<10000x64xf32, #tpu.memory_space<hbm>> -> memref<10000x64xf32, #tpu.memory_space<hbm>>
        tpu.enqueue_indirect_dma source(%dma_start3A_242 : memref<10000x64xf32, #tpu.memory_space<hbm>>) target(%arg10 : memref<80x64xf32, #tpu.memory_space<vmem>>) offsets(%dma_start3A_239 : memref<80xi32, #tpu.memory_space<vmem>>) semaphore(%arg15 : memref<!tpu.dma_semaphore, #tpu.memory_space<semaphore_mem>>)
      } else {
      }
      %mul3A_175 = arith.constant 5 : i32
      %mul3A_176 = arith.muli %mul3A_175, %scan3A_84 : i32
      %add3A_177 = arith.constant 3 : i32
      %add3A_178 = arith.addi %mul3A_176, %add3A_177 : i32
      %dma_wait3A_179 = arith.constant 0 : i32
      %dma_wait3A_180 = tpu.memref_slice %arg7[%add3A_178, %dma_wait3A_179] : memref<125x80xi32, #tpu.memory_space<vmem>> -> memref<1x80xi32, #tpu.memory_space<vmem>>
      %dma_wait3A_181 = tpu.memref_squeeze %dma_wait3A_180 : memref<1x80xi32, #tpu.memory_space<vmem>> -> memref<80xi32, #tpu.memory_space<vmem>>
      %dma_wait3A_182 = arith.constant 0 : i32
      %dma_wait3A_183 = arith.constant 0 : i32
      %dma_wait3A_184 = tpu.memref_slice %arg2[%dma_wait3A_182, %dma_wait3A_183] : memref<10000x64xf32, #tpu.memory_space<hbm>> -> memref<10000x64xf32, #tpu.memory_space<hbm>>
      tpu.wait_indirect_dma semaphore(%arg17 : memref<!tpu.dma_semaphore, #tpu.memory_space<semaphore_mem>>) src(%dma_wait3A_184 : memref<10000x64xf32, #tpu.memory_space<hbm>>) dst(%arg12 : memref<80x64xf32, #tpu.memory_space<vmem>>)
      %dma_start3A_185 = arith.constant 0 : i32
      %dma_start3A_186 = tpu.memref_slice %arg8[%add3A_178, %dma_start3A_185] : memref<125x80xi32, #tpu.memory_space<vmem>> -> memref<1x80xi32, #tpu.memory_space<vmem>>
      %dma_start3A_187 = tpu.memref_squeeze %dma_start3A_186 : memref<1x80xi32, #tpu.memory_space<vmem>> -> memref<80xi32, #tpu.memory_space<vmem>>
      %dma_start3A_188 = arith.constant 0 : i32
      %dma_start3A_189 = arith.constant 0 : i32
      %dma_start3A_190 = tpu.memref_slice %arg6[%dma_start3A_188, %dma_start3A_189] : memref<10000x64xf32, #tpu.memory_space<vmem_shared>> -> memref<10000x64xf32, #tpu.memory_space<vmem_shared>>
      tpu.enqueue_indirect_dma source(%arg12 : memref<80x64xf32, #tpu.memory_space<vmem>>) target(%dma_start3A_190 : memref<10000x64xf32, #tpu.memory_space<vmem_shared>>) offsets(%dma_start3A_187 : memref<80xi32, #tpu.memory_space<vmem>>) semaphore(%arg22 : memref<!tpu.dma_semaphore, #tpu.memory_space<semaphore_mem>>) {add = true}
      %add3A_191 = arith.constant 4 : i32
      %add3A_192 = arith.addi %add3A_178, %add3A_191 : i32
      %ge3A_193 = arith.constant 5 : i32
      %ge3A_194 = arith.cmpi sge, %add3A_192, %ge3A_193 : i32
      %lt3A_195 = arith.constant 125 : i32
      %lt3A_196 = arith.cmpi slt, %add3A_192, %lt3A_195 : i32
      %and3A_197 = arith.andi %ge3A_194, %lt3A_196 : i1
      %convert_element_type3A_198 = arith.extui %and3A_197 : i1 to i32
      %cond3A_199 = arith.constant 0 : i32
      %cond3A_200 = arith.cmpi ne, %convert_element_type3A_198, %cond3A_199 : i32
      scf.if %cond3A_200 {
        %sub3A = arith.constant 5 : i32
        %sub3A_237 = arith.subi %add3A_192, %sub3A : i32
        %dma_wait3A_238 = arith.constant 0 : i32
        %dma_wait3A_239 = tpu.memref_slice %arg8[%sub3A_237, %dma_wait3A_238] : memref<125x80xi32, #tpu.memory_space<vmem>> -> memref<1x80xi32, #tpu.memory_space<vmem>>
        %dma_wait3A_240 = tpu.memref_squeeze %dma_wait3A_239 : memref<1x80xi32, #tpu.memory_space<vmem>> -> memref<80xi32, #tpu.memory_space<vmem>>
        %dma_wait3A_241 = arith.constant 0 : i32
        %dma_wait3A_242 = arith.constant 0 : i32
        %dma_wait3A_243 = tpu.memref_slice %arg6[%dma_wait3A_241, %dma_wait3A_242] : memref<10000x64xf32, #tpu.memory_space<vmem_shared>> -> memref<10000x64xf32, #tpu.memory_space<vmem_shared>>
        tpu.wait_indirect_dma semaphore(%arg21 : memref<!tpu.dma_semaphore, #tpu.memory_space<semaphore_mem>>) src(%arg11 : memref<80x64xf32, #tpu.memory_space<vmem>>) dst(%dma_wait3A_243 : memref<10000x64xf32, #tpu.memory_space<vmem_shared>>)
      } else {
      }
      %lt3A_201 = arith.constant 125 : i32
      %lt3A_202 = arith.cmpi slt, %add3A_192, %lt3A_201 : i32
      %convert_element_type3A_203 = arith.extui %lt3A_202 : i1 to i32
      %cond3A_204 = arith.constant 0 : i32
      %cond3A_205 = arith.cmpi ne, %convert_element_type3A_203, %cond3A_204 : i32
      scf.if %cond3A_205 {
        %dma_start3A_237 = arith.constant 0 : i32
        %dma_start3A_238 = tpu.memref_slice %arg7[%add3A_192, %dma_start3A_237] : memref<125x80xi32, #tpu.memory_space<vmem>> -> memref<1x80xi32, #tpu.memory_space<vmem>>
        %dma_start3A_239 = tpu.memref_squeeze %dma_start3A_238 : memref<1x80xi32, #tpu.memory_space<vmem>> -> memref<80xi32, #tpu.memory_space<vmem>>
        %dma_start3A_240 = arith.constant 0 : i32
        %dma_start3A_241 = arith.constant 0 : i32
        %dma_start3A_242 = tpu.memref_slice %arg2[%dma_start3A_240, %dma_start3A_241] : memref<10000x64xf32, #tpu.memory_space<hbm>> -> memref<10000x64xf32, #tpu.memory_space<hbm>>
        tpu.enqueue_indirect_dma source(%dma_start3A_242 : memref<10000x64xf32, #tpu.memory_space<hbm>>) target(%arg11 : memref<80x64xf32, #tpu.memory_space<vmem>>) offsets(%dma_start3A_239 : memref<80xi32, #tpu.memory_space<vmem>>) semaphore(%arg16 : memref<!tpu.dma_semaphore, #tpu.memory_space<semaphore_mem>>)
      } else {
      }
      %mul3A_206 = arith.constant 5 : i32
      %mul3A_207 = arith.muli %mul3A_206, %scan3A_84 : i32
      %add3A_208 = arith.constant 4 : i32
      %add3A_209 = arith.addi %mul3A_207, %add3A_208 : i32
      %dma_wait3A_210 = arith.constant 0 : i32
      %dma_wait3A_211 = tpu.memref_slice %arg7[%add3A_209, %dma_wait3A_210] : memref<125x80xi32, #tpu.memory_space<vmem>> -> memref<1x80xi32, #tpu.memory_space<vmem>>
      %dma_wait3A_212 = tpu.memref_squeeze %dma_wait3A_211 : memref<1x80xi32, #tpu.memory_space<vmem>> -> memref<80xi32, #tpu.memory_space<vmem>>
      %dma_wait3A_213 = arith.constant 0 : i32
      %dma_wait3A_214 = arith.constant 0 : i32
      %dma_wait3A_215 = tpu.memref_slice %arg2[%dma_wait3A_213, %dma_wait3A_214] : memref<10000x64xf32, #tpu.memory_space<hbm>> -> memref<10000x64xf32, #tpu.memory_space<hbm>>
      tpu.wait_indirect_dma semaphore(%arg18 : memref<!tpu.dma_semaphore, #tpu.memory_space<semaphore_mem>>) src(%dma_wait3A_215 : memref<10000x64xf32, #tpu.memory_space<hbm>>) dst(%arg13 : memref<80x64xf32, #tpu.memory_space<vmem>>)
      %dma_start3A_216 = arith.constant 0 : i32
      %dma_start3A_217 = tpu.memref_slice %arg8[%add3A_209, %dma_start3A_216] : memref<125x80xi32, #tpu.memory_space<vmem>> -> memref<1x80xi32, #tpu.memory_space<vmem>>
      %dma_start3A_218 = tpu.memref_squeeze %dma_start3A_217 : memref<1x80xi32, #tpu.memory_space<vmem>> -> memref<80xi32, #tpu.memory_space<vmem>>
      %dma_start3A_219 = arith.constant 0 : i32
      %dma_start3A_220 = arith.constant 0 : i32
      %dma_start3A_221 = tpu.memref_slice %arg6[%dma_start3A_219, %dma_start3A_220] : memref<10000x64xf32, #tpu.memory_space<vmem_shared>> -> memref<10000x64xf32, #tpu.memory_space<vmem_shared>>
      tpu.enqueue_indirect_dma source(%arg13 : memref<80x64xf32, #tpu.memory_space<vmem>>) target(%dma_start3A_221 : memref<10000x64xf32, #tpu.memory_space<vmem_shared>>) offsets(%dma_start3A_218 : memref<80xi32, #tpu.memory_space<vmem>>) semaphore(%arg23 : memref<!tpu.dma_semaphore, #tpu.memory_space<semaphore_mem>>) {add = true}
      %add3A_222 = arith.constant 4 : i32
      %add3A_223 = arith.addi %add3A_209, %add3A_222 : i32
      %ge3A_224 = arith.constant 5 : i32
      %ge3A_225 = arith.cmpi sge, %add3A_223, %ge3A_224 : i32
      %lt3A_226 = arith.constant 125 : i32
      %lt3A_227 = arith.cmpi slt, %add3A_223, %lt3A_226 : i32
      %and3A_228 = arith.andi %ge3A_225, %lt3A_227 : i1
      %convert_element_type3A_229 = arith.extui %and3A_228 : i1 to i32
      %cond3A_230 = arith.constant 0 : i32
      %cond3A_231 = arith.cmpi ne, %convert_element_type3A_229, %cond3A_230 : i32
      scf.if %cond3A_231 {
        %sub3A = arith.constant 5 : i32
        %sub3A_237 = arith.subi %add3A_223, %sub3A : i32
        %dma_wait3A_238 = arith.constant 0 : i32
        %dma_wait3A_239 = tpu.memref_slice %arg8[%sub3A_237, %dma_wait3A_238] : memref<125x80xi32, #tpu.memory_space<vmem>> -> memref<1x80xi32, #tpu.memory_space<vmem>>
        %dma_wait3A_240 = tpu.memref_squeeze %dma_wait3A_239 : memref<1x80xi32, #tpu.memory_space<vmem>> -> memref<80xi32, #tpu.memory_space<vmem>>
        %dma_wait3A_241 = arith.constant 0 : i32
        %dma_wait3A_242 = arith.constant 0 : i32
        %dma_wait3A_243 = tpu.memref_slice %arg6[%dma_wait3A_241, %dma_wait3A_242] : memref<10000x64xf32, #tpu.memory_space<vmem_shared>> -> memref<10000x64xf32, #tpu.memory_space<vmem_shared>>
        tpu.wait_indirect_dma semaphore(%arg22 : memref<!tpu.dma_semaphore, #tpu.memory_space<semaphore_mem>>) src(%arg12 : memref<80x64xf32, #tpu.memory_space<vmem>>) dst(%dma_wait3A_243 : memref<10000x64xf32, #tpu.memory_space<vmem_shared>>)
      } else {
      }
      %lt3A_232 = arith.constant 125 : i32
      %lt3A_233 = arith.cmpi slt, %add3A_223, %lt3A_232 : i32
      %convert_element_type3A_234 = arith.extui %lt3A_233 : i1 to i32
      %cond3A_235 = arith.constant 0 : i32
      %cond3A_236 = arith.cmpi ne, %convert_element_type3A_234, %cond3A_235 : i32
      scf.if %cond3A_236 {
        %dma_start3A_237 = arith.constant 0 : i32
        %dma_start3A_238 = tpu.memref_slice %arg7[%add3A_223, %dma_start3A_237] : memref<125x80xi32, #tpu.memory_space<vmem>> -> memref<1x80xi32, #tpu.memory_space<vmem>>
        %dma_start3A_239 = tpu.memref_squeeze %dma_start3A_238 : memref<1x80xi32, #tpu.memory_space<vmem>> -> memref<80xi32, #tpu.memory_space<vmem>>
        %dma_start3A_240 = arith.constant 0 : i32
        %dma_start3A_241 = arith.constant 0 : i32
        %dma_start3A_242 = tpu.memref_slice %arg2[%dma_start3A_240, %dma_start3A_241] : memref<10000x64xf32, #tpu.memory_space<hbm>> -> memref<10000x64xf32, #tpu.memory_space<hbm>>
        tpu.enqueue_indirect_dma source(%dma_start3A_242 : memref<10000x64xf32, #tpu.memory_space<hbm>>) target(%arg12 : memref<80x64xf32, #tpu.memory_space<vmem>>) offsets(%dma_start3A_239 : memref<80xi32, #tpu.memory_space<vmem>>) semaphore(%arg17 : memref<!tpu.dma_semaphore, #tpu.memory_space<semaphore_mem>>)
      } else {
      }
    }
    %scan3A_37 = arith.constant 25 : i32
    %dma_wait3A = arith.constant 120 : i32
    %dma_wait3A_38 = arith.constant 0 : i32
    %dma_wait3A_39 = tpu.memref_slice %arg8[%dma_wait3A, %dma_wait3A_38] : memref<125x80xi32, #tpu.memory_space<vmem>> -> memref<1x80xi32, #tpu.memory_space<vmem>>
    %dma_wait3A_40 = tpu.memref_squeeze %dma_wait3A_39 : memref<1x80xi32, #tpu.memory_space<vmem>> -> memref<80xi32, #tpu.memory_space<vmem>>
    %dma_wait3A_41 = arith.constant 0 : i32
    %dma_wait3A_42 = arith.constant 0 : i32
    %dma_wait3A_43 = tpu.memref_slice %arg6[%dma_wait3A_41, %dma_wait3A_42] : memref<10000x64xf32, #tpu.memory_space<vmem_shared>> -> memref<10000x64xf32, #tpu.memory_space<vmem_shared>>
    tpu.wait_indirect_dma semaphore(%arg19 : memref<!tpu.dma_semaphore, #tpu.memory_space<semaphore_mem>>) src(%arg9 : memref<80x64xf32, #tpu.memory_space<vmem>>) dst(%dma_wait3A_43 : memref<10000x64xf32, #tpu.memory_space<vmem_shared>>)
    %dma_wait3A_44 = arith.constant 121 : i32
    %dma_wait3A_45 = arith.constant 0 : i32
    %dma_wait3A_46 = tpu.memref_slice %arg8[%dma_wait3A_44, %dma_wait3A_45] : memref<125x80xi32, #tpu.memory_space<vmem>> -> memref<1x80xi32, #tpu.memory_space<vmem>>
    %dma_wait3A_47 = tpu.memref_squeeze %dma_wait3A_46 : memref<1x80xi32, #tpu.memory_space<vmem>> -> memref<80xi32, #tpu.memory_space<vmem>>
    %dma_wait3A_48 = arith.constant 0 : i32
    %dma_wait3A_49 = arith.constant 0 : i32
    %dma_wait3A_50 = tpu.memref_slice %arg6[%dma_wait3A_48, %dma_wait3A_49] : memref<10000x64xf32, #tpu.memory_space<vmem_shared>> -> memref<10000x64xf32, #tpu.memory_space<vmem_shared>>
    tpu.wait_indirect_dma semaphore(%arg20 : memref<!tpu.dma_semaphore, #tpu.memory_space<semaphore_mem>>) src(%arg10 : memref<80x64xf32, #tpu.memory_space<vmem>>) dst(%dma_wait3A_50 : memref<10000x64xf32, #tpu.memory_space<vmem_shared>>)
    %dma_wait3A_51 = arith.constant 122 : i32
    %dma_wait3A_52 = arith.constant 0 : i32
    %dma_wait3A_53 = tpu.memref_slice %arg8[%dma_wait3A_51, %dma_wait3A_52] : memref<125x80xi32, #tpu.memory_space<vmem>> -> memref<1x80xi32, #tpu.memory_space<vmem>>
    %dma_wait3A_54 = tpu.memref_squeeze %dma_wait3A_53 : memref<1x80xi32, #tpu.memory_space<vmem>> -> memref<80xi32, #tpu.memory_space<vmem>>
    %dma_wait3A_55 = arith.constant 0 : i32
    %dma_wait3A_56 = arith.constant 0 : i32
    %dma_wait3A_57 = tpu.memref_slice %arg6[%dma_wait3A_55, %dma_wait3A_56] : memref<10000x64xf32, #tpu.memory_space<vmem_shared>> -> memref<10000x64xf32, #tpu.memory_space<vmem_shared>>
    tpu.wait_indirect_dma semaphore(%arg21 : memref<!tpu.dma_semaphore, #tpu.memory_space<semaphore_mem>>) src(%arg11 : memref<80x64xf32, #tpu.memory_space<vmem>>) dst(%dma_wait3A_57 : memref<10000x64xf32, #tpu.memory_space<vmem_shared>>)
    %dma_wait3A_58 = arith.constant 123 : i32
    %dma_wait3A_59 = arith.constant 0 : i32
    %dma_wait3A_60 = tpu.memref_slice %arg8[%dma_wait3A_58, %dma_wait3A_59] : memref<125x80xi32, #tpu.memory_space<vmem>> -> memref<1x80xi32, #tpu.memory_space<vmem>>
    %dma_wait3A_61 = tpu.memref_squeeze %dma_wait3A_60 : memref<1x80xi32, #tpu.memory_space<vmem>> -> memref<80xi32, #tpu.memory_space<vmem>>
    %dma_wait3A_62 = arith.constant 0 : i32
    %dma_wait3A_63 = arith.constant 0 : i32
    %dma_wait3A_64 = tpu.memref_slice %arg6[%dma_wait3A_62, %dma_wait3A_63] : memref<10000x64xf32, #tpu.memory_space<vmem_shared>> -> memref<10000x64xf32, #tpu.memory_space<vmem_shared>>
    tpu.wait_indirect_dma semaphore(%arg22 : memref<!tpu.dma_semaphore, #tpu.memory_space<semaphore_mem>>) src(%arg12 : memref<80x64xf32, #tpu.memory_space<vmem>>) dst(%dma_wait3A_64 : memref<10000x64xf32, #tpu.memory_space<vmem_shared>>)
    %dma_wait3A_65 = arith.constant 124 : i32
    %dma_wait3A_66 = arith.constant 0 : i32
    %dma_wait3A_67 = tpu.memref_slice %arg8[%dma_wait3A_65, %dma_wait3A_66] : memref<125x80xi32, #tpu.memory_space<vmem>> -> memref<1x80xi32, #tpu.memory_space<vmem>>
    %dma_wait3A_68 = tpu.memref_squeeze %dma_wait3A_67 : memref<1x80xi32, #tpu.memory_space<vmem>> -> memref<80xi32, #tpu.memory_space<vmem>>
    %dma_wait3A_69 = arith.constant 0 : i32
    %dma_wait3A_70 = arith.constant 0 : i32
    %dma_wait3A_71 = tpu.memref_slice %arg6[%dma_wait3A_69, %dma_wait3A_70] : memref<10000x64xf32, #tpu.memory_space<vmem_shared>> -> memref<10000x64xf32, #tpu.memory_space<vmem_shared>>
    tpu.wait_indirect_dma semaphore(%arg23 : memref<!tpu.dma_semaphore, #tpu.memory_space<semaphore_mem>>) src(%arg13 : memref<80x64xf32, #tpu.memory_space<vmem>>) dst(%dma_wait3A_71 : memref<10000x64xf32, #tpu.memory_space<vmem_shared>>)
    %barrier3A_72 = arith.constant 0 : index
    tpu.barrier barrier_id(%barrier3A_72)
    %mul3A_73 = arith.constant 624 : i32
    %mul3A_74 = arith.muli %arg1, %mul3A_73 : i32
    %mul3A_75 = arith.constant 624 : i32
    %mul3A_76 = arith.muli %arg1, %mul3A_75 : i32
    %mul3A_77 = arith.constant 64 : i32
    %mul3A_78 = arith.muli %mul3A_77, %arg0 : i32
    "tpu.region"() ({
      %run_scoped3A_84 = tpu.sem_alloc : memref<!tpu.dma_semaphore, #tpu.memory_space<semaphore_mem>>
      %dma_start3A_85 = tpu.memref_slice %arg5[%mul3A_76, %mul3A_78] : memref<10000x128xf32, #tpu.memory_space<hbm>> -> memref<624x64xf32, #tpu.memory_space<hbm>>
      %dma_start3A_86 = arith.constant 0 : i32
      %dma_start3A_87 = tpu.memref_slice %arg6[%mul3A_74, %dma_start3A_86] : memref<10000x64xf32, #tpu.memory_space<vmem_shared>> -> memref<624x64xf32, #tpu.memory_space<vmem_shared>>
      tpu.enqueue_dma source(%dma_start3A_87 : memref<624x64xf32, #tpu.memory_space<vmem_shared>>) target(%dma_start3A_85 : memref<624x64xf32, #tpu.memory_space<hbm>>) target_semaphore(%run_scoped3A_84 : memref<!tpu.dma_semaphore, #tpu.memory_space<semaphore_mem>>)
      %dma_wait3A_88 = tpu.memref_slice %arg5[%mul3A_76, %mul3A_78] : memref<10000x128xf32, #tpu.memory_space<hbm>> -> memref<624x64xf32, #tpu.memory_space<hbm>>
      %dma_wait3A_89 = arith.constant 0 : i32
      %dma_wait3A_90 = tpu.memref_slice %arg6[%mul3A_74, %dma_wait3A_89] : memref<10000x64xf32, #tpu.memory_space<vmem_shared>> -> memref<624x64xf32, #tpu.memory_space<vmem_shared>>
      tpu.wait_dma2 semaphore(%run_scoped3A_84 : memref<!tpu.dma_semaphore, #tpu.memory_space<semaphore_mem>>) src(%dma_wait3A_90 : memref<624x64xf32, #tpu.memory_space<vmem_shared>>) dst(%dma_wait3A_88 : memref<624x64xf32, #tpu.memory_space<hbm>>)
      tpu.yield
    }) : () -> ()
    %eq3A_79 = arith.constant 0 : i32
    %eq3A_80 = arith.cmpi eq, %arg1, %eq3A_79 : i32
    %convert_element_type3A_81 = arith.extui %eq3A_80 : i1 to i32
    %cond3A_82 = arith.constant 0 : i32
    %cond3A_83 = arith.cmpi ne, %convert_element_type3A_81, %cond3A_82 : i32
    scf.if %cond3A_83 {
      %mul3A_84 = arith.constant 64 : i32
      %mul3A_85 = arith.muli %mul3A_84, %arg0 : i32
      "tpu.region"() ({
        %run_scoped3A_86 = tpu.sem_alloc : memref<!tpu.dma_semaphore, #tpu.memory_space<semaphore_mem>>
        %dma_start3A_87 = arith.constant 9984 : i32
        %dma_start3A_88 = tpu.memref_slice %arg5[%dma_start3A_87, %mul3A_85] : memref<10000x128xf32, #tpu.memory_space<hbm>> -> memref<16x64xf32, #tpu.memory_space<hbm>>
        %dma_start3A_89 = arith.constant 9984 : i32
        %dma_start3A_90 = arith.constant 0 : i32
        %dma_start3A_91 = tpu.memref_slice %arg6[%dma_start3A_89, %dma_start3A_90] : memref<10000x64xf32, #tpu.memory_space<vmem_shared>> -> memref<16x64xf32, #tpu.memory_space<vmem_shared>>
        tpu.enqueue_dma source(%dma_start3A_91 : memref<16x64xf32, #tpu.memory_space<vmem_shared>>) target(%dma_start3A_88 : memref<16x64xf32, #tpu.memory_space<hbm>>) target_semaphore(%run_scoped3A_86 : memref<!tpu.dma_semaphore, #tpu.memory_space<semaphore_mem>>)
        %dma_wait3A_92 = arith.constant 9984 : i32
        %dma_wait3A_93 = tpu.memref_slice %arg5[%dma_wait3A_92, %mul3A_85] : memref<10000x128xf32, #tpu.memory_space<hbm>> -> memref<16x64xf32, #tpu.memory_space<hbm>>
        %dma_wait3A_94 = arith.constant 9984 : i32
        %dma_wait3A_95 = arith.constant 0 : i32
        %dma_wait3A_96 = tpu.memref_slice %arg6[%dma_wait3A_94, %dma_wait3A_95] : memref<10000x64xf32, #tpu.memory_space<vmem_shared>> -> memref<16x64xf32, #tpu.memory_space<vmem_shared>>
        tpu.wait_dma2 semaphore(%run_scoped3A_86 : memref<!tpu.dma_semaphore, #tpu.memory_space<semaphore_mem>>) src(%dma_wait3A_96 : memref<16x64xf32, #tpu.memory_space<vmem_shared>>) dst(%dma_wait3A_93 : memref<16x64xf32, #tpu.memory_space<hbm>>)
        tpu.yield
      }) : () -> ()
    } else {
    }
    return
  }
}

module attributes {stable_mosaic.version = 14 : i64} {
  func.func @_tc_a_body(%arg0: i32, %arg1: memref<2000x128xf32, #tpu.memory_space<vmem>>, %arg2: memref<128x64xf32, #tpu.memory_space<vmem>>, %arg3: memref<1x4x2000xf32, #tpu.memory_space<vmem>>, %arg4: memref<2000x64xf32, #tpu.memory_space<vmem>>) attributes {dimension_semantics = [#tpu.dimension_semantics<arbitrary>], iteration_bounds = array<i64: 5>, scalar_prefetch = 0 : i64, scratch_operands = 0 : i64, tpu.core_type = #tpu.core_type<tc>, window_params = [{transform_indices = @transform_0, window_bounds = array<i64: 2000, 128>}, {pipeline_mode = #tpu.pipeline_mode<synchronous>, transform_indices = @transform_1, window_bounds = array<i64: 128, 64>}, {transform_indices = @transform_2, window_bounds = array<i64: 1, 4, 2000>}, {transform_indices = @transform_3, window_bounds = array<i64: 2000, 64>}]} {
    %get3A = arith.constant 0 : index
    %get3A_0 = arith.constant 0 : index
    %get3A_1 = arith.constant 0 : index
    %get3A_2 = vector.load %arg3[%get3A, %get3A_0, %get3A_1] : memref<1x4x2000xf32, #tpu.memory_space<vmem>>, vector<1x4x2000xf32>
    %get3A_3 = vector.shape_cast %get3A_2 : vector<1x4x2000xf32> to vector<4x2000xf32>
    %slice3A = vector.extract_strided_slice %get3A_3 {offsets = [0, 0], sizes = [1, 2000], strides = [1, 1]} : vector<4x2000xf32> to vector<1x2000xf32>
    %slice3A_4 = vector.extract_strided_slice %get3A_3 {offsets = [2, 0], sizes = [1, 2000], strides = [1, 1]} : vector<4x2000xf32> to vector<1x2000xf32>
    %add3A = arith.addf %slice3A, %slice3A_4 : vector<1x2000xf32>
    %max3A = arith.constant 1.000000e+00 : f32
    %max3A_5 = vector.broadcast %max3A : f32 to vector<1x2000xf32>
    %max3A_6 = arith.maximumf %add3A, %max3A_5 : vector<1x2000xf32>
    %rsqrt3A = math.rsqrt %max3A_6 : vector<1x2000xf32>
    %broadcast_in_dim3A = arith.constant 1.000000e+00 : f32
    %broadcast_in_dim3A_7 = vector.broadcast %broadcast_in_dim3A : f32 to vector<1x1xf32>
    %dot_general3A = arith.constant dense<0.000000e+00> : vector<2000x1xf32>
    %dot_general3A_8 = tpu.matmul %rsqrt3A, %broadcast_in_dim3A_7, %dot_general3A {dimension_numbers = #tpu.dot_dimension_numbers<[0], [0], [1], [1], [0, 1, 1, 1], [], []>, precision = #tpu.contract_precision<fp32>, transpose_lhs_hint = false} : vector<1x2000xf32>, vector<1x1xf32>, vector<2000x1xf32> -> vector<2000x1xf32>
    %get3A_9 = arith.constant 0 : index
    %get3A_10 = arith.constant 0 : index
    %get3A_11 = vector.load %arg1[%get3A_9, %get3A_10] : memref<2000x128xf32, #tpu.memory_space<vmem>>, vector<2000x128xf32>
    %get3A_12 = arith.constant 0 : index
    %get3A_13 = arith.constant 0 : index
    %get3A_14 = vector.load %arg2[%get3A_12, %get3A_13] : memref<128x64xf32, #tpu.memory_space<vmem>>, vector<128x64xf32>
    %dot_general3A_15 = arith.constant dense<0.000000e+00> : vector<2000x64xf32>
    %dot_general3A_16 = tpu.matmul %get3A_11, %get3A_14, %dot_general3A_15 {dimension_numbers = #tpu.dot_dimension_numbers<[1], [0], [0], [1], [0, 0, 1, 1], [], []>, precision = #tpu.contract_precision<fp32>, transpose_lhs_hint = false} : vector<2000x128xf32>, vector<128x64xf32>, vector<2000x64xf32> -> vector<2000x64xf32>
    %mul3A = vector.broadcast %dot_general3A_8 : vector<2000x1xf32> to vector<2000x64xf32>
    %mul3A_17 = arith.mulf %dot_general3A_16, %mul3A : vector<2000x64xf32>
    %swap3A = arith.constant 0 : index
    %swap3A_18 = arith.constant 0 : index
    %swap3A_19 = vector.load %arg4[%swap3A, %swap3A_18] : memref<2000x64xf32, #tpu.memory_space<vmem>>, vector<2000x64xf32>
    tpu.vector_store %arg4[%swap3A, %swap3A_18], %mul3A_17 {strides = array<i32>} : memref<2000x64xf32, #tpu.memory_space<vmem>>, vector<2000x64xf32>,
    return
  }
  func.func @transform_0(%arg0: i32) -> (i32, i32) {
    %c0_i32 = arith.constant 0 : i32
    %c0_i32_0 = arith.constant 0 : i32
    return %arg0, %c0_i32 : i32, i32
  }
  func.func @transform_1(%arg0: i32) -> (i32, i32) {
    %c0_i32 = arith.constant 0 : i32
    %c0_i32_0 = arith.constant 0 : i32
    %c0_i32_1 = arith.constant 0 : i32
    return %c0_i32, %c0_i32_0 : i32, i32
  }
  func.func @transform_2(%arg0: i32) -> (i32, i32, i32) {
    %c0_i32 = arith.constant 0 : i32
    %c0_i32_0 = arith.constant 0 : i32
    %c0_i32_1 = arith.constant 0 : i32
    return %arg0, %c0_i32, %c0_i32_0 : i32, i32, i32
  }
  func.func @transform_3(%arg0: i32) -> (i32, i32) {
    %c0_i32 = arith.constant 0 : i32
    %c0_i32_0 = arith.constant 0 : i32
    return %arg0, %c0_i32 : i32, i32
  }
}

module attributes {stable_mosaic.version = 14 : i64} {
  func.func @_tc_b_body(%arg0: i32, %arg1: memref<2000x128xf32, #tpu.memory_space<vmem>>, %arg2: memref<1x4x2000xf32, #tpu.memory_space<vmem>>, %arg3: memref<2000x64xf32, #tpu.memory_space<vmem>>) attributes {dimension_semantics = [#tpu.dimension_semantics<arbitrary>], iteration_bounds = array<i64: 5>, scalar_prefetch = 0 : i64, scratch_operands = 0 : i64, tpu.core_type = #tpu.core_type<tc>, window_params = [{transform_indices = @transform_0, window_bounds = array<i64: 2000, 128>}, {transform_indices = @transform_1, window_bounds = array<i64: 1, 4, 2000>}, {transform_indices = @transform_2, window_bounds = array<i64: 2000, 64>}]} {
    %get3A = arith.constant 0 : index
    %get3A_0 = arith.constant 0 : index
    %get3A_1 = arith.constant 0 : index
    %get3A_2 = vector.load %arg2[%get3A, %get3A_0, %get3A_1] : memref<1x4x2000xf32, #tpu.memory_space<vmem>>, vector<1x4x2000xf32>
    %get3A_3 = vector.shape_cast %get3A_2 : vector<1x4x2000xf32> to vector<4x2000xf32>
    %slice3A = vector.extract_strided_slice %get3A_3 {offsets = [0, 0], sizes = [1, 2000], strides = [1, 1]} : vector<4x2000xf32> to vector<1x2000xf32>
    %slice3A_4 = vector.extract_strided_slice %get3A_3 {offsets = [2, 0], sizes = [1, 2000], strides = [1, 1]} : vector<4x2000xf32> to vector<1x2000xf32>
    %add3A = arith.addf %slice3A, %slice3A_4 : vector<1x2000xf32>
    %slice3A_5 = vector.extract_strided_slice %get3A_3 {offsets = [1, 0], sizes = [1, 2000], strides = [1, 1]} : vector<4x2000xf32> to vector<1x2000xf32>
    %slice3A_6 = vector.extract_strided_slice %get3A_3 {offsets = [3, 0], sizes = [1, 2000], strides = [1, 1]} : vector<4x2000xf32> to vector<1x2000xf32>
    %add3A_7 = arith.addf %slice3A_5, %slice3A_6 : vector<1x2000xf32>
    %max3A = arith.constant 1.000000e+00 : f32
    %max3A_8 = vector.broadcast %max3A : f32 to vector<1x2000xf32>
    %max3A_9 = arith.maximumf %add3A, %max3A_8 : vector<1x2000xf32>
    %rsqrt3A = math.rsqrt %max3A_9 : vector<1x2000xf32>
    %max3A_10 = arith.constant 1.000000e+00 : f32
    %max3A_11 = vector.broadcast %max3A_10 : f32 to vector<1x2000xf32>
    %max3A_12 = arith.maximumf %add3A_7, %max3A_11 : vector<1x2000xf32>
    %rsqrt3A_13 = math.rsqrt %max3A_12 : vector<1x2000xf32>
    %mul3A = arith.mulf %rsqrt3A, %rsqrt3A_13 : vector<1x2000xf32>
    %broadcast_in_dim3A = arith.constant 1.000000e+00 : f32
    %broadcast_in_dim3A_14 = vector.broadcast %broadcast_in_dim3A : f32 to vector<1x1xf32>
    %dot_general3A = arith.constant dense<0.000000e+00> : vector<2000x1xf32>
    %dot_general3A_15 = tpu.matmul %mul3A, %broadcast_in_dim3A_14, %dot_general3A {dimension_numbers = #tpu.dot_dimension_numbers<[0], [0], [1], [1], [0, 1, 1, 1], [], []>, precision = #tpu.contract_precision<fp32>, transpose_lhs_hint = false} : vector<1x2000xf32>, vector<1x1xf32>, vector<2000x1xf32> -> vector<2000x1xf32>
    %get3A_16 = arith.constant 0 : index
    %get3A_17 = arith.constant 0 : index
    %get3A_18 = vector.load %arg1[%get3A_16, %get3A_17] : memref<2000x128xf32, #tpu.memory_space<vmem>>, vector<2000x64xf32>
    %get3A_19 = arith.constant 0 : index
    %get3A_20 = arith.constant 64 : index
    %get3A_21 = vector.load %arg1[%get3A_19, %get3A_20] : memref<2000x128xf32, #tpu.memory_space<vmem>>, vector<2000x64xf32>
    %add3A_22 = arith.addf %get3A_18, %get3A_21 : vector<2000x64xf32>
    %max3A_23 = arith.constant 0.000000e+00 : f32
    %max3A_24 = vector.broadcast %max3A_23 : f32 to vector<2000x64xf32>
    %max3A_25 = arith.maximumf %add3A_22, %max3A_24 : vector<2000x64xf32>
    %mul3A_26 = vector.broadcast %dot_general3A_15 : vector<2000x1xf32> to vector<2000x64xf32>
    %mul3A_27 = arith.mulf %max3A_25, %mul3A_26 : vector<2000x64xf32>
    %swap3A = arith.constant 0 : index
    %swap3A_28 = arith.constant 0 : index
    %swap3A_29 = vector.load %arg3[%swap3A, %swap3A_28] : memref<2000x64xf32, #tpu.memory_space<vmem>>, vector<2000x64xf32>
    tpu.vector_store %arg3[%swap3A, %swap3A_28], %mul3A_27 {strides = array<i32>} : memref<2000x64xf32, #tpu.memory_space<vmem>>, vector<2000x64xf32>,
    return
  }
  func.func @transform_0(%arg0: i32) -> (i32, i32) {
    %c0_i32 = arith.constant 0 : i32
    %c0_i32_0 = arith.constant 0 : i32
    return %arg0, %c0_i32 : i32, i32
  }
  func.func @transform_1(%arg0: i32) -> (i32, i32, i32) {
    %c0_i32 = arith.constant 0 : i32
    %c0_i32_0 = arith.constant 0 : i32
    %c0_i32_1 = arith.constant 0 : i32
    return %arg0, %c0_i32, %c0_i32_0 : i32, i32, i32
  }
  func.func @transform_2(%arg0: i32) -> (i32, i32) {
    %c0_i32 = arith.constant 0 : i32
    %c0_i32_0 = arith.constant 0 : i32
    return %arg0, %c0_i32 : i32, i32
  }
}

module attributes {stable_mosaic.version = 14 : i64} {
  func.func @_tc_c_body(%arg0: i32, %arg1: memref<2000x128xf32, #tpu.memory_space<vmem>>, %arg2: memref<64x128xf32, #tpu.memory_space<vmem>>, %arg3: memref<1x4x2000xf32, #tpu.memory_space<vmem>>, %arg4: memref<2000x128xf32, #tpu.memory_space<vmem>>) attributes {dimension_semantics = [#tpu.dimension_semantics<arbitrary>], iteration_bounds = array<i64: 5>, scalar_prefetch = 0 : i64, scratch_operands = 0 : i64, tpu.core_type = #tpu.core_type<tc>, window_params = [{transform_indices = @transform_0, window_bounds = array<i64: 2000, 128>}, {pipeline_mode = #tpu.pipeline_mode<synchronous>, transform_indices = @transform_1, window_bounds = array<i64: 64, 128>}, {transform_indices = @transform_2, window_bounds = array<i64: 1, 4, 2000>}, {transform_indices = @transform_3, window_bounds = array<i64: 2000, 128>}]} {
    %get3A = arith.constant 0 : index
    %get3A_0 = arith.constant 0 : index
    %get3A_1 = arith.constant 0 : index
    %get3A_2 = vector.load %arg3[%get3A, %get3A_0, %get3A_1] : memref<1x4x2000xf32, #tpu.memory_space<vmem>>, vector<1x4x2000xf32>
    %get3A_3 = vector.shape_cast %get3A_2 : vector<1x4x2000xf32> to vector<4x2000xf32>
    %slice3A = vector.extract_strided_slice %get3A_3 {offsets = [1, 0], sizes = [1, 2000], strides = [1, 1]} : vector<4x2000xf32> to vector<1x2000xf32>
    %slice3A_4 = vector.extract_strided_slice %get3A_3 {offsets = [3, 0], sizes = [1, 2000], strides = [1, 1]} : vector<4x2000xf32> to vector<1x2000xf32>
    %add3A = arith.addf %slice3A, %slice3A_4 : vector<1x2000xf32>
    %max3A = arith.constant 1.000000e+00 : f32
    %max3A_5 = vector.broadcast %max3A : f32 to vector<1x2000xf32>
    %max3A_6 = arith.maximumf %add3A, %max3A_5 : vector<1x2000xf32>
    %rsqrt3A = math.rsqrt %max3A_6 : vector<1x2000xf32>
    %broadcast_in_dim3A = arith.constant 1.000000e+00 : f32
    %broadcast_in_dim3A_7 = vector.broadcast %broadcast_in_dim3A : f32 to vector<1x1xf32>
    %dot_general3A = arith.constant dense<0.000000e+00> : vector<2000x1xf32>
    %dot_general3A_8 = tpu.matmul %rsqrt3A, %broadcast_in_dim3A_7, %dot_general3A {dimension_numbers = #tpu.dot_dimension_numbers<[0], [0], [1], [1], [0, 1, 1, 1], [], []>, precision = #tpu.contract_precision<fp32>, transpose_lhs_hint = false} : vector<1x2000xf32>, vector<1x1xf32>, vector<2000x1xf32> -> vector<2000x1xf32>
    %get3A_9 = arith.constant 0 : index
    %get3A_10 = arith.constant 0 : index
    %get3A_11 = vector.load %arg1[%get3A_9, %get3A_10] : memref<2000x128xf32, #tpu.memory_space<vmem>>, vector<2000x64xf32>
    %get3A_12 = arith.constant 0 : index
    %get3A_13 = arith.constant 64 : index
    %get3A_14 = vector.load %arg1[%get3A_12, %get3A_13] : memref<2000x128xf32, #tpu.memory_space<vmem>>, vector<2000x64xf32>
    %add3A_15 = arith.addf %get3A_11, %get3A_14 : vector<2000x64xf32>
    %get3A_16 = arith.constant 0 : index
    %get3A_17 = arith.constant 0 : index
    %get3A_18 = vector.load %arg2[%get3A_16, %get3A_17] : memref<64x128xf32, #tpu.memory_space<vmem>>, vector<64x128xf32>
    %dot_general3A_19 = arith.constant dense<0.000000e+00> : vector<2000x128xf32>
    %dot_general3A_20 = tpu.matmul %add3A_15, %get3A_18, %dot_general3A_19 {dimension_numbers = #tpu.dot_dimension_numbers<[1], [0], [0], [1], [0, 0, 1, 1], [], []>, precision = #tpu.contract_precision<fp32>, transpose_lhs_hint = false} : vector<2000x64xf32>, vector<64x128xf32>, vector<2000x128xf32> -> vector<2000x128xf32>
    %mul3A = vector.broadcast %dot_general3A_8 : vector<2000x1xf32> to vector<2000x128xf32>
    %mul3A_21 = arith.mulf %dot_general3A_20, %mul3A : vector<2000x128xf32>
    %swap3A = arith.constant 0 : index
    %swap3A_22 = arith.constant 0 : index
    %swap3A_23 = vector.load %arg4[%swap3A, %swap3A_22] : memref<2000x128xf32, #tpu.memory_space<vmem>>, vector<2000x128xf32>
    tpu.vector_store %arg4[%swap3A, %swap3A_22], %mul3A_21 {strides = array<i32>} : memref<2000x128xf32, #tpu.memory_space<vmem>>, vector<2000x128xf32>,
    return
  }
  func.func @transform_0(%arg0: i32) -> (i32, i32) {
    %c0_i32 = arith.constant 0 : i32
    %c0_i32_0 = arith.constant 0 : i32
    return %arg0, %c0_i32 : i32, i32
  }
  func.func @transform_1(%arg0: i32) -> (i32, i32) {
    %c0_i32 = arith.constant 0 : i32
    %c0_i32_0 = arith.constant 0 : i32
    %c0_i32_1 = arith.constant 0 : i32
    return %c0_i32, %c0_i32_0 : i32, i32
  }
  func.func @transform_2(%arg0: i32) -> (i32, i32, i32) {
    %c0_i32 = arith.constant 0 : i32
    %c0_i32_0 = arith.constant 0 : i32
    %c0_i32_1 = arith.constant 0 : i32
    return %arg0, %c0_i32, %c0_i32_0 : i32, i32, i32
  }
  func.func @transform_3(%arg0: i32) -> (i32, i32) {
    %c0_i32 = arith.constant 0 : i32
    %c0_i32_0 = arith.constant 0 : i32
    return %arg0, %c0_i32 : i32, i32
  }
}

</mosaic_0001>

<sc_bundles>
// kernel: kernel.11.cloned.1.call-start
scs
__scs_entry_jumppad:
0x0: {  	(pc) =	sbr.rel $0x88, $3  }
0x1: {  	(tag) =	ssettag $0x0;
	lr =	simm.s32 $0x1  }
0x2: {  	[smem:$0x3F9D] =	sst lr;
	_ =	strace $0xD0000000  }
0x3: {  	_ = 	snop  }
0x4: {  	_ = 	snop  }
0x5: {  	_ = 	snop  }
0x6: {  	_ = 	snop  }
0x7: {  	_ = 	snop  }
__scs_overlays_trampoline_lowered:
0x8: {  	[smem:$0x3FAC] =	sst s0  }
0x9: {  	[smem:$0x3FAD] =	sst s1  }
0xa: {  	[smem:$0x3FAE] =	sst s2  }
0xb: {  	[smem:$0x3FAF] =	sst s3  }
0xc: {  	[smem:$0x3FB0] =	sst s4  }
0xd: {  	[smem:$0x3FB1] =	sst s5  }
0xe: {  	[smem:$0x3FB2] =	sst s6  }
0xf: {  	[smem:$0x3FB3] =	sst s7  }
0x10: {  	[smem:$0x3FB4] =	sst s8  }
0x11: {  	[smem:$0x3FB5] =	sst s9;
	s0 =	simm.s32 @!p0 $0x0  }
0x12: {  	s1 =	sld [smem:$0x3F9B];
	s0 =	simm.s32 @p0 $0x1  }
0x13: {  	[smem:$0x3FB6] =	sst s0;
	s0 =	simm.s32 @!p1 $0x0  }
0x14: {  	s2 =	sld [smem:$0x3F9A];
	s0 =	simm.s32 @p1 $0x1  }
0x15: {  	[smem:$0x3FB7] =	sst s0;
	s0 =	simm.s32 @!p2 $0x0  }
0x16: {  	s3 =	sld [smem:$0x3FDB];
	s0 =	simm.s32 @p2 $0x1  }
0x17: {  	s4 =	simm.s32 $0x1BF5;
	[smem:$0x3FB9] =	sst s0  }
0x18: {  	s0 =	sld [smem:$0x3F9C];
	_ =	swait.ge [sflag:s4], $0x0  }
0x19: {  	s7 =	sld [smem:$0x3F9D]  }
0x1a: {  	s8 =	sadd.s32 $0xFFFFE003, lr  }
0x1b: {  	s9 =	sadd.s32 $0xFFFFFEF7, lr;
	s5 =	simm.s32 $0xFFFFFFFF;
	p2 =	slt.u32 s8, $0xFFFFF086  }
0x1c: {  	p1 =	slt.u32 s9, $0xF7A;
	s5 =	simm.s32 @!p2 $0x0  }
0x1d: {  	s5 =	simm.s32 @p1 $0x1;
	p0 =	seq.s32 s7, s2  }
0x1e: {  	s7 =	smul.u32 @!p0 $0xF7A, s2;
	p2 =	seq.s32 @!p0 s5, $0x0  }
0x1f: {  	s9 =	smul.u32 $0xF7A, s1;
	s8 =	simm.s32 @!p0 $0x1BF5;
	p2 =	por !p2, p0  }
0x20: {  	[sflag:s8] =	ssyncset.s32 @!p0 $0xFFFFF086;
	s6 =	sadd.s32 @!p0 s3, s7;
	s7 =	simm.s32 @!p0 $0x108  }
0x21: {  	s3 =	sadd.s32 s3, s9;
	s6 =	sadd.s32 @!p0 $0x88, s6;
	s7 =	simm.s32 @p2 $0x1082  }
0x22: {  	[simem:s7], [sflag:s8] =	dma.local @!p0 [hbm:s6], $0xF7A  }
0x23: {  	s9 =	sor.u32 $0xD0000000, s2;
	s6 =	simm.s32 $0x108;
	_ =	swait.ge @!p0 [sflag:s8], $0x0  }
0x24: {  	s3 =	sadd.s32 $0x88, s3;
	s6 =	simm.s32 @!p1 $0x1082;
	[sflag:s4] =	ssyncset.s32 $0xFFFFF086  }
0x25: {  	[simem:s6], [sflag:s4] =	dma.local [hbm:s3], $0xF7A  }
0x26: {  	[smem:$0x3F9D] =	sst s1;
	(tag) =	ssettag s2;
	_ =	strace s9  }
0x27: {  	s1 =	sld [smem:$0x3FAD]  }
0x28: {  	s2 =	sld [smem:$0x3FAE]  }
0x29: {  	s4 =	sld [smem:$0x3FB0]  }
0x2a: {  	p0 =	seq.s32 s5, $0x0;
	s5 =	sld [smem:$0x3FB1]  }
0x2b: {  	s6 =	sld [smem:$0x3FB2]  }
0x2c: {  	s7 =	sld [smem:$0x3FB3]  }
0x2d: {  	s3 =	simm.s32 $0x108;
	s8 =	sld [smem:$0x3FB4]  }
0x2e: {  	s3 =	simm.s32 @!p0 $0x1082;
	s9 =	sld [smem:$0x3FB5]  }
0x2f: {  	lr =	sadd.s32 s0, s3;
	s0 =	sld [smem:$0x3FAC]  }
0x30: {  	s3 =	sld [smem:$0x3FAF]  }
0x31: {  	[smem:$0x3FB8] =	sst s10  }
0x32: {  	s10 =	sld [smem:$0x3FB6];
	_ =	sdelay $0x3  }
0x33: {  	p0 =	seq.s32 s10, $0x1;
	s10 =	sld [smem:$0x3FB8];
	_ =	sdelay $0x3  }
0x34: {  	[smem:$0x3FB8] =	sst s10  }
0x35: {  	s10 =	sld [smem:$0x3FB7];
	_ =	sdelay $0x3  }
0x36: {  	p1 =	seq.s32 s10, $0x1;
	s10 =	sld [smem:$0x3FB8];
	_ =	sdelay $0x3  }
0x37: {  	[smem:$0x3FB8] =	sst s10  }
0x38: {  	s10 =	sld [smem:$0x3FB9]  }
0x39: {  	_ = 	snop;
	(pc) =	sbr.ind lr, $3  }
0x3a: {  	_ = 	snop  }
0x3b: {  	_ = 	snop  }
0x3c: {  	p2 =	seq.s32 s10, $0x1;
	s10 =	sld [smem:$0x3FB8]  }
0x3d: {  	_ =	shalt  }
0x3e: {  	_ =	shalt  }
0x3f: {  	_ =	shalt  }
0x40: {  	_ =	shalt  }
0x41: {  	_ =	shalt  }
0x42: {  	_ =	shalt  }
0x43: {  	_ =	shalt  }
0x44: {  	_ =	shalt  }
0x45: {  	_ =	shalt  }
0x46: {  	_ =	shalt  }
0x47: {  	_ =	shalt  }
0x48: {  	_ =	shalt  }
0x49: {  	_ =	shalt  }
0x4a: {  	_ =	shalt  }
0x4b: {  	_ =	shalt  }
0x4c: {  	_ =	shalt  }
0x4d: {  	_ =	shalt  }
0x4e: {  	_ =	shalt  }
0x4f: {  	_ =	shalt  }
0x50: {  	_ =	shalt  }
0x51: {  	_ =	shalt  }
0x52: {  	_ =	shalt  }
0x53: {  	_ =	shalt  }
0x54: {  	_ =	shalt  }
0x55: {  	_ =	shalt  }
0x56: {  	_ =	shalt  }
0x57: {  	_ =	shalt  }
0x58: {  	_ =	shalt  }
0x59: {  	_ =	shalt  }
0x5a: {  	_ =	shalt  }
0x5b: {  	_ =	shalt  }
0x5c: {  	_ =	shalt  }
0x5d: {  	_ =	shalt  }
0x5e: {  	_ =	shalt  }
0x5f: {  	_ =	shalt  }
0x60: {  	_ =	shalt  }
0x61: {  	_ =	shalt  }
0x62: {  	_ =	shalt  }
0x63: {  	_ =	shalt  }
0x64: {  	_ =	shalt  }
0x65: {  	_ =	shalt  }
0x66: {  	_ =	shalt  }
0x67: {  	_ =	shalt  }
0x68: {  	_ =	shalt  }
0x69: {  	_ =	shalt  }
0x6a: {  	_ =	shalt  }
0x6b: {  	_ =	shalt  }
0x6c: {  	_ =	shalt  }
0x6d: {  	_ =	shalt  }
0x6e: {  	_ =	shalt  }
0x6f: {  	_ =	shalt  }
0x70: {  	_ =	shalt  }
0x71: {  	_ =	shalt  }
0x72: {  	_ =	shalt  }
0x73: {  	_ =	shalt  }
0x74: {  	_ =	shalt  }
0x75: {  	_ =	shalt  }
0x76: {  	_ =	shalt  }
0x77: {  	_ =	shalt  }
0x78: {  	_ =	shalt  }
0x79: {  	_ =	shalt  }
0x7a: {  	_ =	shalt  }
0x7b: {  	_ =	shalt  }
0x7c: {  	_ =	shalt  }
0x7d: {  	_ =	shalt  }
0x7e: {  	_ =	shalt  }
0x7f: {  	_ =	shalt  }
0x80: {  	_ =	shalt  }
0x81: {  	_ =	shalt  }
0x82: {  	_ =	shalt  }
0x83: {  	_ =	shalt  }
0x84: {  	_ =	shalt  }
0x85: {  	_ =	shalt  }
0x86: {  	_ =	shalt  }
0x87: {  	_ =	shalt  }
.Lfunc_end0:
.L_simem_size_0:
called_computation.1_lowered:
.L_overlay_start_0:
0x88: {  	s2 =	sld [smem:$0x3FD9]  }
0x89: {  	s3 =	sld [smem:$0x3FFE];
	_ =	sdelay $0x1  }
0x8a: {  	s1 =	srdreg.scid  }
0x8b: {  	s0 =	sand.u32 $0x1, s1  }
0x8c: {  	s17 =	sshll.u32 s0, $0xA;
	s2 =	sadd.s32 s3, s2  }
0x8d: {  	s2 =	sadd.s32 s2, s17  }
0x8e: {  	[smem:$0x3FC4] =	sst s2  }
0x8f: {  	_ = 	snop  }
0x90: {  	s2 =	sld [smem:$0x3FD0];
	(tm) =	ssettm $0x1  }
0x91: {  	s18 =	sld [smem:$0x3FFB];
	_ =	sdelay $0x3  }
0x92: {  	_ =	strace s18  }
0x93: {  	s3 =	sld [smem:$0x3FFC];
	_ =	sdelay $0x3  }
0x94: {  	_ =	strace s3  }
0x95: {  	s3 =	sld [smem:$0x3FFD];
	_ =	sdelay $0x3  }
0x96: {  	_ =	strace s3  }
0x97: {  	_ =	strace $0x8FFFFFFF  }
0x98: {  	s19 =	sld [smem:$0x3FDB];
	_ =	sdelay $0x1  }
0x99: {  	s4 =	simm.s32 $_scs_section_size  }
0x9a: {  	s5 =	simm.s32 $_size__tile_overlayer_lowered;
	s6 =	simm.s32 $_tile_overlayer_lowered  }
0x9b: {  	s22 =	simm.s32 $0x1BFF;
	s21 =	sshll.u32 s6, $0x1;
	s3 =	sadd.s32 s4, s19  }
0x9c: {  	s7 =	simm.s32 $0x0;
	s20 =	sshll.u32 s5, $0x1;
	s5 =	sadd.s32 s21, s3  }
0x9d: {  	[timem:s7], [sflag:s22] =	dma.local [hbm:s5], s20  }
0x9e: {  	_ =	swait.ge [sflag:s22], s20  }
0x9f: {  	s4 =	ssub.s32 $0x0, s20;
	[sflag:s22] =	ssyncset.done $0x0  }
0xa0: {  	[sflag:s22] =	ssyncadd.s32 s4;
	_ =	sdelay $0x1  }
0xa1: {  	s23 =	simm.s32 $0x1B8B  }
0xa2: {  	_ =	swait.ge [sflag:s23], $0x1  }
0xa3: {  	[sflag:s23] =	ssyncset.done $0x0  }
0xa4: {  	s25 =	simm.s32 $0x1B8E;
	s24 =	sld [smem:$0x3FFE];
	[sflag:s23] =	ssyncadd.s32 $0xFFFFFFFF  }
0xa5: {  	s26 =	simm.s32 $execute0_lowered;
	[smem:$0x3FD2] =	sst s25  }
0xa6: {  	s5 =	sshll.u32 s26, $0x1;
	_ =	strace $0x80000049;
	[dreg:$0x1] =	wrdreg $0xFFFFFFFF  }
0xa7: {  	s28 =	simm.s32 $_size_execute0_lowered;
	s3 =	sadd.s32 s3, s5;
	[dreg:$0x0] =	wrdreg $0x0  }
0xa8: {  	s5 =	sshll.u32 s28, $0x1;
	[dreg:$0x2] =	wrdreg s3  }
0xa9: {  	[dreg:$0x3] =	wrdreg s5  }
0xaa: {  	[dreg:$0x4] =	wrdreg $0xC0  }
0xab: {  	_ =	task [dreg:s7], $0x5FFFF  }
0xac: {  	[dreg:$0x1] =	wrdreg $0xFFFFFFFF  }
0xad: {  	[dreg:$0x0] =	wrdreg $0x60  }
0xae: {  	[dreg:$0x2] =	wrdreg s24  }
0xaf: {  	[dreg:$0x3] =	wrdreg s2  }
0xb0: {  	[dreg:$0x4] =	wrdreg $0x0  }
0xb1: {  	[dreg:$0x5] =	wrdreg $0x9  }
0xb2: {  	_ =	task.clear_ibuf [dreg:s7], $0x6FFFF;
	_ =	strace $0x90000049  }
0xb3: {  	s29 =	simm.s32 $0x9;
	_ =	strace $0x8000004B  }
0xb4: {  	_ =	swait.ge [sflag:s29], $0x1  }
0xb5: {  	[sflag:s29] =	ssyncadd.s32 $0xFFFFFFFF  }
0xb6: {  	_ =	strace $0x9000004B  }
0xb7: {  	_ =	sfence  }
0xb8: {  	s30 =	sld [smem:$0x0];
	_ =	sdelay $0x2  }
0xb9: {  	s31 =	sshll.u32 s1, $0xD;
	s1 =	sshrl.u32 s1, $0x2  }
0xba: {  	s3 =	sand.u32 $0x4000, s31;
	s1 =	sadd.s32 s1, s30  }
0xbb: {  	s0 =	sor.u32 s3, s0;
	s1 =	sshll.u32 s1, $0x11  }
0xbc: {  	s0 =	sor.u32 s1, s0  }
0xbd: {  	s0 =	sadd.s32 $0x8F2B, s0  }
0xbe: {  	[sflag:s0] =	ssyncadd.remote.s32 $0x1  }
0xbf: {  	_ =	sfence.sel $0xFFFF  }
0xc0: {  	[dreg:$0x0] =	wrdreg $0xFFFFFFFF;
	(pc) =	sbr.abs _section_cstart, $3  }
0xc1: {  	[dreg:$0x1] =	wrdreg $0xFFFFFFFF  }
0xc2: {  	_ =	task.clear_ibuf [dreg:s7], $0x2FFFF;
	_ =	strace $0x9FFFFFFF  }
0xc3: {  	(tm) =	ssettm $0x7FFFFFFF  }
tec
execute0_lowered:
.L_overlay_start_1:
0x0: {  	(tag) =	ssettag $0x1  }
0x1: {  	s0 =	rddreg [dreg:$0x0]  }
0x2: {  	s2 =	rddreg [dreg:$0x1];
	s3 =	srdreg.scid  }
0x3: {  	s6 =	stileid.u32;
	s1 =	rddreg [dreg:$0x2]  }
0x4: {  	s4 =	simm.s32 $0x0;
	s14 =	simm.s32 $0x9C40;
	s16 =	simm.s32 $0x50  }
0x5: {  	s17 =	simm.s32 $0xEA60;
	s28 =	simm.s32 $0x6;
	s29 =	simm.s32 $0x3  }
0x6: {  	s30 =	simm.s32 $0x7;
	s31 =	simm.s32 $0x4;
	s15 =	simm.s32 $0x5  }
0x7: {  	s18 =	simm.s32 $0x9;
	s7 =	sand.u32 $0x1, s3;
	s19 =	sshll.u32 s6, $0x1  }
0x8: {  	[smem:$0x7FF] =	sst s4;
	s8 =	smul.u32 $0x27000, s6;
	s4 =	sadd.s32 $0x29000, s0  }
0x9: {  	s23 =	sshll.u32 s6, $0x6;
	s24 =	smul.u32 $0x13800, s6;
	s13 =	sadd.s32 $0x9C000, s1  }
0xa: {  	p0 =	sne.s32 s6, $0x0;
	s3 =	sor.u32 s7, s19;
	_ =	strace $0x8000004A  }
0xb: {  	s5 =	ssub.s32 $0x2, s7;
	s25 =	sshll.u32 s7, $0x6;
	s7 =	sshll.u32 s7, $0x3  }
0xc: {  	s13 =	sshrl.u32 @!p0 s13, $0x3;
	s19 =	simm.s32 $0xFE60;
	s3 =	smul.u32 $0x2710, s3  }
0xd: {  	s10 =	sshrl.u32 s5, $0x1;
	s22 =	sshrl.u32 s8, $0x2;
	s8 =	sor.u32 s25, s24  }
0xe: {  	s7 =	sadd.s32 s7, s2;
	s24 =	simm.s32 $0x1;
	s25 =	simm.s32 $0x13A60  }
0xf: {  	s21 =	ssub.s32 s5, s10;
	s11 =	sadd.s32 s22, s1;
	s5 =	sor.u32 $0x1C0B, s23  }
0x10: {  	s8 =	sshrl.u32 s8, $0x3;
	s26 =	sadd.s32 $0x27000, s7;
	s23 =	simm.s32 $0x12660  }
0x11: {  	s22 =	simm.s32 $0xA;
	s20 =	sshrl.u32 s3, $0x3;
	s3 =	sadd.s32 $0x15600, s0  }
0x12: {  	s2 =	sadd.s32 s2, s8;
	[dreg:$0x7] =	wrdreg s26;
	s10 =	smax.u32 s21, $0x1  }
0x13: {  	s11 =	sshrl.u32 s11, $0x3;
	s21 =	simm.s32 $0x11260;
	s9 =	sadd.s32 s20, s0  }
0x14: {  	s26 =	simm.s32 $0x2;
	[dreg:$0x6] =	wrdreg s2;
	s12 =	sadd.s32 $0x1C00, s9  }
0x15: {  	s0 =	simm.s32 $0x8;
	s9 =	sadd.s32 $0xB840, s9;
	[dreg:$0x4] =	wrdreg s12  }
0x16: {  	s20 =	simm.s32 $0x0;
	[dreg:$0x5] =	wrdreg s9;
	s12 =	simm.s32 $0xB  }
.LBB2_1:
0x17: {  	[spmem:s11], [sflag:s5] =	dma.local [hbm:s4], $0x1380  }
0x18: {  	_ =	swait.ge [sflag:s12], $0x1380  }
0x19: {  	[sflag:s12] =	ssyncset.done $0x0  }
0x1a: {  	s2 =	simm.s32 @!p0 $0xB;
	[sflag:s12] =	ssyncadd.s32 $0xFFFFEC80  }
0x1b: {  	[spmem:s13], [sflag:s5] =	dma.local @!p0 [hbm:s4], $0x80  }
0x1c: {  	_ =	swait.ge @!p0 [sflag:s2], $0x80  }
0x1d: {  	[sflag:s2] =	ssyncset.done @!p0 $0x0  }
0x1e: {  	s9 =	simm.s32 $0x0;
	s6 =	rddreg [dreg:$0x4];
	[sflag:s2] =	ssyncadd.s32 @!p0 $0xFFFFFF80  }
0x1f: {  	[tilespmem:s14], [sflag:$0xB] =	stream.linear.gather [hbm4b:s6+s9], $0x2710, $0x38;
	[tilespmem:$0x14E60] =	vst v63  }
0x20: {  	_ =	swait.ge [sflag:s12], $0x2710  }
0x21: {  	[sflag:s12] =	ssyncset.done $0x0  }
0x22: {  	s7 =	simm.s32 $0xC350;
	s8 =	rddreg [dreg:$0x5];
	[sflag:s12] =	ssyncadd.s32 $0xFFFFD8F0  }
0x23: {  	[tilespmem:s7], [sflag:$0xB] =	stream.linear.gather [hbm4b:s8+s9], $0x2710, $0x38;
	[tilespmem:$0x14E60] =	vst v63  }
0x24: {  	_ =	swait.ge [sflag:s12], $0x2710  }
0x25: {  	[sflag:s12] =	ssyncset.done $0x0  }
0x26: {  	[sflag:s12] =	ssyncadd.s32 $0xFFFFD8F0  }
0x27: {  	[bflag:$0x0] =	sbarrier.arrive $0xFFFF  }
0x28: {  	[tilespmem:s17], [sflag:$0x1] =	stream.indirect.gather [hbm4b:s3+s16], $0x40, s14, s16, $0xb8;
	[tilespmem:$0x14E60] =	vst v63  }
0x29: {  	s9 =	simm.s32 $0x9C90  }
0x2a: {  	[tilespmem:s19], [sflag:$0x2] =	stream.indirect.gather [hbm4b:s3+s16], $0x40, s9, s16, $0xb8;
	[tilespmem:$0x14E60] =	vst v63  }
0x2b: {  	s6 =	simm.s32 $0x9CE0  }
0x2c: {  	[tilespmem:s21], [sflag:$0x3] =	stream.indirect.gather [hbm4b:s3+s16], $0x40, s6, s16, $0xb8;
	[tilespmem:$0x14E60] =	vst v63  }
0x2d: {  	s7 =	simm.s32 $0x9D30  }
0x2e: {  	[tilespmem:s23], [sflag:$0x4] =	stream.indirect.gather [hbm4b:s3+s16], $0x40, s7, s16, $0xb8;
	[tilespmem:$0x14E60] =	vst v63  }
0x2f: {  	_ =	swait.ge [sflag:s24], $0x1400  }
0x30: {  	p1 =	por $0x1, $0x1;
	[sflag:s24] =	ssyncset.done $0x0  }
0x31: {  	s8 =	simm.s32 $0xC350;
	s6 =	simm.s32 @!p1 $0xA;
	[sflag:s24] =	ssyncadd.s32 $0xFFFFEC00  }
0x32: {  	[spmem:s1] =	stream.indirect.scatter.add.f32 [tilespmem:s17], [sflag:$0x6], $0x40, s8, s16, $0xb8;
	[tilespmem:$0x14E60] =	vst v63  }
0x33: {  	_ =	swait.ge @!p1 [sflag:s6], $0x1400  }
0x34: {  	[sflag:s6] =	ssyncset.done @!p1 $0x0  }
0x35: {  	s9 =	simm.s32 $0x9D80;
	[sflag:s6] =	ssyncadd.s32 @!p1 $0xFFFFEC00  }
0x36: {  	[tilespmem:s25], [sflag:$0x5] =	stream.indirect.gather [hbm4b:s3+s16], $0x40, s9, s16, $0xb8;
	[tilespmem:$0x14E60] =	vst v63  }
0x37: {  	_ =	swait.ge [sflag:s26], $0x1400  }
0x38: {  	[sflag:s26] =	ssyncset.done $0x0  }
0x39: {  	s7 =	simm.s32 $0xC3A0;
	[sflag:s26] =	ssyncadd.s32 $0xFFFFEC00  }
0x3a: {  	[spmem:s1] =	stream.indirect.scatter.add.f32 [tilespmem:s19], [sflag:$0x7], $0x40, s7, s16, $0xb8;
	[tilespmem:$0x14E60] =	vst v63  }
0x3b: {  	_ =	swait.ge [sflag:s28], $0x1400  }
0x3c: {  	[sflag:s28] =	ssyncset.done $0x0  }
0x3d: {  	s8 =	simm.s32 $0x9DD0;
	[sflag:s28] =	ssyncadd.s32 $0xFFFFEC00  }
0x3e: {  	[tilespmem:s17], [sflag:$0x1] =	stream.indirect.gather [hbm4b:s3+s16], $0x40, s8, s16, $0xb8;
	[tilespmem:$0x14E60] =	vst v63  }
0x3f: {  	_ =	swait.ge [sflag:s29], $0x1400  }
0x40: {  	[sflag:s29] =	ssyncset.done $0x0  }
0x41: {  	s9 =	simm.s32 $0xC3F0;
	[sflag:s29] =	ssyncadd.s32 $0xFFFFEC00  }
0x42: {  	[spmem:s1] =	stream.indirect.scatter.add.f32 [tilespmem:s21], [sflag:$0x8], $0x40, s9, s16, $0xb8;
	[tilespmem:$0x14E60] =	vst v63  }
0x43: {  	_ =	swait.ge [sflag:s30], $0x1400  }
0x44: {  	[sflag:s30] =	ssyncset.done $0x0  }
0x45: {  	s6 =	simm.s32 $0x9E20;
	[sflag:s30] =	ssyncadd.s32 $0xFFFFEC00  }
0x46: {  	[tilespmem:s19], [sflag:$0x2] =	stream.indirect.gather [hbm4b:s3+s16], $0x40, s6, s16, $0xb8;
	[tilespmem:$0x14E60] =	vst v63  }
0x47: {  	_ =	swait.ge [sflag:s31], $0x1400  }
0x48: {  	[sflag:s31] =	ssyncset.done $0x0  }
0x49: {  	s7 =	simm.s32 $0xC440;
	[sflag:s31] =	ssyncadd.s32 $0xFFFFEC00  }
0x4a: {  	[spmem:s1] =	stream.indirect.scatter.add.f32 [tilespmem:s23], [sflag:$0x9], $0x40, s7, s16, $0xb8;
	[tilespmem:$0x14E60] =	vst v63  }
0x4b: {  	_ =	swait.ge [sflag:s0], $0x1400  }
0x4c: {  	[sflag:s0] =	ssyncset.done $0x0  }
0x4d: {  	s8 =	simm.s32 $0x9E70;
	[sflag:s0] =	ssyncadd.s32 $0xFFFFEC00  }
0x4e: {  	[tilespmem:s21], [sflag:$0x3] =	stream.indirect.gather [hbm4b:s3+s16], $0x40, s8, s16, $0xb8;
	[tilespmem:$0x14E60] =	vst v63  }
0x4f: {  	_ =	swait.ge [sflag:s15], $0x1400  }
0x50: {  	[sflag:s15] =	ssyncset.done $0x0  }
0x51: {  	s9 =	simm.s32 $0xC490;
	[sflag:s15] =	ssyncadd.s32 $0xFFFFEC00  }
0x52: {  	[spmem:s1] =	stream.indirect.scatter.add.f32 [tilespmem:s25], [sflag:$0xA], $0x40, s9, s16, $0xb8;
	[tilespmem:$0x14E60] =	vst v63  }
0x53: {  	s2 =	simm.s32 $0xFFFFFFFF;
	_ =	swait.ge [sflag:s18], $0x1400  }
0x54: {  	s6 =	simm.s32 $0x640;
	s7 =	simm.s32 $0x9EC0;
	[sflag:s18] =	ssyncset.done $0x0  }
.LBB2_2:
0x55: {  	[sflag:s18] =	ssyncadd.s32 $0xFFFFEC00  }
0x56: {  	s2 =	sadd.s32 $0x5, s2;
	s8 =	smov.u32 s6;
	s6 =	sadd.s32 $0x640, s6  }
0x57: {  	[tilespmem:s23], [sflag:$0x4] =	stream.indirect.gather [hbm4b:s3+s16], $0x40, s7, s16, $0xb8;
	[tilespmem:$0x14E60] =	vst v63  }
0x58: {  	s7 =	sshra.s32 s8, $0x2;
	p1 =	sne.s32 s6, $0x9600;
	_ =	swait.ge [sflag:s24], $0x1400  }
0x59: {  	p2 =	sgt.u32 s2, $0x77;
	s8 =	sadd.s32 $0xC350, s7;
	[sflag:s24] =	ssyncset.done $0x0  }
0x5a: {  	s9 =	simm.s32 @!p2 $0xA;
	[sflag:s24] =	ssyncadd.s32 $0xFFFFEC00  }
0x5b: {  	[spmem:s1] =	stream.indirect.scatter.add.f32 [tilespmem:s17], [sflag:$0x6], $0x40, s8, s16, $0xb8;
	[tilespmem:$0x14E60] =	vst v63  }
0x5c: {  	_ =	swait.ge @!p2 [sflag:s9], $0x1400  }
0x5d: {  	s8 =	sadd.s32 $0x9D80, s7;
	[sflag:s9] =	ssyncset.done @!p2 $0x0  }
0x5e: {  	[sflag:s9] =	ssyncadd.s32 @!p2 $0xFFFFEC00  }
0x5f: {  	[tilespmem:s25], [sflag:$0x5] =	stream.indirect.gather [hbm4b:s3+s16], $0x40, s8, s16, $0xb8;
	[tilespmem:$0x14E60] =	vst v63  }
0x60: {  	_ =	swait.ge [sflag:s26], $0x1400  }
0x61: {  	s8 =	sadd.s32 $0xC3A0, s7;
	[sflag:s26] =	ssyncset.done $0x0  }
0x62: {  	[sflag:s26] =	ssyncadd.s32 $0xFFFFEC00  }
0x63: {  	[spmem:s1] =	stream.indirect.scatter.add.f32 [tilespmem:s19], [sflag:$0x7], $0x40, s8, s16, $0xb8;
	[tilespmem:$0x14E60] =	vst v63  }
0x64: {  	_ =	swait.ge [sflag:s28], $0x1400  }
0x65: {  	s8 =	sadd.s32 $0x9DD0, s7;
	[sflag:s28] =	ssyncset.done $0x0  }
0x66: {  	[sflag:s28] =	ssyncadd.s32 $0xFFFFEC00  }
0x67: {  	[tilespmem:s17], [sflag:$0x1] =	stream.indirect.gather [hbm4b:s3+s16], $0x40, s8, s16, $0xb8;
	[tilespmem:$0x14E60] =	vst v63  }
0x68: {  	_ =	swait.ge [sflag:s29], $0x1400  }
0x69: {  	s8 =	sadd.s32 $0xC3F0, s7;
	[sflag:s29] =	ssyncset.done $0x0  }
0x6a: {  	[sflag:s29] =	ssyncadd.s32 $0xFFFFEC00  }
0x6b: {  	[spmem:s1] =	stream.indirect.scatter.add.f32 [tilespmem:s21], [sflag:$0x8], $0x40, s8, s16, $0xb8;
	[tilespmem:$0x14E60] =	vst v63  }
0x6c: {  	_ =	swait.ge [sflag:s30], $0x1400  }
0x6d: {  	s8 =	sadd.s32 $0x9E20, s7;
	[sflag:s30] =	ssyncset.done $0x0  }
0x6e: {  	[sflag:s30] =	ssyncadd.s32 $0xFFFFEC00  }
0x6f: {  	[tilespmem:s19], [sflag:$0x2] =	stream.indirect.gather [hbm4b:s3+s16], $0x40, s8, s16, $0xb8;
	[tilespmem:$0x14E60] =	vst v63  }
0x70: {  	_ =	swait.ge [sflag:s31], $0x1400  }
0x71: {  	s8 =	sadd.s32 $0xC440, s7;
	[sflag:s31] =	ssyncset.done $0x0  }
0x72: {  	[sflag:s31] =	ssyncadd.s32 $0xFFFFEC00  }
0x73: {  	[spmem:s1] =	stream.indirect.scatter.add.f32 [tilespmem:s23], [sflag:$0x9], $0x40, s8, s16, $0xb8;
	[tilespmem:$0x14E60] =	vst v63  }
0x74: {  	_ =	swait.ge [sflag:s0], $0x1400  }
0x75: {  	s8 =	sadd.s32 $0x9E70, s7;
	[sflag:s0] =	ssyncset.done $0x0  }
0x76: {  	[sflag:s0] =	ssyncadd.s32 $0xFFFFEC00  }
0x77: {  	[tilespmem:s21], [sflag:$0x3] =	stream.indirect.gather [hbm4b:s3+s16], $0x40, s8, s16, $0xb8;
	[tilespmem:$0x14E60] =	vst v63  }
0x78: {  	_ =	swait.ge [sflag:s15], $0x1400  }
.Ltmp0:
0x79: {  	s8 =	sadd.s32 $0xC490, s7;
	[sflag:s15] =	ssyncset.done $0x0;
	(pc) =	sbr.rel @p1 .LBB2_2-.Ltmp0, $4  }
0x7a: {  	[sflag:s15] =	ssyncadd.s32 $0xFFFFEC00  }
0x7b: {  	[spmem:s1] =	stream.indirect.scatter.add.f32 [tilespmem:s25], [sflag:$0xA], $0x40, s8, s16, $0xb8;
	[tilespmem:$0x14E60] =	vst v63  }
0x7c: {  	_ =	swait.ge [sflag:s18], $0x1400  }
0x7d: {  	s7 =	sadd.s32 $0x9EC0, s7;
	[sflag:s18] =	ssyncset.done $0x0  }
0x7e: {  	[sflag:s18] =	ssyncadd.s32 $0xFFFFEC00  }
0x7f: {  	[tilespmem:s23], [sflag:$0x4] =	stream.indirect.gather [hbm4b:s3+s16], $0x40, s7, s16, $0xb8;
	[tilespmem:$0x14E60] =	vst v63  }
0x80: {  	_ =	swait.ge [sflag:s24], $0x1400  }
0x81: {  	[sflag:s24] =	ssyncset.done $0x0  }
0x82: {  	s2 =	simm.s32 $0xE8D0;
	[sflag:s24] =	ssyncadd.s32 $0xFFFFEC00  }
0x83: {  	[spmem:s1] =	stream.indirect.scatter.add.f32 [tilespmem:s17], [sflag:$0x6], $0x40, s2, s16, $0xb8;
	[tilespmem:$0x14E60] =	vst v63  }
0x84: {  	_ =	swait.ge [sflag:s22], $0x1400  }
0x85: {  	[sflag:s22] =	ssyncset.done $0x0  }
0x86: {  	s8 =	simm.s32 $0xC300;
	[sflag:s22] =	ssyncadd.s32 $0xFFFFEC00  }
0x87: {  	[tilespmem:s25], [sflag:$0x5] =	stream.indirect.gather [hbm4b:s3+s16], $0x40, s8, s16, $0xb8;
	[tilespmem:$0x14E60] =	vst v63  }
0x88: {  	_ =	swait.ge [sflag:s26], $0x1400  }
0x89: {  	[sflag:s26] =	ssyncset.done $0x0  }
0x8a: {  	s9 =	simm.s32 $0xE920;
	[sflag:s26] =	ssyncadd.s32 $0xFFFFEC00  }
0x8b: {  	[spmem:s1] =	stream.indirect.scatter.add.f32 [tilespmem:s19], [sflag:$0x7], $0x40, s9, s16, $0xb8;
	[tilespmem:$0x14E60] =	vst v63  }
0x8c: {  	_ =	swait.ge [sflag:s29], $0x1400  }
0x8d: {  	[sflag:s29] =	ssyncset.done $0x0  }
0x8e: {  	s6 =	simm.s32 $0xE970;
	[sflag:s29] =	ssyncadd.s32 $0xFFFFEC00  }
0x8f: {  	[spmem:s1] =	stream.indirect.scatter.add.f32 [tilespmem:s21], [sflag:$0x8], $0x40, s6, s16, $0xb8;
	[tilespmem:$0x14E60] =	vst v63  }
0x90: {  	_ =	swait.ge [sflag:s31], $0x1400  }
0x91: {  	[sflag:s31] =	ssyncset.done $0x0  }
0x92: {  	s7 =	simm.s32 $0xE9C0;
	[sflag:s31] =	ssyncadd.s32 $0xFFFFEC00  }
0x93: {  	[spmem:s1] =	stream.indirect.scatter.add.f32 [tilespmem:s23], [sflag:$0x9], $0x40, s7, s16, $0xb8;
	[tilespmem:$0x14E60] =	vst v63  }
0x94: {  	_ =	swait.ge [sflag:s15], $0x1400  }
0x95: {  	[sflag:s15] =	ssyncset.done $0x0  }
0x96: {  	s8 =	simm.s32 $0xEA10;
	[sflag:s15] =	ssyncadd.s32 $0xFFFFEC00  }
0x97: {  	[spmem:s1] =	stream.indirect.scatter.add.f32 [tilespmem:s25], [sflag:$0xA], $0x40, s8, s16, $0xb8;
	[tilespmem:$0x14E60] =	vst v63  }
0x98: {  	_ =	swait.ge [sflag:s28], $0x1400  }
0x99: {  	[sflag:s28] =	ssyncset.done $0x0  }
0x9a: {  	[sflag:s28] =	ssyncadd.s32 $0xFFFFEC00  }
0x9b: {  	_ =	swait.ge [sflag:s30], $0x1400  }
0x9c: {  	[sflag:s30] =	ssyncset.done $0x0  }
0x9d: {  	[sflag:s30] =	ssyncadd.s32 $0xFFFFEC00  }
0x9e: {  	_ =	swait.ge [sflag:s0], $0x1400  }
0x9f: {  	[sflag:s0] =	ssyncset.done $0x0  }
0xa0: {  	[sflag:s0] =	ssyncadd.s32 $0xFFFFEC00  }
0xa1: {  	_ =	swait.ge [sflag:s18], $0x1400  }
0xa2: {  	[sflag:s18] =	ssyncset.done $0x0  }
0xa3: {  	[sflag:s18] =	ssyncadd.s32 $0xFFFFEC00  }
0xa4: {  	_ =	swait.ge [sflag:s22], $0x1400  }
0xa5: {  	[sflag:s22] =	ssyncset.done $0x0  }
0xa6: {  	[sflag:s22] =	ssyncadd.s32 $0xFFFFEC00  }
0xa7: {  	[bflag:$0x0] =	sbarrier.arrive $0xFFFF  }
0xa8: {  	s20 =	sadd.s32 $0x1, s20;
	s6 =	simm.s32 $0x10;
	s9 =	rddreg [dreg:$0x6]  }
0xa9: {  	[hbm:s9@s6], [sflag:s5] =	dma.strided [spmem:s11@s0], $0x1380, s24, $0x8   }
0xaa: {  	p1 =	sne.s32 s20, s10;
	_ =	swait.ge [sflag:s12], $0x1380  }
0xab: {  	s2 =	simm.s32 @!p0 $0x1;
	s7 =	simm.s32 @!p0 $0x8;
	[sflag:s12] =	ssyncset.done $0x0  }
0xac: {  	s6 =	simm.s32 @!p0 $0x10;
	s8 =	rddreg [dreg:$0x7];
	[sflag:s12] =	ssyncadd.s32 $0xFFFFEC80  }
0xad: {  	[hbm:s8@s6], [sflag:s5] =	dma.strided @!p0 [spmem:s13@s7], $0x80, s2, $0x8   }
.Ltmp1:
0xae: {  	_ = 	snop;
	(pc) =	sbr.rel @p1 .LBB2_1-.Ltmp1, $4  }
0xaf: {  	s2 =	simm.s32 @!p0 $0xB  }
0xb0: {  	_ =	swait.ge @!p0 [sflag:s2], $0x80  }
0xb1: {  	[sflag:s2] =	ssyncset.done @!p0 $0x0  }
0xb2: {  	[sflag:s2] =	ssyncadd.s32 @!p0 $0xFFFFFF80  }
0xb3: {  	_ =	sfence.sel $0x180000  }
0xb4: {  	[bflag:$0x0] =	sbarrier.arrive $0xFFFF  }
0xb5: {  	_ =	strace $0x9000004A  }
0xb6: {  	[bflag:$0x2] =	sbarrier.arrive $0xFFFF  }
0xb7: {  	s0 =	rddreg [dreg:$0x3]  }
0xb8: {  	s0 =	sadd.s32 @!p0 $0x100000, s0  }
0xb9: {  	[sflag:s0] =	ssyncadd.tile.s32 @!p0 $0x1;
	_ =	shalt  }
.Lfunc_end2:
_tile_overlayer_lowered:
.L_overlay_start_2:
0xba: {  	(tag) =	ssettag $0x2  }
0xbb: {  	s0 =	rddreg [dreg:$0x0];
	s2 =	stileid.u32  }
0xbc: {  	s1 =	rddreg [dreg:$0x1];
	p0 =	sne.s32 s2, $0x0  }
0xbd: {  	s3 =	rddreg [dreg:$0x2];
	[bflag:$0x3] =	sbarrier.arrive $0xFFFF;
	s2 =	simm.s32 @!p0 $0x1C0B  }
0xbe: {  	[timem:s3], [sflag:s2] =	dma.local @!p0 [hbm:s0], s1  }
0xbf: {  	s0 =	simm.s32 @!p0 $0xB  }
0xc0: {  	_ =	swait.ge @!p0 [sflag:s0], s1  }
0xc1: {  	s1 =	ssub.s32 @!p0 $0x0, s1;
	[sflag:s0] =	ssyncset.done @!p0 $0x0  }
0xc2: {  	[sflag:s0] =	ssyncadd.s32 @!p0 s1  }
0xc3: {  	[bflag:$0x3] =	sbarrier.arrive $0xFFFF  }
0xc4: {  	_ =	shalt  }

// kernel: kernel.14.cloned.1.call-start
scs
__scs_entry_jumppad:
0x0: {  	(pc) =	sbr.rel $0x88, $3  }
0x1: {  	(tag) =	ssettag $0x0;
	lr =	simm.s32 $0x1  }
0x2: {  	[smem:$0x3F9D] =	sst lr;
	_ =	strace $0xD0000000  }
0x3: {  	_ = 	snop  }
0x4: {  	_ = 	snop  }
0x5: {  	_ = 	snop  }
0x6: {  	_ = 	snop  }
0x7: {  	_ = 	snop  }
__scs_overlays_trampoline_lowered:
0x8: {  	[smem:$0x3FAC] =	sst s0  }
0x9: {  	[smem:$0x3FAD] =	sst s1  }
0xa: {  	[smem:$0x3FAE] =	sst s2  }
0xb: {  	[smem:$0x3FAF] =	sst s3  }
0xc: {  	[smem:$0x3FB0] =	sst s4  }
0xd: {  	[smem:$0x3FB1] =	sst s5  }
0xe: {  	[smem:$0x3FB2] =	sst s6  }
0xf: {  	[smem:$0x3FB3] =	sst s7  }
0x10: {  	[smem:$0x3FB4] =	sst s8  }
0x11: {  	[smem:$0x3FB5] =	sst s9;
	s0 =	simm.s32 @!p0 $0x0  }
0x12: {  	s1 =	sld [smem:$0x3F9B];
	s0 =	simm.s32 @p0 $0x1  }
0x13: {  	[smem:$0x3FB6] =	sst s0;
	s0 =	simm.s32 @!p1 $0x0  }
0x14: {  	s2 =	sld [smem:$0x3F9A];
	s0 =	simm.s32 @p1 $0x1  }
0x15: {  	[smem:$0x3FB7] =	sst s0;
	s0 =	simm.s32 @!p2 $0x0  }
0x16: {  	s3 =	sld [smem:$0x3FDB];
	s0 =	simm.s32 @p2 $0x1  }
0x17: {  	s4 =	simm.s32 $0x1BF5;
	[smem:$0x3FB9] =	sst s0  }
0x18: {  	s0 =	sld [smem:$0x3F9C];
	_ =	swait.ge [sflag:s4], $0x0  }
0x19: {  	s7 =	sld [smem:$0x3F9D]  }
0x1a: {  	s8 =	sadd.s32 $0xFFFFE003, lr  }
0x1b: {  	s9 =	sadd.s32 $0xFFFFFEF7, lr;
	s5 =	simm.s32 $0xFFFFFFFF;
	p2 =	slt.u32 s8, $0xFFFFF086  }
0x1c: {  	p1 =	slt.u32 s9, $0xF7A;
	s5 =	simm.s32 @!p2 $0x0  }
0x1d: {  	s5 =	simm.s32 @p1 $0x1;
	p0 =	seq.s32 s7, s2  }
0x1e: {  	s7 =	smul.u32 @!p0 $0xF7A, s2;
	p2 =	seq.s32 @!p0 s5, $0x0  }
0x1f: {  	s9 =	smul.u32 $0xF7A, s1;
	s8 =	simm.s32 @!p0 $0x1BF5;
	p2 =	por !p2, p0  }
0x20: {  	[sflag:s8] =	ssyncset.s32 @!p0 $0xFFFFF086;
	s6 =	sadd.s32 @!p0 s3, s7;
	s7 =	simm.s32 @!p0 $0x108  }
0x21: {  	s3 =	sadd.s32 s3, s9;
	s6 =	sadd.s32 @!p0 $0x88, s6;
	s7 =	simm.s32 @p2 $0x1082  }
0x22: {  	[simem:s7], [sflag:s8] =	dma.local @!p0 [hbm:s6], $0xF7A  }
0x23: {  	s9 =	sor.u32 $0xD0000000, s2;
	s6 =	simm.s32 $0x108;
	_ =	swait.ge @!p0 [sflag:s8], $0x0  }
0x24: {  	s3 =	sadd.s32 $0x88, s3;
	s6 =	simm.s32 @!p1 $0x1082;
	[sflag:s4] =	ssyncset.s32 $0xFFFFF086  }
0x25: {  	[simem:s6], [sflag:s4] =	dma.local [hbm:s3], $0xF7A  }
0x26: {  	[smem:$0x3F9D] =	sst s1;
	(tag) =	ssettag s2;
	_ =	strace s9  }
0x27: {  	s1 =	sld [smem:$0x3FAD]  }
0x28: {  	s2 =	sld [smem:$0x3FAE]  }
0x29: {  	s4 =	sld [smem:$0x3FB0]  }
0x2a: {  	p0 =	seq.s32 s5, $0x0;
	s5 =	sld [smem:$0x3FB1]  }
0x2b: {  	s6 =	sld [smem:$0x3FB2]  }
0x2c: {  	s7 =	sld [smem:$0x3FB3]  }
0x2d: {  	s3 =	simm.s32 $0x108;
	s8 =	sld [smem:$0x3FB4]  }
0x2e: {  	s3 =	simm.s32 @!p0 $0x1082;
	s9 =	sld [smem:$0x3FB5]  }
0x2f: {  	lr =	sadd.s32 s0, s3;
	s0 =	sld [smem:$0x3FAC]  }
0x30: {  	s3 =	sld [smem:$0x3FAF]  }
0x31: {  	[smem:$0x3FB8] =	sst s10  }
0x32: {  	s10 =	sld [smem:$0x3FB6];
	_ =	sdelay $0x3  }
0x33: {  	p0 =	seq.s32 s10, $0x1;
	s10 =	sld [smem:$0x3FB8];
	_ =	sdelay $0x3  }
0x34: {  	[smem:$0x3FB8] =	sst s10  }
0x35: {  	s10 =	sld [smem:$0x3FB7];
	_ =	sdelay $0x3  }
0x36: {  	p1 =	seq.s32 s10, $0x1;
	s10 =	sld [smem:$0x3FB8];
	_ =	sdelay $0x3  }
0x37: {  	[smem:$0x3FB8] =	sst s10  }
0x38: {  	s10 =	sld [smem:$0x3FB9]  }
0x39: {  	_ = 	snop;
	(pc) =	sbr.ind lr, $3  }
0x3a: {  	_ = 	snop  }
0x3b: {  	_ = 	snop  }
0x3c: {  	p2 =	seq.s32 s10, $0x1;
	s10 =	sld [smem:$0x3FB8]  }
0x3d: {  	_ =	shalt  }
0x3e: {  	_ =	shalt  }
0x3f: {  	_ =	shalt  }
0x40: {  	_ =	shalt  }
0x41: {  	_ =	shalt  }
0x42: {  	_ =	shalt  }
0x43: {  	_ =	shalt  }
0x44: {  	_ =	shalt  }
0x45: {  	_ =	shalt  }
0x46: {  	_ =	shalt  }
0x47: {  	_ =	shalt  }
0x48: {  	_ =	shalt  }
0x49: {  	_ =	shalt  }
0x4a: {  	_ =	shalt  }
0x4b: {  	_ =	shalt  }
0x4c: {  	_ =	shalt  }
0x4d: {  	_ =	shalt  }
0x4e: {  	_ =	shalt  }
0x4f: {  	_ =	shalt  }
0x50: {  	_ =	shalt  }
0x51: {  	_ =	shalt  }
0x52: {  	_ =	shalt  }
0x53: {  	_ =	shalt  }
0x54: {  	_ =	shalt  }
0x55: {  	_ =	shalt  }
0x56: {  	_ =	shalt  }
0x57: {  	_ =	shalt  }
0x58: {  	_ =	shalt  }
0x59: {  	_ =	shalt  }
0x5a: {  	_ =	shalt  }
0x5b: {  	_ =	shalt  }
0x5c: {  	_ =	shalt  }
0x5d: {  	_ =	shalt  }
0x5e: {  	_ =	shalt  }
0x5f: {  	_ =	shalt  }
0x60: {  	_ =	shalt  }
0x61: {  	_ =	shalt  }
0x62: {  	_ =	shalt  }
0x63: {  	_ =	shalt  }
0x64: {  	_ =	shalt  }
0x65: {  	_ =	shalt  }
0x66: {  	_ =	shalt  }
0x67: {  	_ =	shalt  }
0x68: {  	_ =	shalt  }
0x69: {  	_ =	shalt  }
0x6a: {  	_ =	shalt  }
0x6b: {  	_ =	shalt  }
0x6c: {  	_ =	shalt  }
0x6d: {  	_ =	shalt  }
0x6e: {  	_ =	shalt  }
0x6f: {  	_ =	shalt  }
0x70: {  	_ =	shalt  }
0x71: {  	_ =	shalt  }
0x72: {  	_ =	shalt  }
0x73: {  	_ =	shalt  }
0x74: {  	_ =	shalt  }
0x75: {  	_ =	shalt  }
0x76: {  	_ =	shalt  }
0x77: {  	_ =	shalt  }
0x78: {  	_ =	shalt  }
0x79: {  	_ =	shalt  }
0x7a: {  	_ =	shalt  }
0x7b: {  	_ =	shalt  }
0x7c: {  	_ =	shalt  }
0x7d: {  	_ =	shalt  }
0x7e: {  	_ =	shalt  }
0x7f: {  	_ =	shalt  }
0x80: {  	_ =	shalt  }
0x81: {  	_ =	shalt  }
0x82: {  	_ =	shalt  }
0x83: {  	_ =	shalt  }
0x84: {  	_ =	shalt  }
0x85: {  	_ =	shalt  }
0x86: {  	_ =	shalt  }
0x87: {  	_ =	shalt  }
.Lfunc_end0:
.L_simem_size_0:
called_computation.2_lowered:
.L_overlay_start_0:
0x88: {  	s2 =	sld [smem:$0x3FD9]  }
0x89: {  	s3 =	sld [smem:$0x3FFE];
	_ =	sdelay $0x1  }
0x8a: {  	s1 =	srdreg.scid  }
0x8b: {  	s0 =	sand.u32 $0x1, s1  }
0x8c: {  	s17 =	sshll.u32 s0, $0xA;
	s2 =	sadd.s32 s3, s2  }
0x8d: {  	s2 =	sadd.s32 s2, s17  }
0x8e: {  	[smem:$0x3FC4] =	sst s2  }
0x8f: {  	_ = 	snop  }
0x90: {  	s2 =	sld [smem:$0x3FD0];
	(tm) =	ssettm $0x1  }
0x91: {  	s18 =	sld [smem:$0x3FFB];
	_ =	sdelay $0x3  }
0x92: {  	_ =	strace s18  }
0x93: {  	s3 =	sld [smem:$0x3FFC];
	_ =	sdelay $0x3  }
0x94: {  	_ =	strace s3  }
0x95: {  	s3 =	sld [smem:$0x3FFD];
	_ =	sdelay $0x3  }
0x96: {  	_ =	strace s3  }
0x97: {  	_ =	strace $0x8FFFFFFF  }
0x98: {  	s19 =	sld [smem:$0x3FDB];
	_ =	sdelay $0x1  }
0x99: {  	s4 =	simm.s32 $_scs_section_size  }
0x9a: {  	s5 =	simm.s32 $_size__tile_overlayer_lowered;
	s6 =	simm.s32 $_tile_overlayer_lowered  }
0x9b: {  	s22 =	simm.s32 $0x1BFF;
	s21 =	sshll.u32 s6, $0x1;
	s3 =	sadd.s32 s4, s19  }
0x9c: {  	s7 =	simm.s32 $0x0;
	s20 =	sshll.u32 s5, $0x1;
	s5 =	sadd.s32 s21, s3  }
0x9d: {  	[timem:s7], [sflag:s22] =	dma.local [hbm:s5], s20  }
0x9e: {  	_ =	swait.ge [sflag:s22], s20  }
0x9f: {  	s4 =	ssub.s32 $0x0, s20;
	[sflag:s22] =	ssyncset.done $0x0  }
0xa0: {  	[sflag:s22] =	ssyncadd.s32 s4;
	_ =	sdelay $0x1  }
0xa1: {  	s23 =	simm.s32 $0x1B8B  }
0xa2: {  	_ =	swait.ge [sflag:s23], $0x1  }
0xa3: {  	[sflag:s23] =	ssyncset.done $0x0  }
0xa4: {  	s25 =	simm.s32 $0x1B8E;
	s24 =	sld [smem:$0x3FFE];
	[sflag:s23] =	ssyncadd.s32 $0xFFFFFFFF  }
0xa5: {  	s26 =	simm.s32 $execute0_lowered;
	[smem:$0x3FD2] =	sst s25  }
0xa6: {  	s5 =	sshll.u32 s26, $0x1;
	_ =	strace $0x8000004C;
	[dreg:$0x1] =	wrdreg $0xFFFFFFFF  }
0xa7: {  	s28 =	simm.s32 $_size_execute0_lowered;
	s3 =	sadd.s32 s3, s5;
	[dreg:$0x0] =	wrdreg $0x0  }
0xa8: {  	s5 =	sshll.u32 s28, $0x1;
	[dreg:$0x2] =	wrdreg s3  }
0xa9: {  	[dreg:$0x3] =	wrdreg s5  }
0xaa: {  	[dreg:$0x4] =	wrdreg $0xC0  }
0xab: {  	_ =	task [dreg:s7], $0x5FFFF  }
0xac: {  	[dreg:$0x1] =	wrdreg $0xFFFFFFFF  }
0xad: {  	[dreg:$0x0] =	wrdreg $0x60  }
0xae: {  	[dreg:$0x2] =	wrdreg s24  }
0xaf: {  	[dreg:$0x3] =	wrdreg s2  }
0xb0: {  	[dreg:$0x4] =	wrdreg $0x0  }
0xb1: {  	[dreg:$0x5] =	wrdreg $0x9  }
0xb2: {  	_ =	task.clear_ibuf [dreg:s7], $0x6FFFF;
	_ =	strace $0x9000004C  }
0xb3: {  	s29 =	simm.s32 $0x9;
	_ =	strace $0x8000004E  }
0xb4: {  	_ =	swait.ge [sflag:s29], $0x1  }
0xb5: {  	[sflag:s29] =	ssyncadd.s32 $0xFFFFFFFF  }
0xb6: {  	_ =	strace $0x9000004E  }
0xb7: {  	_ =	sfence  }
0xb8: {  	s30 =	sld [smem:$0x0];
	_ =	sdelay $0x2  }
0xb9: {  	s31 =	sshll.u32 s1, $0xD;
	s1 =	sshrl.u32 s1, $0x2  }
0xba: {  	s3 =	sand.u32 $0x4000, s31;
	s1 =	sadd.s32 s1, s30  }
0xbb: {  	s0 =	sor.u32 s3, s0;
	s1 =	sshll.u32 s1, $0x11  }
0xbc: {  	s0 =	sor.u32 s1, s0  }
0xbd: {  	s0 =	sadd.s32 $0x8F2B, s0  }
0xbe: {  	[sflag:s0] =	ssyncadd.remote.s32 $0x1  }
0xbf: {  	_ =	sfence.sel $0xFFFF  }
0xc0: {  	[dreg:$0x0] =	wrdreg $0xFFFFFFFF;
	(pc) =	sbr.abs _section_cstart, $3  }
0xc1: {  	[dreg:$0x1] =	wrdreg $0xFFFFFFFF  }
0xc2: {  	_ =	task.clear_ibuf [dreg:s7], $0x2FFFF;
	_ =	strace $0x9FFFFFFF  }
0xc3: {  	(tm) =	ssettm $0x7FFFFFFF  }
tec
execute0_lowered:
.L_overlay_start_1:
0x0: {  	(tag) =	ssettag $0x1  }
0x1: {  	s0 =	rddreg [dreg:$0x0]  }
0x2: {  	s2 =	rddreg [dreg:$0x1];
	s3 =	srdreg.scid  }
0x3: {  	s6 =	stileid.u32;
	s1 =	rddreg [dreg:$0x2]  }
0x4: {  	s4 =	simm.s32 $0x0;
	s14 =	simm.s32 $0x9C40;
	s16 =	simm.s32 $0x50  }
0x5: {  	s17 =	simm.s32 $0xEA60;
	s28 =	simm.s32 $0x6;
	s29 =	simm.s32 $0x3  }
0x6: {  	s30 =	simm.s32 $0x7;
	s31 =	simm.s32 $0x4;
	s15 =	simm.s32 $0x5  }
0x7: {  	s18 =	simm.s32 $0x9;
	s7 =	sand.u32 $0x1, s3;
	s19 =	sshll.u32 s6, $0x1  }
0x8: {  	[smem:$0x7FF] =	sst s4;
	s8 =	smul.u32 $0x27000, s6;
	s4 =	sadd.s32 $0x29000, s0  }
0x9: {  	s23 =	sshll.u32 s6, $0x6;
	s24 =	smul.u32 $0x13800, s6;
	s13 =	sadd.s32 $0x9C000, s1  }
0xa: {  	p0 =	sne.s32 s6, $0x0;
	s3 =	sor.u32 s7, s19;
	_ =	strace $0x8000004D  }
0xb: {  	s5 =	ssub.s32 $0x2, s7;
	s25 =	sshll.u32 s7, $0x6;
	s7 =	sshll.u32 s7, $0x3  }
0xc: {  	s13 =	sshrl.u32 @!p0 s13, $0x3;
	s19 =	simm.s32 $0xFE60;
	s3 =	smul.u32 $0x2710, s3  }
0xd: {  	s10 =	sshrl.u32 s5, $0x1;
	s22 =	sshrl.u32 s8, $0x2;
	s8 =	sor.u32 s25, s24  }
0xe: {  	s7 =	sadd.s32 s7, s2;
	s24 =	simm.s32 $0x1;
	s25 =	simm.s32 $0x13A60  }
0xf: {  	s21 =	ssub.s32 s5, s10;
	s11 =	sadd.s32 s22, s1;
	s5 =	sor.u32 $0x1C0B, s23  }
0x10: {  	s8 =	sshrl.u32 s8, $0x3;
	s26 =	sadd.s32 $0x27000, s7;
	s23 =	simm.s32 $0x12660  }
0x11: {  	s22 =	simm.s32 $0xA;
	s20 =	sshrl.u32 s3, $0x3;
	s3 =	sadd.s32 $0x15600, s0  }
0x12: {  	s2 =	sadd.s32 s2, s8;
	[dreg:$0x7] =	wrdreg s26;
	s10 =	smax.u32 s21, $0x1  }
0x13: {  	s11 =	sshrl.u32 s11, $0x3;
	s21 =	simm.s32 $0x11260;
	s9 =	sadd.s32 s20, s0  }
0x14: {  	s26 =	simm.s32 $0x2;
	[dreg:$0x6] =	wrdreg s2;
	s12 =	sadd.s32 $0x1C00, s9  }
0x15: {  	s0 =	simm.s32 $0x8;
	s9 =	sadd.s32 $0xB840, s9;
	[dreg:$0x4] =	wrdreg s12  }
0x16: {  	s20 =	simm.s32 $0x0;
	[dreg:$0x5] =	wrdreg s9;
	s12 =	simm.s32 $0xB  }
.LBB2_1:
0x17: {  	[spmem:s11], [sflag:s5] =	dma.local [hbm:s4], $0x1380  }
0x18: {  	_ =	swait.ge [sflag:s12], $0x1380  }
0x19: {  	[sflag:s12] =	ssyncset.done $0x0  }
0x1a: {  	s2 =	simm.s32 @!p0 $0xB;
	[sflag:s12] =	ssyncadd.s32 $0xFFFFEC80  }
0x1b: {  	[spmem:s13], [sflag:s5] =	dma.local @!p0 [hbm:s4], $0x80  }
0x1c: {  	_ =	swait.ge @!p0 [sflag:s2], $0x80  }
0x1d: {  	[sflag:s2] =	ssyncset.done @!p0 $0x0  }
0x1e: {  	s9 =	simm.s32 $0x0;
	s6 =	rddreg [dreg:$0x4];
	[sflag:s2] =	ssyncadd.s32 @!p0 $0xFFFFFF80  }
0x1f: {  	[tilespmem:s14], [sflag:$0xB] =	stream.linear.gather [hbm4b:s6+s9], $0x2710, $0x38;
	[tilespmem:$0x14E60] =	vst v63  }
0x20: {  	_ =	swait.ge [sflag:s12], $0x2710  }
0x21: {  	[sflag:s12] =	ssyncset.done $0x0  }
0x22: {  	s7 =	simm.s32 $0xC350;
	s8 =	rddreg [dreg:$0x5];
	[sflag:s12] =	ssyncadd.s32 $0xFFFFD8F0  }
0x23: {  	[tilespmem:s7], [sflag:$0xB] =	stream.linear.gather [hbm4b:s8+s9], $0x2710, $0x38;
	[tilespmem:$0x14E60] =	vst v63  }
0x24: {  	_ =	swait.ge [sflag:s12], $0x2710  }
0x25: {  	[sflag:s12] =	ssyncset.done $0x0  }
0x26: {  	[sflag:s12] =	ssyncadd.s32 $0xFFFFD8F0  }
0x27: {  	[bflag:$0x0] =	sbarrier.arrive $0xFFFF  }
0x28: {  	[tilespmem:s17], [sflag:$0x1] =	stream.indirect.gather [hbm4b:s3+s16], $0x40, s14, s16, $0xb8;
	[tilespmem:$0x14E60] =	vst v63  }
0x29: {  	s9 =	simm.s32 $0x9C90  }
0x2a: {  	[tilespmem:s19], [sflag:$0x2] =	stream.indirect.gather [hbm4b:s3+s16], $0x40, s9, s16, $0xb8;
	[tilespmem:$0x14E60] =	vst v63  }
0x2b: {  	s6 =	simm.s32 $0x9CE0  }
0x2c: {  	[tilespmem:s21], [sflag:$0x3] =	stream.indirect.gather [hbm4b:s3+s16], $0x40, s6, s16, $0xb8;
	[tilespmem:$0x14E60] =	vst v63  }
0x2d: {  	s7 =	simm.s32 $0x9D30  }
0x2e: {  	[tilespmem:s23], [sflag:$0x4] =	stream.indirect.gather [hbm4b:s3+s16], $0x40, s7, s16, $0xb8;
	[tilespmem:$0x14E60] =	vst v63  }
0x2f: {  	_ =	swait.ge [sflag:s24], $0x1400  }
0x30: {  	p1 =	por $0x1, $0x1;
	[sflag:s24] =	ssyncset.done $0x0  }
0x31: {  	s8 =	simm.s32 $0xC350;
	s6 =	simm.s32 @!p1 $0xA;
	[sflag:s24] =	ssyncadd.s32 $0xFFFFEC00  }
0x32: {  	[spmem:s1] =	stream.indirect.scatter.add.f32 [tilespmem:s17], [sflag:$0x6], $0x40, s8, s16, $0xb8;
	[tilespmem:$0x14E60] =	vst v63  }
0x33: {  	_ =	swait.ge @!p1 [sflag:s6], $0x1400  }
0x34: {  	[sflag:s6] =	ssyncset.done @!p1 $0x0  }
0x35: {  	s9 =	simm.s32 $0x9D80;
	[sflag:s6] =	ssyncadd.s32 @!p1 $0xFFFFEC00  }
0x36: {  	[tilespmem:s25], [sflag:$0x5] =	stream.indirect.gather [hbm4b:s3+s16], $0x40, s9, s16, $0xb8;
	[tilespmem:$0x14E60] =	vst v63  }
0x37: {  	_ =	swait.ge [sflag:s26], $0x1400  }
0x38: {  	[sflag:s26] =	ssyncset.done $0x0  }
0x39: {  	s7 =	simm.s32 $0xC3A0;
	[sflag:s26] =	ssyncadd.s32 $0xFFFFEC00  }
0x3a: {  	[spmem:s1] =	stream.indirect.scatter.add.f32 [tilespmem:s19], [sflag:$0x7], $0x40, s7, s16, $0xb8;
	[tilespmem:$0x14E60] =	vst v63  }
0x3b: {  	_ =	swait.ge [sflag:s28], $0x1400  }
0x3c: {  	[sflag:s28] =	ssyncset.done $0x0  }
0x3d: {  	s8 =	simm.s32 $0x9DD0;
	[sflag:s28] =	ssyncadd.s32 $0xFFFFEC00  }
0x3e: {  	[tilespmem:s17], [sflag:$0x1] =	stream.indirect.gather [hbm4b:s3+s16], $0x40, s8, s16, $0xb8;
	[tilespmem:$0x14E60] =	vst v63  }
0x3f: {  	_ =	swait.ge [sflag:s29], $0x1400  }
0x40: {  	[sflag:s29] =	ssyncset.done $0x0  }
0x41: {  	s9 =	simm.s32 $0xC3F0;
	[sflag:s29] =	ssyncadd.s32 $0xFFFFEC00  }
0x42: {  	[spmem:s1] =	stream.indirect.scatter.add.f32 [tilespmem:s21], [sflag:$0x8], $0x40, s9, s16, $0xb8;
	[tilespmem:$0x14E60] =	vst v63  }
0x43: {  	_ =	swait.ge [sflag:s30], $0x1400  }
0x44: {  	[sflag:s30] =	ssyncset.done $0x0  }
0x45: {  	s6 =	simm.s32 $0x9E20;
	[sflag:s30] =	ssyncadd.s32 $0xFFFFEC00  }
0x46: {  	[tilespmem:s19], [sflag:$0x2] =	stream.indirect.gather [hbm4b:s3+s16], $0x40, s6, s16, $0xb8;
	[tilespmem:$0x14E60] =	vst v63  }
0x47: {  	_ =	swait.ge [sflag:s31], $0x1400  }
0x48: {  	[sflag:s31] =	ssyncset.done $0x0  }
0x49: {  	s7 =	simm.s32 $0xC440;
	[sflag:s31] =	ssyncadd.s32 $0xFFFFEC00  }
0x4a: {  	[spmem:s1] =	stream.indirect.scatter.add.f32 [tilespmem:s23], [sflag:$0x9], $0x40, s7, s16, $0xb8;
	[tilespmem:$0x14E60] =	vst v63  }
0x4b: {  	_ =	swait.ge [sflag:s0], $0x1400  }
0x4c: {  	[sflag:s0] =	ssyncset.done $0x0  }
0x4d: {  	s8 =	simm.s32 $0x9E70;
	[sflag:s0] =	ssyncadd.s32 $0xFFFFEC00  }
0x4e: {  	[tilespmem:s21], [sflag:$0x3] =	stream.indirect.gather [hbm4b:s3+s16], $0x40, s8, s16, $0xb8;
	[tilespmem:$0x14E60] =	vst v63  }
0x4f: {  	_ =	swait.ge [sflag:s15], $0x1400  }
0x50: {  	[sflag:s15] =	ssyncset.done $0x0  }
0x51: {  	s9 =	simm.s32 $0xC490;
	[sflag:s15] =	ssyncadd.s32 $0xFFFFEC00  }
0x52: {  	[spmem:s1] =	stream.indirect.scatter.add.f32 [tilespmem:s25], [sflag:$0xA], $0x40, s9, s16, $0xb8;
	[tilespmem:$0x14E60] =	vst v63  }
0x53: {  	s2 =	simm.s32 $0xFFFFFFFF;
	_ =	swait.ge [sflag:s18], $0x1400  }
0x54: {  	s6 =	simm.s32 $0x640;
	s7 =	simm.s32 $0x9EC0;
	[sflag:s18] =	ssyncset.done $0x0  }
.LBB2_2:
0x55: {  	[sflag:s18] =	ssyncadd.s32 $0xFFFFEC00  }
0x56: {  	s2 =	sadd.s32 $0x5, s2;
	s8 =	smov.u32 s6;
	s6 =	sadd.s32 $0x640, s6  }
0x57: {  	[tilespmem:s23], [sflag:$0x4] =	stream.indirect.gather [hbm4b:s3+s16], $0x40, s7, s16, $0xb8;
	[tilespmem:$0x14E60] =	vst v63  }
0x58: {  	s7 =	sshra.s32 s8, $0x2;
	p1 =	sne.s32 s6, $0x9600;
	_ =	swait.ge [sflag:s24], $0x1400  }
0x59: {  	p2 =	sgt.u32 s2, $0x77;
	s8 =	sadd.s32 $0xC350, s7;
	[sflag:s24] =	ssyncset.done $0x0  }
0x5a: {  	s9 =	simm.s32 @!p2 $0xA;
	[sflag:s24] =	ssyncadd.s32 $0xFFFFEC00  }
0x5b: {  	[spmem:s1] =	stream.indirect.scatter.add.f32 [tilespmem:s17], [sflag:$0x6], $0x40, s8, s16, $0xb8;
	[tilespmem:$0x14E60] =	vst v63  }
0x5c: {  	_ =	swait.ge @!p2 [sflag:s9], $0x1400  }
0x5d: {  	s8 =	sadd.s32 $0x9D80, s7;
	[sflag:s9] =	ssyncset.done @!p2 $0x0  }
0x5e: {  	[sflag:s9] =	ssyncadd.s32 @!p2 $0xFFFFEC00  }
0x5f: {  	[tilespmem:s25], [sflag:$0x5] =	stream.indirect.gather [hbm4b:s3+s16], $0x40, s8, s16, $0xb8;
	[tilespmem:$0x14E60] =	vst v63  }
0x60: {  	_ =	swait.ge [sflag:s26], $0x1400  }
0x61: {  	s8 =	sadd.s32 $0xC3A0, s7;
	[sflag:s26] =	ssyncset.done $0x0  }
0x62: {  	[sflag:s26] =	ssyncadd.s32 $0xFFFFEC00  }
0x63: {  	[spmem:s1] =	stream.indirect.scatter.add.f32 [tilespmem:s19], [sflag:$0x7], $0x40, s8, s16, $0xb8;
	[tilespmem:$0x14E60] =	vst v63  }
0x64: {  	_ =	swait.ge [sflag:s28], $0x1400  }
0x65: {  	s8 =	sadd.s32 $0x9DD0, s7;
	[sflag:s28] =	ssyncset.done $0x0  }
0x66: {  	[sflag:s28] =	ssyncadd.s32 $0xFFFFEC00  }
0x67: {  	[tilespmem:s17], [sflag:$0x1] =	stream.indirect.gather [hbm4b:s3+s16], $0x40, s8, s16, $0xb8;
	[tilespmem:$0x14E60] =	vst v63  }
0x68: {  	_ =	swait.ge [sflag:s29], $0x1400  }
0x69: {  	s8 =	sadd.s32 $0xC3F0, s7;
	[sflag:s29] =	ssyncset.done $0x0  }
0x6a: {  	[sflag:s29] =	ssyncadd.s32 $0xFFFFEC00  }
0x6b: {  	[spmem:s1] =	stream.indirect.scatter.add.f32 [tilespmem:s21], [sflag:$0x8], $0x40, s8, s16, $0xb8;
	[tilespmem:$0x14E60] =	vst v63  }
0x6c: {  	_ =	swait.ge [sflag:s30], $0x1400  }
0x6d: {  	s8 =	sadd.s32 $0x9E20, s7;
	[sflag:s30] =	ssyncset.done $0x0  }
0x6e: {  	[sflag:s30] =	ssyncadd.s32 $0xFFFFEC00  }
0x6f: {  	[tilespmem:s19], [sflag:$0x2] =	stream.indirect.gather [hbm4b:s3+s16], $0x40, s8, s16, $0xb8;
	[tilespmem:$0x14E60] =	vst v63  }
0x70: {  	_ =	swait.ge [sflag:s31], $0x1400  }
0x71: {  	s8 =	sadd.s32 $0xC440, s7;
	[sflag:s31] =	ssyncset.done $0x0  }
0x72: {  	[sflag:s31] =	ssyncadd.s32 $0xFFFFEC00  }
0x73: {  	[spmem:s1] =	stream.indirect.scatter.add.f32 [tilespmem:s23], [sflag:$0x9], $0x40, s8, s16, $0xb8;
	[tilespmem:$0x14E60] =	vst v63  }
0x74: {  	_ =	swait.ge [sflag:s0], $0x1400  }
0x75: {  	s8 =	sadd.s32 $0x9E70, s7;
	[sflag:s0] =	ssyncset.done $0x0  }
0x76: {  	[sflag:s0] =	ssyncadd.s32 $0xFFFFEC00  }
0x77: {  	[tilespmem:s21], [sflag:$0x3] =	stream.indirect.gather [hbm4b:s3+s16], $0x40, s8, s16, $0xb8;
	[tilespmem:$0x14E60] =	vst v63  }
0x78: {  	_ =	swait.ge [sflag:s15], $0x1400  }
.Ltmp0:
0x79: {  	s8 =	sadd.s32 $0xC490, s7;
	[sflag:s15] =	ssyncset.done $0x0;
	(pc) =	sbr.rel @p1 .LBB2_2-.Ltmp0, $4  }
0x7a: {  	[sflag:s15] =	ssyncadd.s32 $0xFFFFEC00  }
0x7b: {  	[spmem:s1] =	stream.indirect.scatter.add.f32 [tilespmem:s25], [sflag:$0xA], $0x40, s8, s16, $0xb8;
	[tilespmem:$0x14E60] =	vst v63  }
0x7c: {  	_ =	swait.ge [sflag:s18], $0x1400  }
0x7d: {  	s7 =	sadd.s32 $0x9EC0, s7;
	[sflag:s18] =	ssyncset.done $0x0  }
0x7e: {  	[sflag:s18] =	ssyncadd.s32 $0xFFFFEC00  }
0x7f: {  	[tilespmem:s23], [sflag:$0x4] =	stream.indirect.gather [hbm4b:s3+s16], $0x40, s7, s16, $0xb8;
	[tilespmem:$0x14E60] =	vst v63  }
0x80: {  	_ =	swait.ge [sflag:s24], $0x1400  }
0x81: {  	[sflag:s24] =	ssyncset.done $0x0  }
0x82: {  	s2 =	simm.s32 $0xE8D0;
	[sflag:s24] =	ssyncadd.s32 $0xFFFFEC00  }
0x83: {  	[spmem:s1] =	stream.indirect.scatter.add.f32 [tilespmem:s17], [sflag:$0x6], $0x40, s2, s16, $0xb8;
	[tilespmem:$0x14E60] =	vst v63  }
0x84: {  	_ =	swait.ge [sflag:s22], $0x1400  }
0x85: {  	[sflag:s22] =	ssyncset.done $0x0  }
0x86: {  	s8 =	simm.s32 $0xC300;
	[sflag:s22] =	ssyncadd.s32 $0xFFFFEC00  }
0x87: {  	[tilespmem:s25], [sflag:$0x5] =	stream.indirect.gather [hbm4b:s3+s16], $0x40, s8, s16, $0xb8;
	[tilespmem:$0x14E60] =	vst v63  }
0x88: {  	_ =	swait.ge [sflag:s26], $0x1400  }
0x89: {  	[sflag:s26] =	ssyncset.done $0x0  }
0x8a: {  	s9 =	simm.s32 $0xE920;
	[sflag:s26] =	ssyncadd.s32 $0xFFFFEC00  }
0x8b: {  	[spmem:s1] =	stream.indirect.scatter.add.f32 [tilespmem:s19], [sflag:$0x7], $0x40, s9, s16, $0xb8;
	[tilespmem:$0x14E60] =	vst v63  }
0x8c: {  	_ =	swait.ge [sflag:s29], $0x1400  }
0x8d: {  	[sflag:s29] =	ssyncset.done $0x0  }
0x8e: {  	s6 =	simm.s32 $0xE970;
	[sflag:s29] =	ssyncadd.s32 $0xFFFFEC00  }
0x8f: {  	[spmem:s1] =	stream.indirect.scatter.add.f32 [tilespmem:s21], [sflag:$0x8], $0x40, s6, s16, $0xb8;
	[tilespmem:$0x14E60] =	vst v63  }
0x90: {  	_ =	swait.ge [sflag:s31], $0x1400  }
0x91: {  	[sflag:s31] =	ssyncset.done $0x0  }
0x92: {  	s7 =	simm.s32 $0xE9C0;
	[sflag:s31] =	ssyncadd.s32 $0xFFFFEC00  }
0x93: {  	[spmem:s1] =	stream.indirect.scatter.add.f32 [tilespmem:s23], [sflag:$0x9], $0x40, s7, s16, $0xb8;
	[tilespmem:$0x14E60] =	vst v63  }
0x94: {  	_ =	swait.ge [sflag:s15], $0x1400  }
0x95: {  	[sflag:s15] =	ssyncset.done $0x0  }
0x96: {  	s8 =	simm.s32 $0xEA10;
	[sflag:s15] =	ssyncadd.s32 $0xFFFFEC00  }
0x97: {  	[spmem:s1] =	stream.indirect.scatter.add.f32 [tilespmem:s25], [sflag:$0xA], $0x40, s8, s16, $0xb8;
	[tilespmem:$0x14E60] =	vst v63  }
0x98: {  	_ =	swait.ge [sflag:s28], $0x1400  }
0x99: {  	[sflag:s28] =	ssyncset.done $0x0  }
0x9a: {  	[sflag:s28] =	ssyncadd.s32 $0xFFFFEC00  }
0x9b: {  	_ =	swait.ge [sflag:s30], $0x1400  }
0x9c: {  	[sflag:s30] =	ssyncset.done $0x0  }
0x9d: {  	[sflag:s30] =	ssyncadd.s32 $0xFFFFEC00  }
0x9e: {  	_ =	swait.ge [sflag:s0], $0x1400  }
0x9f: {  	[sflag:s0] =	ssyncset.done $0x0  }
0xa0: {  	[sflag:s0] =	ssyncadd.s32 $0xFFFFEC00  }
0xa1: {  	_ =	swait.ge [sflag:s18], $0x1400  }
0xa2: {  	[sflag:s18] =	ssyncset.done $0x0  }
0xa3: {  	[sflag:s18] =	ssyncadd.s32 $0xFFFFEC00  }
0xa4: {  	_ =	swait.ge [sflag:s22], $0x1400  }
0xa5: {  	[sflag:s22] =	ssyncset.done $0x0  }
0xa6: {  	[sflag:s22] =	ssyncadd.s32 $0xFFFFEC00  }
0xa7: {  	[bflag:$0x0] =	sbarrier.arrive $0xFFFF  }
0xa8: {  	s20 =	sadd.s32 $0x1, s20;
	s6 =	simm.s32 $0x10;
	s9 =	rddreg [dreg:$0x6]  }
0xa9: {  	[hbm:s9@s6], [sflag:s5] =	dma.strided [spmem:s11@s0], $0x1380, s24, $0x8   }
0xaa: {  	p1 =	sne.s32 s20, s10;
	_ =	swait.ge [sflag:s12], $0x1380  }
0xab: {  	s2 =	simm.s32 @!p0 $0x1;
	s7 =	simm.s32 @!p0 $0x8;
	[sflag:s12] =	ssyncset.done $0x0  }
0xac: {  	s6 =	simm.s32 @!p0 $0x10;
	s8 =	rddreg [dreg:$0x7];
	[sflag:s12] =	ssyncadd.s32 $0xFFFFEC80  }
0xad: {  	[hbm:s8@s6], [sflag:s5] =	dma.strided @!p0 [spmem:s13@s7], $0x80, s2, $0x8   }
.Ltmp1:
0xae: {  	_ = 	snop;
	(pc) =	sbr.rel @p1 .LBB2_1-.Ltmp1, $4  }
0xaf: {  	s2 =	simm.s32 @!p0 $0xB  }
0xb0: {  	_ =	swait.ge @!p0 [sflag:s2], $0x80  }
0xb1: {  	[sflag:s2] =	ssyncset.done @!p0 $0x0  }
0xb2: {  	[sflag:s2] =	ssyncadd.s32 @!p0 $0xFFFFFF80  }
0xb3: {  	_ =	sfence.sel $0x180000  }
0xb4: {  	[bflag:$0x0] =	sbarrier.arrive $0xFFFF  }
0xb5: {  	_ =	strace $0x9000004D  }
0xb6: {  	[bflag:$0x2] =	sbarrier.arrive $0xFFFF  }
0xb7: {  	s0 =	rddreg [dreg:$0x3]  }
0xb8: {  	s0 =	sadd.s32 @!p0 $0x100000, s0  }
0xb9: {  	[sflag:s0] =	ssyncadd.tile.s32 @!p0 $0x1;
	_ =	shalt  }
.Lfunc_end2:
_tile_overlayer_lowered:
.L_overlay_start_2:
0xba: {  	(tag) =	ssettag $0x2  }
0xbb: {  	s0 =	rddreg [dreg:$0x0];
	s2 =	stileid.u32  }
0xbc: {  	s1 =	rddreg [dreg:$0x1];
	p0 =	sne.s32 s2, $0x0  }
0xbd: {  	s3 =	rddreg [dreg:$0x2];
	[bflag:$0x3] =	sbarrier.arrive $0xFFFF;
	s2 =	simm.s32 @!p0 $0x1C0B  }
0xbe: {  	[timem:s3], [sflag:s2] =	dma.local @!p0 [hbm:s0], s1  }
0xbf: {  	s0 =	simm.s32 @!p0 $0xB  }
0xc0: {  	_ =	swait.ge @!p0 [sflag:s0], s1  }
0xc1: {  	s1 =	ssub.s32 @!p0 $0x0, s1;
	[sflag:s0] =	ssyncset.done @!p0 $0x0  }
0xc2: {  	[sflag:s0] =	ssyncadd.s32 @!p0 s1  }
0xc3: {  	[bflag:$0x3] =	sbarrier.arrive $0xFFFF  }
0xc4: {  	_ =	shalt  }

// kernel: kernel.8.cloned.1.call-start
scs
__scs_entry_jumppad:
0x0: {  	(pc) =	sbr.rel $0x88, $3  }
0x1: {  	(tag) =	ssettag $0x0;
	lr =	simm.s32 $0x1  }
0x2: {  	[smem:$0x3F9D] =	sst lr;
	_ =	strace $0xD0000000  }
0x3: {  	_ = 	snop  }
0x4: {  	_ = 	snop  }
0x5: {  	_ = 	snop  }
0x6: {  	_ = 	snop  }
0x7: {  	_ = 	snop  }
__scs_overlays_trampoline_lowered:
0x8: {  	[smem:$0x3FAC] =	sst s0  }
0x9: {  	[smem:$0x3FAD] =	sst s1  }
0xa: {  	[smem:$0x3FAE] =	sst s2  }
0xb: {  	[smem:$0x3FAF] =	sst s3  }
0xc: {  	[smem:$0x3FB0] =	sst s4  }
0xd: {  	[smem:$0x3FB1] =	sst s5  }
0xe: {  	[smem:$0x3FB2] =	sst s6  }
0xf: {  	[smem:$0x3FB3] =	sst s7  }
0x10: {  	[smem:$0x3FB4] =	sst s8  }
0x11: {  	[smem:$0x3FB5] =	sst s9;
	s0 =	simm.s32 @!p0 $0x0  }
0x12: {  	s1 =	sld [smem:$0x3F9B];
	s0 =	simm.s32 @p0 $0x1  }
0x13: {  	[smem:$0x3FB6] =	sst s0;
	s0 =	simm.s32 @!p1 $0x0  }
0x14: {  	s2 =	sld [smem:$0x3F9A];
	s0 =	simm.s32 @p1 $0x1  }
0x15: {  	[smem:$0x3FB7] =	sst s0;
	s0 =	simm.s32 @!p2 $0x0  }
0x16: {  	s3 =	sld [smem:$0x3FDB];
	s0 =	simm.s32 @p2 $0x1  }
0x17: {  	s4 =	simm.s32 $0x1BF5;
	[smem:$0x3FB9] =	sst s0  }
0x18: {  	s0 =	sld [smem:$0x3F9C];
	_ =	swait.ge [sflag:s4], $0x0  }
0x19: {  	s7 =	sld [smem:$0x3F9D]  }
0x1a: {  	s8 =	sadd.s32 $0xFFFFE003, lr  }
0x1b: {  	s9 =	sadd.s32 $0xFFFFFEF7, lr;
	s5 =	simm.s32 $0xFFFFFFFF;
	p2 =	slt.u32 s8, $0xFFFFF086  }
0x1c: {  	p1 =	slt.u32 s9, $0xF7A;
	s5 =	simm.s32 @!p2 $0x0  }
0x1d: {  	s5 =	simm.s32 @p1 $0x1;
	p0 =	seq.s32 s7, s2  }
0x1e: {  	s7 =	smul.u32 @!p0 $0xF7A, s2;
	p2 =	seq.s32 @!p0 s5, $0x0  }
0x1f: {  	s9 =	smul.u32 $0xF7A, s1;
	s8 =	simm.s32 @!p0 $0x1BF5;
	p2 =	por !p2, p0  }
0x20: {  	[sflag:s8] =	ssyncset.s32 @!p0 $0xFFFFF086;
	s6 =	sadd.s32 @!p0 s3, s7;
	s7 =	simm.s32 @!p0 $0x108  }
0x21: {  	s3 =	sadd.s32 s3, s9;
	s6 =	sadd.s32 @!p0 $0x88, s6;
	s7 =	simm.s32 @p2 $0x1082  }
0x22: {  	[simem:s7], [sflag:s8] =	dma.local @!p0 [hbm:s6], $0xF7A  }
0x23: {  	s9 =	sor.u32 $0xD0000000, s2;
	s6 =	simm.s32 $0x108;
	_ =	swait.ge @!p0 [sflag:s8], $0x0  }
0x24: {  	s3 =	sadd.s32 $0x88, s3;
	s6 =	simm.s32 @!p1 $0x1082;
	[sflag:s4] =	ssyncset.s32 $0xFFFFF086  }
0x25: {  	[simem:s6], [sflag:s4] =	dma.local [hbm:s3], $0xF7A  }
0x26: {  	[smem:$0x3F9D] =	sst s1;
	(tag) =	ssettag s2;
	_ =	strace s9  }
0x27: {  	s1 =	sld [smem:$0x3FAD]  }
0x28: {  	s2 =	sld [smem:$0x3FAE]  }
0x29: {  	s4 =	sld [smem:$0x3FB0]  }
0x2a: {  	p0 =	seq.s32 s5, $0x0;
	s5 =	sld [smem:$0x3FB1]  }
0x2b: {  	s6 =	sld [smem:$0x3FB2]  }
0x2c: {  	s7 =	sld [smem:$0x3FB3]  }
0x2d: {  	s3 =	simm.s32 $0x108;
	s8 =	sld [smem:$0x3FB4]  }
0x2e: {  	s3 =	simm.s32 @!p0 $0x1082;
	s9 =	sld [smem:$0x3FB5]  }
0x2f: {  	lr =	sadd.s32 s0, s3;
	s0 =	sld [smem:$0x3FAC]  }
0x30: {  	s3 =	sld [smem:$0x3FAF]  }
0x31: {  	[smem:$0x3FB8] =	sst s10  }
0x32: {  	s10 =	sld [smem:$0x3FB6];
	_ =	sdelay $0x3  }
0x33: {  	p0 =	seq.s32 s10, $0x1;
	s10 =	sld [smem:$0x3FB8];
	_ =	sdelay $0x3  }
0x34: {  	[smem:$0x3FB8] =	sst s10  }
0x35: {  	s10 =	sld [smem:$0x3FB7];
	_ =	sdelay $0x3  }
0x36: {  	p1 =	seq.s32 s10, $0x1;
	s10 =	sld [smem:$0x3FB8];
	_ =	sdelay $0x3  }
0x37: {  	[smem:$0x3FB8] =	sst s10  }
0x38: {  	s10 =	sld [smem:$0x3FB9]  }
0x39: {  	_ = 	snop;
	(pc) =	sbr.ind lr, $3  }
0x3a: {  	_ = 	snop  }
0x3b: {  	_ = 	snop  }
0x3c: {  	p2 =	seq.s32 s10, $0x1;
	s10 =	sld [smem:$0x3FB8]  }
0x3d: {  	_ =	shalt  }
0x3e: {  	_ =	shalt  }
0x3f: {  	_ =	shalt  }
0x40: {  	_ =	shalt  }
0x41: {  	_ =	shalt  }
0x42: {  	_ =	shalt  }
0x43: {  	_ =	shalt  }
0x44: {  	_ =	shalt  }
0x45: {  	_ =	shalt  }
0x46: {  	_ =	shalt  }
0x47: {  	_ =	shalt  }
0x48: {  	_ =	shalt  }
0x49: {  	_ =	shalt  }
0x4a: {  	_ =	shalt  }
0x4b: {  	_ =	shalt  }
0x4c: {  	_ =	shalt  }
0x4d: {  	_ =	shalt  }
0x4e: {  	_ =	shalt  }
0x4f: {  	_ =	shalt  }
0x50: {  	_ =	shalt  }
0x51: {  	_ =	shalt  }
0x52: {  	_ =	shalt  }
0x53: {  	_ =	shalt  }
0x54: {  	_ =	shalt  }
0x55: {  	_ =	shalt  }
0x56: {  	_ =	shalt  }
0x57: {  	_ =	shalt  }
0x58: {  	_ =	shalt  }
0x59: {  	_ =	shalt  }
0x5a: {  	_ =	shalt  }
0x5b: {  	_ =	shalt  }
0x5c: {  	_ =	shalt  }
0x5d: {  	_ =	shalt  }
0x5e: {  	_ =	shalt  }
0x5f: {  	_ =	shalt  }
0x60: {  	_ =	shalt  }
0x61: {  	_ =	shalt  }
0x62: {  	_ =	shalt  }
0x63: {  	_ =	shalt  }
0x64: {  	_ =	shalt  }
0x65: {  	_ =	shalt  }
0x66: {  	_ =	shalt  }
0x67: {  	_ =	shalt  }
0x68: {  	_ =	shalt  }
0x69: {  	_ =	shalt  }
0x6a: {  	_ =	shalt  }
0x6b: {  	_ =	shalt  }
0x6c: {  	_ =	shalt  }
0x6d: {  	_ =	shalt  }
0x6e: {  	_ =	shalt  }
0x6f: {  	_ =	shalt  }
0x70: {  	_ =	shalt  }
0x71: {  	_ =	shalt  }
0x72: {  	_ =	shalt  }
0x73: {  	_ =	shalt  }
0x74: {  	_ =	shalt  }
0x75: {  	_ =	shalt  }
0x76: {  	_ =	shalt  }
0x77: {  	_ =	shalt  }
0x78: {  	_ =	shalt  }
0x79: {  	_ =	shalt  }
0x7a: {  	_ =	shalt  }
0x7b: {  	_ =	shalt  }
0x7c: {  	_ =	shalt  }
0x7d: {  	_ =	shalt  }
0x7e: {  	_ =	shalt  }
0x7f: {  	_ =	shalt  }
0x80: {  	_ =	shalt  }
0x81: {  	_ =	shalt  }
0x82: {  	_ =	shalt  }
0x83: {  	_ =	shalt  }
0x84: {  	_ =	shalt  }
0x85: {  	_ =	shalt  }
0x86: {  	_ =	shalt  }
0x87: {  	_ =	shalt  }
.Lfunc_end0:
.L_simem_size_0:
called_computation_lowered:
.L_overlay_start_0:
0x88: {  	s2 =	sld [smem:$0x3FD9]  }
0x89: {  	s3 =	sld [smem:$0x3FFE];
	_ =	sdelay $0x1  }
0x8a: {  	s1 =	srdreg.scid  }
0x8b: {  	s0 =	sand.u32 $0x1, s1  }
0x8c: {  	s17 =	sshll.u32 s0, $0xA;
	s2 =	sadd.s32 s3, s2  }
0x8d: {  	s2 =	sadd.s32 s2, s17  }
0x8e: {  	[smem:$0x3FC4] =	sst s2  }
0x8f: {  	_ = 	snop  }
0x90: {  	s2 =	sld [smem:$0x3FD0];
	(tm) =	ssettm $0x1  }
0x91: {  	s18 =	sld [smem:$0x3FFB];
	_ =	sdelay $0x3  }
0x92: {  	_ =	strace s18  }
0x93: {  	s3 =	sld [smem:$0x3FFC];
	_ =	sdelay $0x3  }
0x94: {  	_ =	strace s3  }
0x95: {  	s3 =	sld [smem:$0x3FFD];
	_ =	sdelay $0x3  }
0x96: {  	_ =	strace s3  }
0x97: {  	_ =	strace $0x8FFFFFFF  }
0x98: {  	s19 =	sld [smem:$0x3FDB];
	_ =	sdelay $0x1  }
0x99: {  	s4 =	simm.s32 $_scs_section_size  }
0x9a: {  	s5 =	simm.s32 $_size__tile_overlayer_lowered;
	s6 =	simm.s32 $_tile_overlayer_lowered  }
0x9b: {  	s22 =	simm.s32 $0x1BFF;
	s21 =	sshll.u32 s6, $0x1;
	s3 =	sadd.s32 s4, s19  }
0x9c: {  	s7 =	simm.s32 $0x0;
	s20 =	sshll.u32 s5, $0x1;
	s5 =	sadd.s32 s21, s3  }
0x9d: {  	[timem:s7], [sflag:s22] =	dma.local [hbm:s5], s20  }
0x9e: {  	_ =	swait.ge [sflag:s22], s20  }
0x9f: {  	s4 =	ssub.s32 $0x0, s20;
	[sflag:s22] =	ssyncset.done $0x0  }
0xa0: {  	[sflag:s22] =	ssyncadd.s32 s4;
	_ =	sdelay $0x1  }
0xa1: {  	s23 =	simm.s32 $0x1B8B  }
0xa2: {  	_ =	swait.ge [sflag:s23], $0x1  }
0xa3: {  	[sflag:s23] =	ssyncset.done $0x0  }
0xa4: {  	s25 =	simm.s32 $0x1B8E;
	s24 =	sld [smem:$0x3FFE];
	[sflag:s23] =	ssyncadd.s32 $0xFFFFFFFF  }
0xa5: {  	s26 =	simm.s32 $execute0_lowered;
	[smem:$0x3FD2] =	sst s25  }
0xa6: {  	s5 =	sshll.u32 s26, $0x1;
	_ =	strace $0x80000046;
	[dreg:$0x1] =	wrdreg $0xFFFFFFFF  }
0xa7: {  	s28 =	simm.s32 $_size_execute0_lowered;
	s3 =	sadd.s32 s3, s5;
	[dreg:$0x0] =	wrdreg $0x0  }
0xa8: {  	s5 =	sshll.u32 s28, $0x1;
	[dreg:$0x2] =	wrdreg s3  }
0xa9: {  	[dreg:$0x3] =	wrdreg s5  }
0xaa: {  	[dreg:$0x4] =	wrdreg $0xC0  }
0xab: {  	_ =	task [dreg:s7], $0x5FFFF  }
0xac: {  	[dreg:$0x1] =	wrdreg $0xFFFFFFFF  }
0xad: {  	[dreg:$0x0] =	wrdreg $0x60  }
0xae: {  	[dreg:$0x2] =	wrdreg s24  }
0xaf: {  	[dreg:$0x3] =	wrdreg s2  }
0xb0: {  	[dreg:$0x4] =	wrdreg $0x0  }
0xb1: {  	[dreg:$0x5] =	wrdreg $0x2780  }
0xb2: {  	[dreg:$0x6] =	wrdreg $0x9  }
0xb3: {  	_ =	task.clear_ibuf [dreg:s7], $0x7FFFF;
	_ =	strace $0x90000046  }
0xb4: {  	s29 =	simm.s32 $0x9;
	_ =	strace $0x80000048  }
0xb5: {  	_ =	swait.ge [sflag:s29], $0x1  }
0xb6: {  	[sflag:s29] =	ssyncadd.s32 $0xFFFFFFFF  }
0xb7: {  	_ =	strace $0x90000048  }
0xb8: {  	_ =	sfence  }
0xb9: {  	s30 =	sld [smem:$0x0];
	_ =	sdelay $0x2  }
0xba: {  	s31 =	sshll.u32 s1, $0xD;
	s1 =	sshrl.u32 s1, $0x2  }
0xbb: {  	s3 =	sand.u32 $0x4000, s31;
	s1 =	sadd.s32 s1, s30  }
0xbc: {  	s0 =	sor.u32 s3, s0;
	s1 =	sshll.u32 s1, $0x11  }
0xbd: {  	s0 =	sor.u32 s1, s0  }
0xbe: {  	s0 =	sadd.s32 $0x8F2B, s0  }
0xbf: {  	[sflag:s0] =	ssyncadd.remote.s32 $0x1  }
0xc0: {  	_ =	sfence.sel $0xFFFF  }
0xc1: {  	[dreg:$0x0] =	wrdreg $0xFFFFFFFF;
	(pc) =	sbr.abs _section_cstart, $3  }
0xc2: {  	[dreg:$0x1] =	wrdreg $0xFFFFFFFF  }
0xc3: {  	_ =	task.clear_ibuf [dreg:s7], $0x2FFFF;
	_ =	strace $0x9FFFFFFF  }
0xc4: {  	(tm) =	ssettm $0x7FFFFFFF  }
0xc5: {  	_ =	shalt  }
tec
execute0_lowered:
.L_overlay_start_1:
0x0: {  	(tag) =	ssettag $0x1  }
0x1: {  	s0 =	rddreg [dreg:$0x0]  }
0x2: {  	s7 =	rddreg [dreg:$0x1]  }
0x3: {  	s2 =	srdreg.scid;
	s20 =	stileid.u32  }
0x4: {  	s1 =	rddreg [dreg:$0x2];
	s16 =	simm.s32 $0x4F0;
	s17 =	simm.s32 $0x2C00  }
0x5: {  	s18 =	simm.s32 $0x50;
	s19 =	simm.s32 $0x5310;
	s28 =	simm.s32 $0x2CF0  }
0x6: {  	s29 =	simm.s32 $0x1;
	s30 =	simm.s32 $0x2;
	s31 =	simm.s32 $0x0  }
0x7: {  	s5 =	sand.u32 $0x1, s2;
	s3 =	sshll.u32 s20, $0x1;
	s6 =	smul.u32 $0x270, s20  }
0x8: {  	s2 =	rddreg [dreg:$0x3];
	s10 =	smul.u32 $0x1F40, s20;
	s23 =	sshll.u32 s20, $0x6  }
0x9: {  	s14 =	sadd.s32 $0x2700, s1;
	s25 =	smul.u32 $0x7D0, s20;
	p0 =	sne.s32 s20, $0x0  }
0xa: {  	p1 =	sgt.u32 s20, $0x4;
	s4 =	sor.u32 s5, s3;
	s3 =	simm.s32 $0x0  }
0xb: {  	s9 =	ssub.s32 $0x2, s5;
	s11 =	smul.u32 $0xFA0, s5;
	s5 =	sor.u32 $0x1C03, s23  }
0xc: {  	s15 =	sadd.s32 $0x2700, s2;
	s14 =	sshrl.u32 @!p0 s14, $0x3;
	s23 =	simm.s32 $0x2CA0  }
0xd: {  	s4 =	smul.u32 $0x2710, s4;
	[smem:$0x7FF] =	sst s3;
	s22 =	sshrl.u32 s9, $0x1  }
0xe: {  	s12 =	sadd.s32 s6, s1;
	s13 =	sadd.s32 s6, s2;
	s15 =	sshrl.u32 @!p0 s15, $0x3  }
0xf: {  	_ =	strace $0x80000047;
	s24 =	sadd.s32 s11, s10;
	s11 =	sshrl.u32 s12, $0x3  }
0x10: {  	s12 =	simm.s32 $0x3;
	s13 =	sshrl.u32 s13, $0x3;
	s4 =	sshrl.u32 s4, $0x3  }
0x11: {  	s26 =	sshrl.u32 s24, $0x3;
	s24 =	sadd.s32 s25, s1;
	s25 =	sadd.s32 s25, s2  }
0x12: {  	s8 =	sadd.s32 s4, s0;
	s4 =	sadd.s32 $0x15600, s0;
	s0 =	ssub.s32 s9, s22  }
0x13: {  	s7 =	sadd.s32 s7, s26;
	s22 =	simm.s32 $0x590;
	s24 =	sshrl.u32 @!p1 s24, $0x3  }
0x14: {  	s25 =	sshrl.u32 @!p1 s25, $0x3;
	s26 =	simm.s32 $0x5E0;
	s6 =	sadd.s32 $0x1C00, s8  }
0x15: {  	v0 =	vimm.f32 $1.000000000e+00;
	s8 =	sadd.s32 $0xB840, s8;
	s9 =	sadd.s32 $0xFA, s7;
	s10 =	smax.u32 s0, $0x1  }
.LBB2_1:
0x16: {  	[spmem:s11], [sflag:s5] =	dma.local [hbm:s4], $0x4E  }
0x17: {  	_ =	swait.ge [sflag:s12], $0x4E  }
0x18: {  	[sflag:s12] =	ssyncset.done $0x0  }
0x19: {  	[sflag:s12] =	ssyncadd.s32 $0xFFFFFFB2  }
0x1a: {  	[spmem:s13], [sflag:s5] =	dma.local [hbm:s4], $0x4E  }
0x1b: {  	_ =	swait.ge [sflag:s12], $0x4E  }
0x1c: {  	[sflag:s12] =	ssyncset.done $0x0  }
0x1d: {  	s0 =	simm.s32 @!p0 $0x3;
	[sflag:s12] =	ssyncadd.s32 $0xFFFFFFB2  }
0x1e: {  	[spmem:s14], [sflag:s5] =	dma.local @!p0 [hbm:s4], $0x2  }
0x1f: {  	_ =	swait.ge @!p0 [sflag:s0], $0x2  }
0x20: {  	[sflag:s0] =	ssyncset.done @!p0 $0x0  }
0x21: {  	[sflag:s0] =	ssyncadd.s32 @!p0 $0xFFFFFFFE  }
0x22: {  	[spmem:s15], [sflag:s5] =	dma.local @!p0 [hbm:s4], $0x2  }
0x23: {  	_ =	swait.ge @!p0 [sflag:s0], $0x2  }
0x24: {  	[sflag:s0] =	ssyncset.done @!p0 $0x0  }
0x25: {  	[sflag:s0] =	ssyncadd.s32 @!p0 $0xFFFFFFFE  }
0x26: {  	[tilespmem:s16], [sflag:$0x3] =	stream.linear.gather [hbm4b:s6+s3], $0x2710, $0x38;
	[tilespmem:$0x5360] =	vst v63  }
0x27: {  	_ =	swait.ge [sflag:s12], $0x2710  }
0x28: {  	[sflag:s12] =	ssyncset.done $0x0  }
0x29: {  	[sflag:s12] =	ssyncadd.s32 $0xFFFFD8F0  }
0x2a: {  	[tilespmem:s17], [sflag:$0x3] =	stream.linear.gather [hbm4b:s8+s3], $0x2710, $0x38;
	[tilespmem:$0x5360] =	vst v63  }
0x2b: {  	_ =	swait.ge [sflag:s12], $0x2710  }
0x2c: {  	[sflag:s12] =	ssyncset.done $0x0  }
0x2d: {  	[sflag:s12] =	ssyncadd.s32 $0xFFFFD8F0  }
0x2e: {  	[tilespmem:$0x5310] =	vst v0  }
0x2f: {  	[tilespmem:$0x5320] =	vst v0  }
0x30: {  	[tilespmem:$0x5330] =	vst v0  }
0x31: {  	[tilespmem:$0x5340] =	vst v0  }
0x32: {  	[tilespmem:$0x5350] =	vst v0  }
0x33: {  	[bflag:$0x0] =	sbarrier.arrive $0xFFFF  }
0x34: {  	[spmem:s1] =	stream.indirect.scatter.add.f32 [tilespmem:s19], [sflag:$0x1], $0x1, s16, s18, $0xb8;
	[tilespmem:$0x5360] =	vst v63  }
0x35: {  	_ = 	snop  }
0x36: {  	[spmem:s2] =	stream.indirect.scatter.add.f32 [tilespmem:s19], [sflag:$0x2], $0x1, s17, s18, $0xb8;
	[tilespmem:$0x5360] =	vst v63  }
0x37: {  	s21 =	simm.s32 $0x540  }
0x38: {  	[spmem:s1] =	stream.indirect.scatter.add.f32 [tilespmem:s19], [sflag:$0x1], $0x1, s21, s18, $0xb8;
	[tilespmem:$0x5360] =	vst v63  }
0x39: {  	s20 =	simm.s32 $0x2C50  }
0x3a: {  	[spmem:s2] =	stream.indirect.scatter.add.f32 [tilespmem:s19], [sflag:$0x2], $0x1, s20, s18, $0xb8;
	[tilespmem:$0x5360] =	vst v63  }
0x3b: {  	_ = 	snop  }
0x3c: {  	[spmem:s1] =	stream.indirect.scatter.add.f32 [tilespmem:s19], [sflag:$0x1], $0x1, s22, s18, $0xb8;
	[tilespmem:$0x5360] =	vst v63  }
0x3d: {  	_ = 	snop  }
0x3e: {  	[spmem:s2] =	stream.indirect.scatter.add.f32 [tilespmem:s19], [sflag:$0x2], $0x1, s23, s18, $0xb8;
	[tilespmem:$0x5360] =	vst v63  }
0x3f: {  	_ = 	snop  }
0x40: {  	[spmem:s1] =	stream.indirect.scatter.add.f32 [tilespmem:s19], [sflag:$0x1], $0x1, s26, s18, $0xb8;
	[tilespmem:$0x5360] =	vst v63  }
0x41: {  	_ = 	snop  }
0x42: {  	[spmem:s2] =	stream.indirect.scatter.add.f32 [tilespmem:s19], [sflag:$0x2], $0x1, s28, s18, $0xb8;
	[tilespmem:$0x5360] =	vst v63  }
0x43: {  	_ =	swait.ge [sflag:s29], $0x50  }
0x44: {  	[sflag:s29] =	ssyncset.done $0x0  }
0x45: {  	[sflag:s29] =	ssyncadd.s32 $0xFFFFFFB0  }
0x46: {  	_ =	swait.ge [sflag:s30], $0x50  }
0x47: {  	s0 =	simm.s32 $0x640;
	[sflag:s30] =	ssyncset.done $0x0  }
0x48: {  	s21 =	simm.s32 $0x630;
	s20 =	simm.s32 $0x2D40;
	[sflag:s30] =	ssyncadd.s32 $0xFFFFFFB0  }
0x49: {  	[spmem:s1] =	stream.indirect.scatter.add.f32 [tilespmem:s19], [sflag:$0x1], $0x1, s21, s18, $0xb8;
	[tilespmem:$0x5360] =	vst v63  }
.LBB2_2:
0x4a: {  	[spmem:s2] =	stream.indirect.scatter.add.f32 [tilespmem:s19], [sflag:$0x2], $0x1, s20, s18, $0xb8;
	[tilespmem:$0x5360] =	vst v63  }
0x4b: {  	s20 =	smov.u32 s0  }
0x4c: {  	p2 =	sne.s32 s0, $0x9B00;
	s0 =	sadd.s32 $0x140, s0;
	_ =	swait.ge [sflag:s29], $0x50  }
0x4d: {  	[sflag:s29] =	ssyncset.done $0x0  }
0x4e: {  	[sflag:s29] =	ssyncadd.s32 $0xFFFFFFB0  }
.Ltmp0:
0x4f: {  	_ =	swait.ge [sflag:s30], $0x50;
	(pc) =	sbr.rel @p2 .LBB2_2-.Ltmp0, $4  }
0x50: {  	s20 =	sshra.s32 s20, $0x2;
	[sflag:s30] =	ssyncset.done $0x0  }
0x51: {  	s21 =	sadd.s32 $0x4F0, s20;
	[sflag:s30] =	ssyncadd.s32 $0xFFFFFFB0  }
0x52: {  	[spmem:s1] =	stream.indirect.scatter.add.f32 [tilespmem:s19], [sflag:$0x1], $0x1, s21, s18, $0xb8;
	[tilespmem:$0x5360] =	vst v63  }
0x53: {  	s20 =	sadd.s32 $0x2C00, s20  }
0x54: {  	[spmem:s2] =	stream.indirect.scatter.add.f32 [tilespmem:s19], [sflag:$0x2], $0x1, s20, s18, $0xb8;
	[tilespmem:$0x5360] =	vst v63  }
0x55: {  	_ =	swait.ge [sflag:s29], $0x50  }
0x56: {  	[sflag:s29] =	ssyncset.done $0x0  }
0x57: {  	[sflag:s29] =	ssyncadd.s32 $0xFFFFFFB0  }
0x58: {  	_ =	swait.ge [sflag:s30], $0x50  }
0x59: {  	[sflag:s30] =	ssyncset.done $0x0  }
0x5a: {  	[sflag:s30] =	ssyncadd.s32 $0xFFFFFFB0  }
0x5b: {  	_ =	swait.ge [sflag:s29], $0x50  }
0x5c: {  	[sflag:s29] =	ssyncset.done $0x0  }
0x5d: {  	[sflag:s29] =	ssyncadd.s32 $0xFFFFFFB0  }
0x5e: {  	_ =	swait.ge [sflag:s30], $0x50  }
0x5f: {  	[sflag:s30] =	ssyncset.done $0x0  }
0x60: {  	[sflag:s30] =	ssyncadd.s32 $0xFFFFFFB0  }
0x61: {  	_ =	swait.ge [sflag:s29], $0x50  }
0x62: {  	[sflag:s29] =	ssyncset.done $0x0  }
0x63: {  	[sflag:s29] =	ssyncadd.s32 $0xFFFFFFB0  }
0x64: {  	_ =	swait.ge [sflag:s30], $0x50  }
0x65: {  	[sflag:s30] =	ssyncset.done $0x0  }
0x66: {  	[sflag:s30] =	ssyncadd.s32 $0xFFFFFFB0  }
0x67: {  	_ =	swait.ge [sflag:s29], $0x50  }
0x68: {  	[sflag:s29] =	ssyncset.done $0x0  }
0x69: {  	[sflag:s29] =	ssyncadd.s32 $0xFFFFFFB0  }
0x6a: {  	_ =	swait.ge [sflag:s30], $0x50  }
0x6b: {  	[sflag:s30] =	ssyncset.done $0x0  }
0x6c: {  	[sflag:s30] =	ssyncadd.s32 $0xFFFFFFB0  }
0x6d: {  	s0 =	simm.s32 @!p1 $0x3;
	[bflag:$0x0] =	sbarrier.arrive $0xFFFF  }
0x6e: {  	[hbm:s7], [sflag:s5] =	dma.local @!p1 [spmem:s24], $0xFA  }
0x6f: {  	s31 =	sadd.s32 $0x1, s31;
	_ =	swait.ge @!p1 [sflag:s0], $0xFA  }
0x70: {  	p2 =	sne.s32 s31, s10;
	[sflag:s0] =	ssyncset.done @!p1 $0x0  }
.Ltmp1:
0x71: {  	[sflag:s0] =	ssyncadd.s32 @!p1 $0xFFFFFF06;
	(pc) =	sbr.rel @p2 .LBB2_1-.Ltmp1, $4  }
0x72: {  	[hbm:s9], [sflag:s5] =	dma.local @!p1 [spmem:s25], $0xFA  }
0x73: {  	_ =	swait.ge @!p1 [sflag:s0], $0xFA  }
0x74: {  	[sflag:s0] =	ssyncset.done @!p1 $0x0  }
0x75: {  	[sflag:s0] =	ssyncadd.s32 @!p1 $0xFFFFFF06  }
0x76: {  	_ =	sfence.sel $0x180000  }
0x77: {  	[bflag:$0x0] =	sbarrier.arrive $0xFFFF  }
0x78: {  	_ =	strace $0x90000047  }
0x79: {  	[bflag:$0x2] =	sbarrier.arrive $0xFFFF  }
0x7a: {  	s0 =	rddreg [dreg:$0x4]  }
0x7b: {  	s0 =	sadd.s32 @!p0 $0x100000, s0  }
0x7c: {  	[sflag:s0] =	ssyncadd.tile.s32 @!p0 $0x1;
	_ =	shalt  }
.Lfunc_end2:
_tile_overlayer_lowered:
.L_overlay_start_2:
0x7d: {  	(tag) =	ssettag $0x2  }
0x7e: {  	s0 =	rddreg [dreg:$0x0];
	s2 =	stileid.u32  }
0x7f: {  	s1 =	rddreg [dreg:$0x1];
	p0 =	sne.s32 s2, $0x0  }
0x80: {  	s3 =	rddreg [dreg:$0x2];
	[bflag:$0x3] =	sbarrier.arrive $0xFFFF;
	s2 =	simm.s32 @!p0 $0x1C03  }
0x81: {  	[timem:s3], [sflag:s2] =	dma.local @!p0 [hbm:s0], s1  }
0x82: {  	s0 =	simm.s32 @!p0 $0x3  }
0x83: {  	_ =	swait.ge @!p0 [sflag:s0], s1  }
0x84: {  	s1 =	ssub.s32 @!p0 $0x0, s1;
	[sflag:s0] =	ssyncset.done @!p0 $0x0  }
0x85: {  	[sflag:s0] =	ssyncadd.s32 @!p0 s1  }
0x86: {  	[bflag:$0x3] =	sbarrier.arrive $0xFFFF  }
0x87: {  	_ =	shalt  }

</sc_bundles>
